<compile_context>
chip_gen: v7x
topology: tpu7x:2x2x1
jax: 0.10.2.dev20260603
libtpu: 0.0.44.dev20260713+nightly
codegen_flags: <defaults>
</compile_context>

<pallas_src>
import functools

import jax
import jax.numpy as jnp
from jax import lax
from jax.experimental import pallas as pl
from jax.experimental.pallas import tpu as pltpu
from jax.experimental.pallas import tpu_sc as plsc

B = 1024
D = 128
NC = 2
NS = 16
NW = NC * NS
G = 128
JUNK = B
ACC_ROWS = 1152
RPT = ACC_ROWS // NS
OPT = B // NS


def _sc_aggregate(x_l, e_l, x_r, e_r):
    E = e_l.shape[0] // 2
    EPW = E // NW
    NV = EPW // 16
    MAXM = EPW + G

    mesh = plsc.VectorSubcoreMesh(
        core_axis_name="c", subcore_axis_name="s",
        num_cores=NC, num_subcores=NS)

    @functools.partial(
        pl.kernel,
        out_type=(
            jax.ShapeDtypeStruct((NC * B, D), jnp.float32),
            jax.ShapeDtypeStruct((NW * B,), jnp.float32),
            jax.ShapeDtypeStruct((NC * B, D), jnp.float32),
            jax.ShapeDtypeStruct((NW * B,), jnp.float32),
        ),
        mesh=mesh,
        compiler_params=pltpu.CompilerParams(needs_layout_passes=False),
        scratch_types=[
            pltpu.VMEM((EPW,), jnp.int32),
            pltpu.VMEM((EPW,), jnp.int32),
            pltpu.VMEM((MAXM,), jnp.int32),
            pltpu.VMEM((MAXM,), jnp.int32),
            pltpu.VMEM((G,), jnp.int32),
            pltpu.VMEM((G,), jnp.int32),
            pltpu.VMEM((G, D), jnp.float32),
            pltpu.VMEM((G,), jnp.int32),
            pltpu.VMEM((G,), jnp.int32),
            pltpu.VMEM((G, D), jnp.float32),
            pltpu.VMEM((G,), jnp.int32),
            pltpu.VMEM((G,), jnp.int32),
            pltpu.VMEM((G, D), jnp.float32),
            pltpu.VMEM((G,), jnp.int32),
            pltpu.VMEM((G,), jnp.int32),
            pltpu.VMEM((G, D), jnp.float32),
            pltpu.VMEM((B,), jnp.float32),
            pltpu.VMEM((((EPW // 16 + 15) // 16) * 16,), jnp.int32),
            pltpu.VMEM((((EPW // 16 + 15) // 16) * 16,), jnp.int32),
            pltpu.VMEM_SHARED((ACC_ROWS, D), jnp.float32),
            pltpu.VMEM_SHARED((ACC_ROWS, D), jnp.float32),
            pltpu.SemaphoreType.DMA,
            pltpu.SemaphoreType.DMA,
            pltpu.SemaphoreType.DMA,
            pltpu.SemaphoreType.DMA,
            pltpu.SemaphoreType.DMA,
            pltpu.SemaphoreType.DMA,
        ],
    )
    def sc_kernel(xl_hbm, el_hbm, xr_hbm, er_hbm,
                  accl_hbm, degl_hbm, accr_hbm, degr_hbm,
                  dstv, srcv, mdst, msrc, gdst0, gsrc0, rows0,
                  gdst1, gsrc1, rows1, gdst2, gsrc2, rows2,
                  gdst3, gsrc3, rows3, degv, cnts, bases,
                  acc_l, acc_r, gsem0, gsem1, gsem2, gsem3, esem0, esem1):
        cid = lax.axis_index("c")
        sid = lax.axis_index("s")
        wid = sid * NC + cid
        base = wid * EPW

        def fire_edges(e_hbm):
            pltpu.async_copy(e_hbm.at[pl.ds(E + base, EPW)], dstv, esem0)
            pltpu.async_copy(e_hbm.at[pl.ds(base, EPW)], srcv, esem1)

        def wait_edges(e_hbm):
            pltpu.make_async_copy(
                e_hbm.at[pl.ds(E + base, EPW)], dstv, esem0).wait()
            pltpu.make_async_copy(
                e_hbm.at[pl.ds(base, EPW)], srcv, esem1).wait()

        fire_edges(el_hbm)

        ones16 = jnp.ones((16,), jnp.float32)
        zeros16 = jnp.zeros((16,), jnp.float32)
        lane15 = jnp.full((16,), 15, jnp.int32)
        bufs = ((gdst0, gsrc0, rows0, gsem0), (gdst1, gsrc1, rows1, gsem1),
                (gdst2, gsrc2, rows2, gsem2), (gdst3, gsrc3, rows3, gsem3))
        NBUF = len(bufs)

        @plsc.parallel_loop(0, RPT * (D // 16), unroll=4)
        def zrow(i):
            rows0[i // 8, pl.ds((i % 8) * 16, 16)] = zeros16

        r0 = sid * RPT
        pltpu.sync_copy(rows0.at[pl.ds(0, RPT)], acc_l.at[pl.ds(r0, RPT)])
        pltpu.sync_copy(rows0.at[pl.ds(0, RPT)], acc_r.at[pl.ds(r0, RPT)])
        plsc.subcore_barrier()

        def process(x_hbm, e_hbm, acc_sh, deg_hbm, e_next):
            wait_edges(e_hbm)

            @plsc.parallel_loop(0, B // 16, unroll=4)
            def zdeg(i):
                degv[pl.ds(i * 16, 16)] = zeros16

            NVC = (NV + 15) // 16
            iota16 = lax.iota(jnp.int32, 16)
            mask0 = iota16 == 0
            zi16 = jnp.zeros((16,), jnp.int32)
            cnts[pl.ds(16 * (NVC - 1), 16)] = zi16

            @plsc.parallel_loop(0, NV, unroll=4)
            def count(i):
                d = dstv[pl.ds(i * 16, 16)]
                c = plsc.all_reduce_population_count(d < B)
                plsc.store_scatter(cnts, [zi16 + i], c, mask=mask0)

            def scanchunk(j, carry):
                v = cnts[pl.ds(j * 16, 16)]
                sc = plsc.cumsum(v)
                bases[pl.ds(j * 16, 16)] = carry + sc - v
                last = lax.gather(
                    sc, lane15[:, None],
                    lax.GatherDimensionNumbers(
                        offset_dims=(), collapsed_slice_dims=(0,),
                        start_index_map=(0,)),
                    slice_sizes=(1,),
                    mode=lax.GatherScatterMode.PROMISE_IN_BOUNDS)
                return carry + last

            off = lax.fori_loop(0, NVC, scanchunk, jnp.zeros((16,), jnp.int32))
            m = off[0]

            @plsc.parallel_loop(0, NV, unroll=2)
            def emit(i):
                d = dstv[pl.ds(i * 16, 16)]
                s = srcv[pl.ds(i * 16, 16)]
                mask = d < B
                scan = plsc.cumsum(mask.astype(jnp.int32))
                base = plsc.load_gather(bases, [zi16 + i])
                pos = base + scan - 1
                plsc.store_scatter(mdst, [pos], d, mask=mask)
                plsc.store_scatter(msrc, [pos], s, mask=mask)
                plsc.addupdate_scatter(degv, [d], ones16, mask=mask)

            def pad(j, _):
                mdst[pl.ds(m + j * 16, 16)] = jnp.full((16,), JUNK, jnp.int32)
                msrc[pl.ds(m + j * 16, 16)] = jnp.zeros((16,), jnp.int32)
                return 0

            lax.fori_loop(0, G // 16, pad, 0)

            if e_next is not None:
                fire_edges(e_next)

            ng = (m + G - 1) // G

            def stage(g, gd, gs):
                @plsc.parallel_loop(0, G // 16, unroll=4)
                def cpy(j):
                    gd[pl.ds(j * 16, 16)] = mdst[pl.ds(g * G + j * 16, 16)]
                    gs[pl.ds(j * 16, 16)] = msrc[pl.ds(g * G + j * 16, 16)]

            for b in range(NBUF):
                gd, gs, rw, sem = bufs[b]

                @pl.when(b < ng)
                def _():
                    stage(b, gd, gs)
                    pltpu.async_copy(x_hbm.at[gs], rw, sem)

            def ring(p, _):
                for b in range(NBUF):
                    g = NBUF * p + b
                    gd, gs, rw, sem = bufs[b]

                    @pl.when(g < ng)
                    def _():
                        pltpu.make_async_copy(x_hbm.at[gs], rw, sem).wait()
                        pltpu.sync_copy(rw, acc_sh.at[gd], add=True)

                        @pl.when(g + NBUF < ng)
                        def _():
                            stage(g + NBUF, gd, gs)
                            pltpu.async_copy(x_hbm.at[gs], rw, sem)

                return 0

            lax.fori_loop(0, (ng + NBUF - 1) // NBUF, ring, 0)

            pltpu.sync_copy(degv, deg_hbm.at[pl.ds(wid * B, B)])

        process(xl_hbm, el_hbm, acc_l, degl_hbm, er_hbm)
        process(xr_hbm, er_hbm, acc_r, degr_hbm, None)
        plsc.subcore_barrier()

        o0 = sid * OPT
        ob = cid * B + o0
        pltpu.sync_copy(acc_l.at[pl.ds(o0, OPT)], accl_hbm.at[pl.ds(ob, OPT)])
        pltpu.sync_copy(acc_r.at[pl.ds(o0, OPT)], accr_hbm.at[pl.ds(ob, OPT)])

    return sc_kernel(x_l, e_l, x_r, e_r)


def _tc_body(xl, xr, accl, accr, degl, degr, ws, wn, lw, lb,
             logits_o, dist_o, embl_o, embr_o):
    ones_w = jnp.ones((NW, 1), jnp.float32)
    dims = (((0,), (0,)), ((), ()))
    dl = lax.dot_general(degl[...], ones_w, dims,
                         preferred_element_type=jnp.float32)
    dr = lax.dot_general(degr[...], ones_w, dims,
                         preferred_element_type=jnp.float32)
    aggl = accl[0:B, :] + accl[B:2 * B, :]
    aggr = accr[0:B, :] + accr[B:2 * B, :]
    meanl = aggl / jnp.maximum(dl, 1.0)
    meanr = aggr / jnp.maximum(dr, 1.0)
    embl = jax.nn.relu(
        jnp.dot(xl[...], ws[...], preferred_element_type=jnp.float32)
        + jnp.dot(meanl, wn[...], preferred_element_type=jnp.float32))
    embr = jax.nn.relu(
        jnp.dot(xr[...], ws[...], preferred_element_type=jnp.float32)
        + jnp.dot(meanr, wn[...], preferred_element_type=jnp.float32))
    dot = jnp.sum(embl * embr, axis=1, keepdims=True)
    nl = jnp.maximum(jnp.sqrt(jnp.sum(embl * embl, axis=1, keepdims=True)), 1e-8)
    nr = jnp.maximum(jnp.sqrt(jnp.sum(embr * embr, axis=1, keepdims=True)), 1e-8)
    dist = dot / (nl * nr)
    logits_o[...] = dist * lw[...] + lb[...]
    dist_o[...] = dist
    embl_o[...] = embl
    embr_o[...] = embr


def kernel(x_l, edge_index_l, x_r, edge_index_r, W_self, W_neigh, lin_W,
           lin_b, batch_size):
    del batch_size
    x_l = x_l.astype(jnp.float32)
    x_r = x_r.astype(jnp.float32)
    E = edge_index_l.shape[1]
    el = edge_index_l.astype(jnp.int32).reshape(2 * E)
    er = edge_index_r.astype(jnp.int32).reshape(2 * E)

    accl, degl, accr, degr = _sc_aggregate(x_l, el, x_r, er)

    full = lambda s: pl.BlockSpec(s, lambda i: (0,) * len(s))
    logits, dist, embl, embr = pl.pallas_call(
        _tc_body,
        grid=(1,),
        out_shape=(
            jax.ShapeDtypeStruct((B, 2), jnp.float32),
            jax.ShapeDtypeStruct((B, 1), jnp.float32),
            jax.ShapeDtypeStruct((B, D), jnp.float32),
            jax.ShapeDtypeStruct((B, D), jnp.float32),
        ),
        out_specs=(full((B, 2)), full((B, 1)), full((B, D)), full((B, D))),
        in_specs=[
            full((B, D)), full((B, D)),
            full((NC * B, D)), full((NC * B, D)),
            full((NW, B)), full((NW, B)),
            full((D, D)), full((D, D)),
            full((1, 2)), full((1, 2)),
        ],
    )(x_l, x_r, accl, accr, degl.reshape(NW, B), degr.reshape(NW, B),
      W_self, W_neigh, lin_W, lin_b.reshape(1, 2))

    return (logits, dist.reshape(B), embl, embr)

# --- scband reference (transcript-rebuilt; emitter-appended) ---
"""Pipeline reference for scband-link-prediction-module-5385888989309 (READ-ONLY COPY).

The authoritative reference and input builder live on the scoring server;
editing this copy changes nothing except your own understanding.
"""

import jax, jax.numpy as jnp
import numpy as np


def _sage_layer(x, edge_index, W_self, W_neigh):
    # Mean-aggregation GraphSAGE layer standing in for embedding_module
    num_nodes = x.shape[0]
    src = edge_index[0]
    dst = edge_index[1]
    msgs = jnp.take(x, src, axis=0)                                   # gather
    agg = jax.ops.segment_sum(msgs, dst, num_segments=num_nodes)       # scatter-add
    deg = jax.ops.segment_sum(jnp.ones_like(dst, dtype=x.dtype), dst, num_segments=num_nodes)
    mean = agg / jnp.clip(deg, 1.0, None)[:, None]
    return jax.nn.relu(x @ W_self + mean @ W_neigh)


def setup_inputs(seed: int = 0) -> dict:
    key = jax.random.key(seed)
    k1, k2, k3, k4, k5, k6, k7, k8 = jax.random.split(key, 8)
    n_nodes, n_edges, d = 10000, 320000, 128
    x_l = jax.random.normal(k1, (n_nodes, d), dtype=jnp.float32)
    x_r = jax.random.normal(k2, (n_nodes, d), dtype=jnp.float32)
    edge_index_l = jax.random.randint(k3, (2, n_edges), 0, n_nodes, dtype=jnp.int64)
    edge_index_r = jax.random.randint(k4, (2, n_edges), 0, n_nodes, dtype=jnp.int64)
    W_self = jax.random.normal(k5, (d, d), dtype=jnp.float32) * (1.0 / np.sqrt(d))
    W_neigh = jax.random.normal(k6, (d, d), dtype=jnp.float32) * (1.0 / np.sqrt(d))
    lin_W = jax.random.normal(k7, (1, 2), dtype=jnp.float32)  # torch Linear(1, 2) weight (transposed)
    lin_b = jax.random.normal(k8, (2,), dtype=jnp.float32)
    return {
        'x_l': x_l, 'edge_index_l': edge_index_l,
        'x_r': x_r, 'edge_index_r': edge_index_r,
        'W_self': W_self, 'W_neigh': W_neigh,
        'lin_W': lin_W, 'lin_b': lin_b,
        'batch_size': 1024,
    }


def reference(x_l, edge_index_l, x_r, edge_index_r, W_self, W_neigh, lin_W, lin_b, batch_size):
    # emb_l = embedding_module(batch_l)[node_type][:batch_size]
    start = batch_size - batch_size
    emb_l = jax.lax.dynamic_slice_in_dim(_sage_layer(x_l, edge_index_l, W_self, W_neigh), start, 1024, axis=0)
    emb_r = jax.lax.dynamic_slice_in_dim(_sage_layer(x_r, edge_index_r, W_self, W_neigh), start, 1024, axis=0)
    # torch.nn.CosineSimilarity(dim=1, eps=1e-8)
    dot = jnp.sum(emb_l * emb_r, axis=1)
    nl = jnp.maximum(jnp.linalg.norm(emb_l, axis=1), 1e-8)
    nr = jnp.maximum(jnp.linalg.norm(emb_r, axis=1), 1e-8)
    dist = dot / (nl * nr)
    # self.lin = torch.nn.Linear(1, 2)
    logits = dist[:, None] @ lin_W + lin_b
    return (logits, dist, emb_l, emb_r)

if __name__ == "__main__":
    import jax
    _d = setup_inputs()
    print(jax.jit(kernel)(*tuple(_d.values())))

</pallas_src>

<mosaic_0001>
#map = affine_map<(d0, d1) -> (0, 0)>
#map1 = affine_map<(d0, d1) -> (0)>
module attributes {stable_mosaic.version = 14 : i64} {
  func.func @sc_kernel(%arg0: i32, %arg1: i32, %arg2: memref<10000x128xf32, #tpu.memory_space<hbm>>, %arg3: memref<640000xi32, #tpu.memory_space<hbm>>, %arg4: memref<10000x128xf32, #tpu.memory_space<hbm>>, %arg5: memref<640000xi32, #tpu.memory_space<hbm>>, %arg6: memref<2048x128xf32, #tpu.memory_space<hbm>>, %arg7: memref<32768xf32, #tpu.memory_space<hbm>>, %arg8: memref<2048x128xf32, #tpu.memory_space<hbm>>, %arg9: memref<32768xf32, #tpu.memory_space<hbm>>, %arg10: memref<10000xi32, #tpu.memory_space<vmem>>, %arg11: memref<10000xi32, #tpu.memory_space<vmem>>, %arg12: memref<10128xi32, #tpu.memory_space<vmem>>, %arg13: memref<10128xi32, #tpu.memory_space<vmem>>, %arg14: memref<128xi32, #tpu.memory_space<vmem>>, %arg15: memref<128xi32, #tpu.memory_space<vmem>>, %arg16: memref<128x128xf32, #tpu.memory_space<vmem>>, %arg17: memref<128xi32, #tpu.memory_space<vmem>>, %arg18: memref<128xi32, #tpu.memory_space<vmem>>, %arg19: memref<128x128xf32, #tpu.memory_space<vmem>>, %arg20: memref<128xi32, #tpu.memory_space<vmem>>, %arg21: memref<128xi32, #tpu.memory_space<vmem>>, %arg22: memref<128x128xf32, #tpu.memory_space<vmem>>, %arg23: memref<128xi32, #tpu.memory_space<vmem>>, %arg24: memref<128xi32, #tpu.memory_space<vmem>>, %arg25: memref<128x128xf32, #tpu.memory_space<vmem>>, %arg26: memref<1024xf32, #tpu.memory_space<vmem>>, %arg27: memref<640xi32, #tpu.memory_space<vmem>>, %arg28: memref<640xi32, #tpu.memory_space<vmem>>, %arg29: memref<1152x128xf32, #tpu.memory_space<vmem_shared>>, %arg30: memref<1152x128xf32, #tpu.memory_space<vmem_shared>>, %arg31: memref<!tpu.dma_semaphore, #tpu.memory_space<semaphore_mem>>, %arg32: memref<!tpu.dma_semaphore, #tpu.memory_space<semaphore_mem>>, %arg33: memref<!tpu.dma_semaphore, #tpu.memory_space<semaphore_mem>>, %arg34: memref<!tpu.dma_semaphore, #tpu.memory_space<semaphore_mem>>, %arg35: memref<!tpu.dma_semaphore, #tpu.memory_space<semaphore_mem>>, %arg36: memref<!tpu.dma_semaphore, #tpu.memory_space<semaphore_mem>>) attributes {dimension_semantics = [#tpu.dimension_semantics<core_parallel>, #tpu.dimension_semantics<subcore_parallel>], iteration_bounds = array<i64: 2, 16>, scalar_prefetch = 0 : i64, scratch_operands = 27 : i64, tpu.core_type = #tpu.core_type<sc_vector_subcore>, window_params = [{transform_indices = #map}, {transform_indices = #map1}, {transform_indices = #map}, {transform_indices = #map1}, {transform_indices = #map}, {transform_indices = #map1}, {transform_indices = #map}, {transform_indices = #map1}]} {
    %mul3A = arith.constant 2 : i32
    %mul3A_0 = arith.muli %arg1, %mul3A : i32
    %add3A = arith.addi %mul3A_0, %arg0 : i32
    %mul3A_1 = arith.constant 10000 : i32
    %mul3A_2 = arith.muli %add3A, %mul3A_1 : i32
    %add3A_3 = arith.constant 320000 : i32
    %add3A_4 = arith.addi %add3A_3, %mul3A_2 : i32
    %dma_start3A = tpu.memref_slice %arg3[%add3A_4] : memref<640000xi32, #tpu.memory_space<hbm>> -> memref<10000xi32, #tpu.memory_space<hbm>>
    %dma_start3A_5 = tpu.memref_slice %arg3[%add3A_4] : memref<640000xi32, #tpu.memory_space<hbm>> -> memref<10000xi32, #tpu.memory_space<hbm>>
    tpu.enqueue_dma source(%dma_start3A_5 : memref<10000xi32, #tpu.memory_space<hbm>>) target(%arg10 : memref<10000xi32, #tpu.memory_space<vmem>>) target_semaphore(%arg35 : memref<!tpu.dma_semaphore, #tpu.memory_space<semaphore_mem>>)
    %dma_start3A_6 = tpu.memref_slice %arg3[%mul3A_2] : memref<640000xi32, #tpu.memory_space<hbm>> -> memref<10000xi32, #tpu.memory_space<hbm>>
    %dma_start3A_7 = tpu.memref_slice %arg3[%mul3A_2] : memref<640000xi32, #tpu.memory_space<hbm>> -> memref<10000xi32, #tpu.memory_space<hbm>>
    tpu.enqueue_dma source(%dma_start3A_7 : memref<10000xi32, #tpu.memory_space<hbm>>) target(%arg11 : memref<10000xi32, #tpu.memory_space<vmem>>) target_semaphore(%arg36 : memref<!tpu.dma_semaphore, #tpu.memory_space<semaphore_mem>>)
    %broadcast_in_dim3A = arith.constant 1.000000e+00 : f32
    %broadcast_in_dim3A_8 = vector.broadcast %broadcast_in_dim3A : f32 to vector<16xf32>
    %broadcast_in_dim3A_9 = arith.constant 0.000000e+00 : f32
    %broadcast_in_dim3A_10 = vector.broadcast %broadcast_in_dim3A_9 : f32 to vector<16xf32>
    %broadcast_in_dim3A_11 = arith.constant 15 : i32
    %broadcast_in_dim3A_12 = vector.broadcast %broadcast_in_dim3A_11 : i32 to vector<16xi32>
    %parallel_loop3A = arith.constant 0 : i32
    %parallel_loop3A_13 = arith.constant 576 : i32
    %parallel_loop3A_14 = arith.constant 1 : i32
    scf.for %parallel_loop3A_270 = %parallel_loop3A to %parallel_loop3A_13 step %parallel_loop3A_14  : i32 {
      %parallel_loop3A_271 = arith.constant 8 : i32
      %parallel_loop3A_272 = arith.divsi %parallel_loop3A_270, %parallel_loop3A_271 : i32
      %parallel_loop3A_273 = arith.constant 0 : i32
      %parallel_loop3A_274 = arith.cmpi sgt, %parallel_loop3A_270, %parallel_loop3A_273 : i32
      %parallel_loop3A_275 = arith.extui %parallel_loop3A_274 : i1 to i32
      %parallel_loop3A_276 = arith.constant 0 : i32
      %parallel_loop3A_277 = arith.cmpi slt, %parallel_loop3A_270, %parallel_loop3A_276 : i32
      %parallel_loop3A_278 = arith.extui %parallel_loop3A_277 : i1 to i32
      %parallel_loop3A_279 = arith.subi %parallel_loop3A_275, %parallel_loop3A_278 : i32
      %parallel_loop3A_280 = arith.constant 0 : i32
      %parallel_loop3A_281 = arith.cmpi sgt, %parallel_loop3A_271, %parallel_loop3A_280 : i32
      %parallel_loop3A_282 = arith.extui %parallel_loop3A_281 : i1 to i32
      %parallel_loop3A_283 = arith.constant 0 : i32
      %parallel_loop3A_284 = arith.cmpi slt, %parallel_loop3A_271, %parallel_loop3A_283 : i32
      %parallel_loop3A_285 = arith.extui %parallel_loop3A_284 : i1 to i32
      %parallel_loop3A_286 = arith.subi %parallel_loop3A_282, %parallel_loop3A_285 : i32
      %parallel_loop3A_287 = arith.cmpi ne, %parallel_loop3A_279, %parallel_loop3A_286 : i32
      %parallel_loop3A_288 = arith.remsi %parallel_loop3A_270, %parallel_loop3A_271 : i32
      %parallel_loop3A_289 = arith.constant 0 : i32
      %parallel_loop3A_290 = arith.cmpi ne, %parallel_loop3A_288, %parallel_loop3A_289 : i32
      %parallel_loop3A_291 = arith.andi %parallel_loop3A_287, %parallel_loop3A_290 : i1
      %parallel_loop3A_292 = arith.constant 1 : i32
      %parallel_loop3A_293 = arith.subi %parallel_loop3A_272, %parallel_loop3A_292 : i32
      %parallel_loop3A_294 = arith.select %parallel_loop3A_291, %parallel_loop3A_293, %parallel_loop3A_272 : i32
      %parallel_loop3A_295 = arith.constant 8 : i32
      %parallel_loop3A_296 = arith.constant 0 : i32
      %parallel_loop3A_297 = arith.cmpi eq, %parallel_loop3A_295, %parallel_loop3A_296 : i32
      %parallel_loop3A_298 = arith.constant 1 : i32
      %parallel_loop3A_299 = arith.select %parallel_loop3A_297, %parallel_loop3A_298, %parallel_loop3A_295 : i32
      %parallel_loop3A_300 = arith.remsi %parallel_loop3A_270, %parallel_loop3A_299 : i32
      %parallel_loop3A_301 = arith.constant 0 : i32
      %parallel_loop3A_302 = arith.cmpi ne, %parallel_loop3A_300, %parallel_loop3A_301 : i32
      %parallel_loop3A_303 = arith.constant 0 : i32
      %parallel_loop3A_304 = arith.cmpi slt, %parallel_loop3A_300, %parallel_loop3A_303 : i32
      %parallel_loop3A_305 = arith.constant 0 : i32
      %parallel_loop3A_306 = arith.cmpi slt, %parallel_loop3A_299, %parallel_loop3A_305 : i32
      %parallel_loop3A_307 = arith.xori %parallel_loop3A_304, %parallel_loop3A_306 : i1
      %parallel_loop3A_308 = arith.andi %parallel_loop3A_307, %parallel_loop3A_302 : i1
      %parallel_loop3A_309 = arith.addi %parallel_loop3A_300, %parallel_loop3A_299 : i32
      %parallel_loop3A_310 = arith.select %parallel_loop3A_308, %parallel_loop3A_309, %parallel_loop3A_300 : i32
      %parallel_loop3A_311 = arith.constant 16 : i32
      %parallel_loop3A_312 = arith.muli %parallel_loop3A_310, %parallel_loop3A_311 : i32
      %parallel_loop3A_313 = arith.index_cast %parallel_loop3A_294 : i32 to index
      %parallel_loop3A_314 = arith.index_cast %parallel_loop3A_312 : i32 to index
      %parallel_loop3A_315 = tpu.vector_load %arg16[%parallel_loop3A_313, %parallel_loop3A_314] {strides = array<i32>} : memref<128x128xf32, #tpu.memory_space<vmem>>, vector<16xf32>,
      tpu.vector_store %arg16[%parallel_loop3A_313, %parallel_loop3A_314], %broadcast_in_dim3A_10 {strides = array<i32>} : memref<128x128xf32, #tpu.memory_space<vmem>>, vector<16xf32>,
    } {sc.loop_unroll_factor = 4 : i64, sc.parallel_access}
    %mul3A_15 = arith.constant 72 : i32
    %mul3A_16 = arith.muli %arg1, %mul3A_15 : i32
    "tpu.region"() ({
      %run_scoped3A = tpu.sem_alloc : memref<!tpu.dma_semaphore, #tpu.memory_space<semaphore_mem>>
      %dma_start3A_270 = arith.constant 0 : i32
      %dma_start3A_271 = arith.constant 0 : i32
      %dma_start3A_272 = tpu.memref_slice %arg16[%dma_start3A_270, %dma_start3A_271] : memref<128x128xf32, #tpu.memory_space<vmem>> -> memref<72x128xf32, #tpu.memory_space<vmem>>
      %dma_start3A_273 = arith.constant 0 : i32
      %dma_start3A_274 = tpu.memref_slice %arg29[%mul3A_16, %dma_start3A_273] : memref<1152x128xf32, #tpu.memory_space<vmem_shared>> -> memref<72x128xf32, #tpu.memory_space<vmem_shared>>
      %dma_start3A_275 = arith.constant 0 : i32
      %dma_start3A_276 = tpu.memref_slice %arg29[%mul3A_16, %dma_start3A_275] : memref<1152x128xf32, #tpu.memory_space<vmem_shared>> -> memref<72x128xf32, #tpu.memory_space<vmem_shared>>
      %dma_start3A_277 = arith.constant 0 : i32
      %dma_start3A_278 = arith.constant 0 : i32
      %dma_start3A_279 = tpu.memref_slice %arg16[%dma_start3A_277, %dma_start3A_278] : memref<128x128xf32, #tpu.memory_space<vmem>> -> memref<72x128xf32, #tpu.memory_space<vmem>>
      tpu.enqueue_dma source(%dma_start3A_279 : memref<72x128xf32, #tpu.memory_space<vmem>>) target(%dma_start3A_276 : memref<72x128xf32, #tpu.memory_space<vmem_shared>>) target_semaphore(%run_scoped3A : memref<!tpu.dma_semaphore, #tpu.memory_space<semaphore_mem>>)
      %dma_wait3A_280 = arith.constant 0 : i32
      %dma_wait3A_281 = arith.constant 0 : i32
      %dma_wait3A_282 = tpu.memref_slice %arg16[%dma_wait3A_280, %dma_wait3A_281] : memref<128x128xf32, #tpu.memory_space<vmem>> -> memref<72x128xf32, #tpu.memory_space<vmem>>
      %dma_wait3A_283 = arith.constant 0 : i32
      %dma_wait3A_284 = tpu.memref_slice %arg29[%mul3A_16, %dma_wait3A_283] : memref<1152x128xf32, #tpu.memory_space<vmem_shared>> -> memref<72x128xf32, #tpu.memory_space<vmem_shared>>
      %dma_wait3A_285 = arith.constant 0 : i32
      %dma_wait3A_286 = tpu.memref_slice %arg29[%mul3A_16, %dma_wait3A_285] : memref<1152x128xf32, #tpu.memory_space<vmem_shared>> -> memref<72x128xf32, #tpu.memory_space<vmem_shared>>
      %dma_wait3A_287 = arith.constant 0 : i32
      %dma_wait3A_288 = arith.constant 0 : i32
      %dma_wait3A_289 = tpu.memref_slice %arg16[%dma_wait3A_287, %dma_wait3A_288] : memref<128x128xf32, #tpu.memory_space<vmem>> -> memref<72x128xf32, #tpu.memory_space<vmem>>
      tpu.wait_dma2 semaphore(%run_scoped3A : memref<!tpu.dma_semaphore, #tpu.memory_space<semaphore_mem>>) src(%dma_wait3A_289 : memref<72x128xf32, #tpu.memory_space<vmem>>) dst(%dma_wait3A_286 : memref<72x128xf32, #tpu.memory_space<vmem_shared>>)
      tpu.yield
    }) : () -> ()
    "tpu.region"() ({
      %run_scoped3A = tpu.sem_alloc : memref<!tpu.dma_semaphore, #tpu.memory_space<semaphore_mem>>
      %dma_start3A_270 = arith.constant 0 : i32
      %dma_start3A_271 = arith.constant 0 : i32
      %dma_start3A_272 = tpu.memref_slice %arg16[%dma_start3A_270, %dma_start3A_271] : memref<128x128xf32, #tpu.memory_space<vmem>> -> memref<72x128xf32, #tpu.memory_space<vmem>>
      %dma_start3A_273 = arith.constant 0 : i32
      %dma_start3A_274 = tpu.memref_slice %arg30[%mul3A_16, %dma_start3A_273] : memref<1152x128xf32, #tpu.memory_space<vmem_shared>> -> memref<72x128xf32, #tpu.memory_space<vmem_shared>>
      %dma_start3A_275 = arith.constant 0 : i32
      %dma_start3A_276 = tpu.memref_slice %arg30[%mul3A_16, %dma_start3A_275] : memref<1152x128xf32, #tpu.memory_space<vmem_shared>> -> memref<72x128xf32, #tpu.memory_space<vmem_shared>>
      %dma_start3A_277 = arith.constant 0 : i32
      %dma_start3A_278 = arith.constant 0 : i32
      %dma_start3A_279 = tpu.memref_slice %arg16[%dma_start3A_277, %dma_start3A_278] : memref<128x128xf32, #tpu.memory_space<vmem>> -> memref<72x128xf32, #tpu.memory_space<vmem>>
      tpu.enqueue_dma source(%dma_start3A_279 : memref<72x128xf32, #tpu.memory_space<vmem>>) target(%dma_start3A_276 : memref<72x128xf32, #tpu.memory_space<vmem_shared>>) target_semaphore(%run_scoped3A : memref<!tpu.dma_semaphore, #tpu.memory_space<semaphore_mem>>)
      %dma_wait3A_280 = arith.constant 0 : i32
      %dma_wait3A_281 = arith.constant 0 : i32
      %dma_wait3A_282 = tpu.memref_slice %arg16[%dma_wait3A_280, %dma_wait3A_281] : memref<128x128xf32, #tpu.memory_space<vmem>> -> memref<72x128xf32, #tpu.memory_space<vmem>>
      %dma_wait3A_283 = arith.constant 0 : i32
      %dma_wait3A_284 = tpu.memref_slice %arg30[%mul3A_16, %dma_wait3A_283] : memref<1152x128xf32, #tpu.memory_space<vmem_shared>> -> memref<72x128xf32, #tpu.memory_space<vmem_shared>>
      %dma_wait3A_285 = arith.constant 0 : i32
      %dma_wait3A_286 = tpu.memref_slice %arg30[%mul3A_16, %dma_wait3A_285] : memref<1152x128xf32, #tpu.memory_space<vmem_shared>> -> memref<72x128xf32, #tpu.memory_space<vmem_shared>>
      %dma_wait3A_287 = arith.constant 0 : i32
      %dma_wait3A_288 = arith.constant 0 : i32
      %dma_wait3A_289 = tpu.memref_slice %arg16[%dma_wait3A_287, %dma_wait3A_288] : memref<128x128xf32, #tpu.memory_space<vmem>> -> memref<72x128xf32, #tpu.memory_space<vmem>>
      tpu.wait_dma2 semaphore(%run_scoped3A : memref<!tpu.dma_semaphore, #tpu.memory_space<semaphore_mem>>) src(%dma_wait3A_289 : memref<72x128xf32, #tpu.memory_space<vmem>>) dst(%dma_wait3A_286 : memref<72x128xf32, #tpu.memory_space<vmem_shared>>)
      tpu.yield
    }) : () -> ()
    %barrier3A = arith.constant 0 : index
    tpu.barrier barrier_id(%barrier3A)
    %add3A_17 = arith.constant 320000 : i32
    %add3A_18 = arith.addi %add3A_17, %mul3A_2 : i32
    %dma_wait3A = tpu.memref_slice %arg3[%add3A_18] : memref<640000xi32, #tpu.memory_space<hbm>> -> memref<10000xi32, #tpu.memory_space<hbm>>
    %dma_wait3A_19 = tpu.memref_slice %arg3[%add3A_18] : memref<640000xi32, #tpu.memory_space<hbm>> -> memref<10000xi32, #tpu.memory_space<hbm>>
    tpu.wait_dma2 semaphore(%arg35 : memref<!tpu.dma_semaphore, #tpu.memory_space<semaphore_mem>>) src(%dma_wait3A_19 : memref<10000xi32, #tpu.memory_space<hbm>>) dst(%arg10 : memref<10000xi32, #tpu.memory_space<vmem>>)
    %dma_wait3A_20 = tpu.memref_slice %arg3[%mul3A_2] : memref<640000xi32, #tpu.memory_space<hbm>> -> memref<10000xi32, #tpu.memory_space<hbm>>
    %dma_wait3A_21 = tpu.memref_slice %arg3[%mul3A_2] : memref<640000xi32, #tpu.memory_space<hbm>> -> memref<10000xi32, #tpu.memory_space<hbm>>
    tpu.wait_dma2 semaphore(%arg36 : memref<!tpu.dma_semaphore, #tpu.memory_space<semaphore_mem>>) src(%dma_wait3A_21 : memref<10000xi32, #tpu.memory_space<hbm>>) dst(%arg11 : memref<10000xi32, #tpu.memory_space<vmem>>)
    %parallel_loop3A_22 = arith.constant 0 : i32
    %parallel_loop3A_23 = arith.constant 64 : i32
    %parallel_loop3A_24 = arith.constant 1 : i32
    scf.for %parallel_loop3A_270 = %parallel_loop3A_22 to %parallel_loop3A_23 step %parallel_loop3A_24  : i32 {
      %parallel_loop3A_271 = arith.constant 16 : i32
      %parallel_loop3A_272 = arith.muli %parallel_loop3A_270, %parallel_loop3A_271 : i32
      %parallel_loop3A_273 = arith.index_cast %parallel_loop3A_272 : i32 to index
      %parallel_loop3A_274 = tpu.vector_load %arg26[%parallel_loop3A_273] {strides = array<i32>} : memref<1024xf32, #tpu.memory_space<vmem>>, vector<16xf32>,
      tpu.vector_store %arg26[%parallel_loop3A_273], %broadcast_in_dim3A_10 {strides = array<i32>} : memref<1024xf32, #tpu.memory_space<vmem>>, vector<16xf32>,
    } {sc.loop_unroll_factor = 4 : i64, sc.parallel_access}
    %iota3A = tpu.iota {dimensions = array<i32: 0>} : vector<16xi32>
    %eq3A = arith.constant 0 : i32
    %eq3A_25 = vector.broadcast %eq3A : i32 to vector<16xi32>
    %eq3A_26 = arith.cmpi eq, %iota3A, %eq3A_25 : vector<16xi32>
    %broadcast_in_dim3A_27 = arith.constant 0 : i32
    %broadcast_in_dim3A_28 = vector.broadcast %broadcast_in_dim3A_27 : i32 to vector<16xi32>
    %swap3A = arith.constant 624 : index
    %swap3A_29 = tpu.vector_load %arg27[%swap3A] {strides = array<i32>} : memref<640xi32, #tpu.memory_space<vmem>>, vector<16xi32>,
    tpu.vector_store %arg27[%swap3A], %broadcast_in_dim3A_28 {strides = array<i32>} : memref<640xi32, #tpu.memory_space<vmem>>, vector<16xi32>,
    %parallel_loop3A_30 = arith.constant 0 : i32
    %parallel_loop3A_31 = arith.constant 625 : i32
    %parallel_loop3A_32 = arith.constant 1 : i32
    scf.for %parallel_loop3A_270 = %parallel_loop3A_30 to %parallel_loop3A_31 step %parallel_loop3A_32  : i32 {
      %parallel_loop3A_271 = arith.constant 16 : i32
      %parallel_loop3A_272 = arith.muli %parallel_loop3A_270, %parallel_loop3A_271 : i32
      %parallel_loop3A_273 = arith.index_cast %parallel_loop3A_272 : i32 to index
      %parallel_loop3A_274 = tpu.vector_load %arg10[%parallel_loop3A_273] {strides = array<i32>} : memref<10000xi32, #tpu.memory_space<vmem>>, vector<16xi32>,
      %parallel_loop3A_275 = arith.constant 1024 : i32
      %parallel_loop3A_276 = vector.broadcast %parallel_loop3A_275 : i32 to vector<16xi32>
      %parallel_loop3A_277 = arith.cmpi slt, %parallel_loop3A_274, %parallel_loop3A_276 : vector<16xi32>
      %parallel_loop3A_278 = tpu.all_reduce %parallel_loop3A_277 {dim = 0 : i64, kind = #tpu.reduction_kind<sum>} : vector<16xi1> -> vector<16xi32>
      %parallel_loop3A_279 = vector.broadcast %parallel_loop3A_270 : i32 to vector<16xi32>
      %parallel_loop3A_280 = arith.addi %broadcast_in_dim3A_28, %parallel_loop3A_279 : vector<16xi32>
      tpu.vector_store_idx %arg27[%parallel_loop3A_280], %parallel_loop3A_278 masked %eq3A_26 : memref<640xi32, #tpu.memory_space<vmem>>[vector<16xi32>], vector<16xi32>, vector<16xi1>
    } {sc.loop_unroll_factor = 4 : i64, sc.parallel_access}
    %broadcast_in_dim3A_33 = arith.constant 0 : i32
    %broadcast_in_dim3A_34 = vector.broadcast %broadcast_in_dim3A_33 : i32 to vector<16xi32>
    %scan3A = arith.constant 0 : i32
    %scan3A_35 = arith.constant 40 : i32
    %scan3A_36 = arith.addi %scan3A, %scan3A_35 : i32
    %scan3A_37 = arith.constant 1 : i32
    %scan3A_38 = scf.for %scan3A_270 = %scan3A to %scan3A_36 step %scan3A_37 iter_args(%scan3A_271 = %broadcast_in_dim3A_34) -> (vector<16xi32>)  : i32 {
      %mul3A_272 = arith.constant 16 : i32
      %mul3A_273 = arith.muli %scan3A_270, %mul3A_272 : i32
      %get3A = arith.index_cast %mul3A_273 : i32 to index
      %get3A_274 = tpu.vector_load %arg27[%get3A] {strides = array<i32>} : memref<640xi32, #tpu.memory_space<vmem>>, vector<16xi32>,
      %broadcast_in_dim3A_275 = arith.constant true
      %broadcast_in_dim3A_276 = vector.broadcast %broadcast_in_dim3A_275 : i1 to vector<16xi1>
      %masked_cumsum3A = tpu.scan <sum>, %get3A_274 masked %broadcast_in_dim3A_276 : vector<16xi32>, vector<16xi1> -> vector<16xi32>
      %add3A_277 = arith.addi %scan3A_271, %masked_cumsum3A : vector<16xi32>
      %sub3A_278 = arith.subi %add3A_277, %get3A_274 : vector<16xi32>
      %mul3A_279 = arith.constant 16 : i32
      %mul3A_280 = arith.muli %scan3A_270, %mul3A_279 : i32
      %swap3A_281 = arith.index_cast %mul3A_280 : i32 to index
      %swap3A_282 = tpu.vector_load %arg28[%swap3A_281] {strides = array<i32>} : memref<640xi32, #tpu.memory_space<vmem>>, vector<16xi32>,
      tpu.vector_store %arg28[%swap3A_281], %sub3A_278 {strides = array<i32>} : memref<640xi32, #tpu.memory_space<vmem>>, vector<16xi32>,
      %broadcast_in_dim3A_283 = vector.shape_cast %broadcast_in_dim3A_12 : vector<16xi32> to vector<16x1xi32>
      %gather3A = vector.shape_cast %broadcast_in_dim3A_283 : vector<16x1xi32> to vector<16xi32>
      %gather3A_284 = tpu.dynamic_gather %masked_cumsum3A[%gather3A] in [0] : vector<16xi32>, vector<16xi32> -> vector<16xi32>
      %add3A_285 = arith.addi %scan3A_271, %gather3A_284 : vector<16xi32>
      scf.yield %add3A_285 : vector<16xi32>
    }
    %scan3A_39 = arith.constant 40 : i32
    %slice3A = vector.extract_strided_slice %scan3A_38 {offsets = [0], sizes = [1], strides = [1]} : vector<16xi32> to vector<1xi32>
    %squeeze3A = vector.extract %slice3A[0] : i32 from vector<1xi32>
    %parallel_loop3A_40 = arith.constant 0 : i32
    %parallel_loop3A_41 = arith.constant 625 : i32
    %parallel_loop3A_42 = arith.constant 1 : i32
    scf.for %parallel_loop3A_270 = %parallel_loop3A_40 to %parallel_loop3A_41 step %parallel_loop3A_42  : i32 {
      %parallel_loop3A_271 = arith.constant 16 : i32
      %parallel_loop3A_272 = arith.muli %parallel_loop3A_270, %parallel_loop3A_271 : i32
      %parallel_loop3A_273 = arith.index_cast %parallel_loop3A_272 : i32 to index
      %parallel_loop3A_274 = tpu.vector_load %arg10[%parallel_loop3A_273] {strides = array<i32>} : memref<10000xi32, #tpu.memory_space<vmem>>, vector<16xi32>,
      %parallel_loop3A_275 = arith.constant 16 : i32
      %parallel_loop3A_276 = arith.muli %parallel_loop3A_270, %parallel_loop3A_275 : i32
      %parallel_loop3A_277 = arith.index_cast %parallel_loop3A_276 : i32 to index
      %parallel_loop3A_278 = tpu.vector_load %arg11[%parallel_loop3A_277] {strides = array<i32>} : memref<10000xi32, #tpu.memory_space<vmem>>, vector<16xi32>,
      %parallel_loop3A_279 = arith.constant 1024 : i32
      %parallel_loop3A_280 = vector.broadcast %parallel_loop3A_279 : i32 to vector<16xi32>
      %parallel_loop3A_281 = arith.cmpi slt, %parallel_loop3A_274, %parallel_loop3A_280 : vector<16xi32>
      %parallel_loop3A_282 = arith.extui %parallel_loop3A_281 : vector<16xi1> to vector<16xi32>
      %parallel_loop3A_283 = arith.constant true
      %parallel_loop3A_284 = vector.broadcast %parallel_loop3A_283 : i1 to vector<16xi1>
      %parallel_loop3A_285 = tpu.scan <sum>, %parallel_loop3A_282 masked %parallel_loop3A_284 : vector<16xi32>, vector<16xi1> -> vector<16xi32>
      %parallel_loop3A_286 = vector.broadcast %parallel_loop3A_270 : i32 to vector<16xi32>
      %parallel_loop3A_287 = arith.addi %broadcast_in_dim3A_28, %parallel_loop3A_286 : vector<16xi32>
      %parallel_loop3A_288 = tpu.vector_load_idx %arg28[%parallel_loop3A_287] : memref<640xi32, #tpu.memory_space<vmem>>[vector<16xi32>], vector<16xi32>,
      %parallel_loop3A_289 = arith.addi %parallel_loop3A_288, %parallel_loop3A_285 : vector<16xi32>
      %parallel_loop3A_290 = arith.constant 1 : i32
      %parallel_loop3A_291 = vector.broadcast %parallel_loop3A_290 : i32 to vector<16xi32>
      %parallel_loop3A_292 = arith.subi %parallel_loop3A_289, %parallel_loop3A_291 : vector<16xi32>
      tpu.vector_store_idx %arg12[%parallel_loop3A_292], %parallel_loop3A_274 masked %parallel_loop3A_281 : memref<10128xi32, #tpu.memory_space<vmem>>[vector<16xi32>], vector<16xi32>, vector<16xi1>
      tpu.vector_store_idx %arg13[%parallel_loop3A_292], %parallel_loop3A_278 masked %parallel_loop3A_281 : memref<10128xi32, #tpu.memory_space<vmem>>[vector<16xi32>], vector<16xi32>, vector<16xi1>
      tpu.vector_store_idx %arg26[%parallel_loop3A_274], %broadcast_in_dim3A_8 masked %parallel_loop3A_281 {add = true} : memref<1024xf32, #tpu.memory_space<vmem>>[vector<16xi32>], vector<16xf32>, vector<16xi1>
    } {sc.loop_unroll_factor = 2 : i64, sc.parallel_access}
    %scan3A_43 = arith.constant 0 : i32
    %scan3A_44 = arith.constant 0 : i32
    %scan3A_45 = arith.constant 8 : i32
    %scan3A_46 = arith.addi %scan3A_44, %scan3A_45 : i32
    %scan3A_47 = arith.constant 1 : i32
    %scan3A_48 = scf.for %scan3A_270 = %scan3A_44 to %scan3A_46 step %scan3A_47 iter_args(%scan3A_271 = %scan3A_43) -> (i32)  : i32 {
      %broadcast_in_dim3A_272 = arith.constant 1024 : i32
      %broadcast_in_dim3A_273 = vector.broadcast %broadcast_in_dim3A_272 : i32 to vector<16xi32>
      %mul3A_274 = arith.constant 16 : i32
      %mul3A_275 = arith.muli %scan3A_270, %mul3A_274 : i32
      %add3A_276 = arith.addi %squeeze3A, %mul3A_275 : i32
      %swap3A_277 = arith.index_cast %add3A_276 : i32 to index
      %swap3A_278 = tpu.vector_load %arg12[%swap3A_277] {strides = array<i32>} : memref<10128xi32, #tpu.memory_space<vmem>>, vector<16xi32>,
      tpu.vector_store %arg12[%swap3A_277], %broadcast_in_dim3A_273 {strides = array<i32>} : memref<10128xi32, #tpu.memory_space<vmem>>, vector<16xi32>,
      %broadcast_in_dim3A_279 = arith.constant 0 : i32
      %broadcast_in_dim3A_280 = vector.broadcast %broadcast_in_dim3A_279 : i32 to vector<16xi32>
      %mul3A_281 = arith.constant 16 : i32
      %mul3A_282 = arith.muli %scan3A_270, %mul3A_281 : i32
      %add3A_283 = arith.addi %squeeze3A, %mul3A_282 : i32
      %swap3A_284 = arith.index_cast %add3A_283 : i32 to index
      %swap3A_285 = tpu.vector_load %arg13[%swap3A_284] {strides = array<i32>} : memref<10128xi32, #tpu.memory_space<vmem>>, vector<16xi32>,
      tpu.vector_store %arg13[%swap3A_284], %broadcast_in_dim3A_280 {strides = array<i32>} : memref<10128xi32, #tpu.memory_space<vmem>>, vector<16xi32>,
      %scan3A_286 = arith.constant 0 : i32
      scf.yield %scan3A_286 : i32
    }
    %scan3A_49 = arith.constant 8 : i32
    %add3A_50 = arith.constant 320000 : i32
    %add3A_51 = arith.addi %add3A_50, %mul3A_2 : i32
    %dma_start3A_52 = tpu.memref_slice %arg5[%add3A_51] : memref<640000xi32, #tpu.memory_space<hbm>> -> memref<10000xi32, #tpu.memory_space<hbm>>
    %dma_start3A_53 = tpu.memref_slice %arg5[%add3A_51] : memref<640000xi32, #tpu.memory_space<hbm>> -> memref<10000xi32, #tpu.memory_space<hbm>>
    tpu.enqueue_dma source(%dma_start3A_53 : memref<10000xi32, #tpu.memory_space<hbm>>) target(%arg10 : memref<10000xi32, #tpu.memory_space<vmem>>) target_semaphore(%arg35 : memref<!tpu.dma_semaphore, #tpu.memory_space<semaphore_mem>>)
    %dma_start3A_54 = tpu.memref_slice %arg5[%mul3A_2] : memref<640000xi32, #tpu.memory_space<hbm>> -> memref<10000xi32, #tpu.memory_space<hbm>>
    %dma_start3A_55 = tpu.memref_slice %arg5[%mul3A_2] : memref<640000xi32, #tpu.memory_space<hbm>> -> memref<10000xi32, #tpu.memory_space<hbm>>
    tpu.enqueue_dma source(%dma_start3A_55 : memref<10000xi32, #tpu.memory_space<hbm>>) target(%arg11 : memref<10000xi32, #tpu.memory_space<vmem>>) target_semaphore(%arg36 : memref<!tpu.dma_semaphore, #tpu.memory_space<semaphore_mem>>)
    %add3A_56 = arith.constant 128 : i32
    %add3A_57 = arith.addi %squeeze3A, %add3A_56 : i32
    %sub3A = arith.constant 1 : i32
    %sub3A_58 = arith.subi %add3A_57, %sub3A : i32
    %jit3A = arith.constant 128 : i32
    %div3A = arith.divsi %sub3A_58, %jit3A : i32
    %sign3A = arith.constant 0 : i32
    %sign3A_59 = arith.cmpi sgt, %sub3A_58, %sign3A : i32
    %sign3A_60 = arith.extui %sign3A_59 : i1 to i32
    %sign3A_61 = arith.constant 0 : i32
    %sign3A_62 = arith.cmpi slt, %sub3A_58, %sign3A_61 : i32
    %sign3A_63 = arith.extui %sign3A_62 : i1 to i32
    %sign3A_64 = arith.subi %sign3A_60, %sign3A_63 : i32
    %sign3A_65 = arith.constant 0 : i32
    %sign3A_66 = arith.cmpi sgt, %jit3A, %sign3A_65 : i32
    %sign3A_67 = arith.extui %sign3A_66 : i1 to i32
    %sign3A_68 = arith.constant 0 : i32
    %sign3A_69 = arith.cmpi slt, %jit3A, %sign3A_68 : i32
    %sign3A_70 = arith.extui %sign3A_69 : i1 to i32
    %sign3A_71 = arith.subi %sign3A_67, %sign3A_70 : i32
    %ne3A = arith.cmpi ne, %sign3A_64, %sign3A_71 : i32
    %rem3A = arith.remsi %sub3A_58, %jit3A : i32
    %ne3A_72 = arith.constant 0 : i32
    %ne3A_73 = arith.cmpi ne, %rem3A, %ne3A_72 : i32
    %and3A = arith.andi %ne3A, %ne3A_73 : i1
    %sub3A_74 = arith.constant 1 : i32
    %sub3A_75 = arith.subi %div3A, %sub3A_74 : i32
    %select_n3A = arith.select %and3A, %sub3A_75, %div3A : i32
    %gt3A = arith.constant 0 : i32
    %gt3A_76 = arith.cmpi sgt, %select_n3A, %gt3A : i32
    %convert_element_type3A = arith.extui %gt3A_76 : i1 to i32
    %cond3A = arith.constant 0 : i32
    %cond3A_77 = arith.cmpi ne, %convert_element_type3A, %cond3A : i32
    scf.if %cond3A_77 {
      %parallel_loop3A_270 = arith.constant 0 : i32
      %parallel_loop3A_271 = arith.constant 8 : i32
      %parallel_loop3A_272 = arith.constant 1 : i32
      scf.for %parallel_loop3A_276 = %parallel_loop3A_270 to %parallel_loop3A_271 step %parallel_loop3A_272  : i32 {
        %parallel_loop3A_277 = arith.constant 16 : i32
        %parallel_loop3A_278 = arith.muli %parallel_loop3A_276, %parallel_loop3A_277 : i32
        %parallel_loop3A_279 = arith.constant 0 : i32
        %parallel_loop3A_280 = arith.addi %parallel_loop3A_279, %parallel_loop3A_278 : i32
        %parallel_loop3A_281 = arith.index_cast %parallel_loop3A_280 : i32 to index
        %parallel_loop3A_282 = tpu.vector_load %arg12[%parallel_loop3A_281] {strides = array<i32>} : memref<10128xi32, #tpu.memory_space<vmem>>, vector<16xi32>,
        %parallel_loop3A_283 = arith.constant 16 : i32
        %parallel_loop3A_284 = arith.muli %parallel_loop3A_276, %parallel_loop3A_283 : i32
        %parallel_loop3A_285 = arith.index_cast %parallel_loop3A_284 : i32 to index
        %parallel_loop3A_286 = tpu.vector_load %arg14[%parallel_loop3A_285] {strides = array<i32>} : memref<128xi32, #tpu.memory_space<vmem>>, vector<16xi32>,
        tpu.vector_store %arg14[%parallel_loop3A_285], %parallel_loop3A_282 {strides = array<i32>} : memref<128xi32, #tpu.memory_space<vmem>>, vector<16xi32>,
        %parallel_loop3A_287 = arith.constant 16 : i32
        %parallel_loop3A_288 = arith.muli %parallel_loop3A_276, %parallel_loop3A_287 : i32
        %parallel_loop3A_289 = arith.constant 0 : i32
        %parallel_loop3A_290 = arith.addi %parallel_loop3A_289, %parallel_loop3A_288 : i32
        %parallel_loop3A_291 = arith.index_cast %parallel_loop3A_290 : i32 to index
        %parallel_loop3A_292 = tpu.vector_load %arg13[%parallel_loop3A_291] {strides = array<i32>} : memref<10128xi32, #tpu.memory_space<vmem>>, vector<16xi32>,
        %parallel_loop3A_293 = arith.constant 16 : i32
        %parallel_loop3A_294 = arith.muli %parallel_loop3A_276, %parallel_loop3A_293 : i32
        %parallel_loop3A_295 = arith.index_cast %parallel_loop3A_294 : i32 to index
        %parallel_loop3A_296 = tpu.vector_load %arg15[%parallel_loop3A_295] {strides = array<i32>} : memref<128xi32, #tpu.memory_space<vmem>>, vector<16xi32>,
        tpu.vector_store %arg15[%parallel_loop3A_295], %parallel_loop3A_292 {strides = array<i32>} : memref<128xi32, #tpu.memory_space<vmem>>, vector<16xi32>,
      } {sc.loop_unroll_factor = 4 : i64, sc.parallel_access}
      %dma_start3A_273 = arith.constant 0 : i32
      %dma_start3A_274 = arith.constant 0 : i32
      %dma_start3A_275 = tpu.memref_slice %arg2[%dma_start3A_273, %dma_start3A_274] : memref<10000x128xf32, #tpu.memory_space<hbm>> -> memref<10000x128xf32, #tpu.memory_space<hbm>>
      tpu.enqueue_indirect_dma source(%dma_start3A_275 : memref<10000x128xf32, #tpu.memory_space<hbm>>) target(%arg16 : memref<128x128xf32, #tpu.memory_space<vmem>>) offsets(%arg15 : memref<128xi32, #tpu.memory_space<vmem>>) semaphore(%arg31 : memref<!tpu.dma_semaphore, #tpu.memory_space<semaphore_mem>>)
    } else {
    }
    %gt3A_78 = arith.constant 1 : i32
    %gt3A_79 = arith.cmpi sgt, %select_n3A, %gt3A_78 : i32
    %convert_element_type3A_80 = arith.extui %gt3A_79 : i1 to i32
    %cond3A_81 = arith.constant 0 : i32
    %cond3A_82 = arith.cmpi ne, %convert_element_type3A_80, %cond3A_81 : i32
    scf.if %cond3A_82 {
      %parallel_loop3A_270 = arith.constant 0 : i32
      %parallel_loop3A_271 = arith.constant 8 : i32
      %parallel_loop3A_272 = arith.constant 1 : i32
      scf.for %parallel_loop3A_276 = %parallel_loop3A_270 to %parallel_loop3A_271 step %parallel_loop3A_272  : i32 {
        %parallel_loop3A_277 = arith.constant 16 : i32
        %parallel_loop3A_278 = arith.muli %parallel_loop3A_276, %parallel_loop3A_277 : i32
        %parallel_loop3A_279 = arith.constant 128 : i32
        %parallel_loop3A_280 = arith.addi %parallel_loop3A_279, %parallel_loop3A_278 : i32
        %parallel_loop3A_281 = arith.index_cast %parallel_loop3A_280 : i32 to index
        %parallel_loop3A_282 = tpu.vector_load %arg12[%parallel_loop3A_281] {strides = array<i32>} : memref<10128xi32, #tpu.memory_space<vmem>>, vector<16xi32>,
        %parallel_loop3A_283 = arith.constant 16 : i32
        %parallel_loop3A_284 = arith.muli %parallel_loop3A_276, %parallel_loop3A_283 : i32
        %parallel_loop3A_285 = arith.index_cast %parallel_loop3A_284 : i32 to index
        %parallel_loop3A_286 = tpu.vector_load %arg17[%parallel_loop3A_285] {strides = array<i32>} : memref<128xi32, #tpu.memory_space<vmem>>, vector<16xi32>,
        tpu.vector_store %arg17[%parallel_loop3A_285], %parallel_loop3A_282 {strides = array<i32>} : memref<128xi32, #tpu.memory_space<vmem>>, vector<16xi32>,
        %parallel_loop3A_287 = arith.constant 16 : i32
        %parallel_loop3A_288 = arith.muli %parallel_loop3A_276, %parallel_loop3A_287 : i32
        %parallel_loop3A_289 = arith.constant 128 : i32
        %parallel_loop3A_290 = arith.addi %parallel_loop3A_289, %parallel_loop3A_288 : i32
        %parallel_loop3A_291 = arith.index_cast %parallel_loop3A_290 : i32 to index
        %parallel_loop3A_292 = tpu.vector_load %arg13[%parallel_loop3A_291] {strides = array<i32>} : memref<10128xi32, #tpu.memory_space<vmem>>, vector<16xi32>,
        %parallel_loop3A_293 = arith.constant 16 : i32
        %parallel_loop3A_294 = arith.muli %parallel_loop3A_276, %parallel_loop3A_293 : i32
        %parallel_loop3A_295 = arith.index_cast %parallel_loop3A_294 : i32 to index
        %parallel_loop3A_296 = tpu.vector_load %arg18[%parallel_loop3A_295] {strides = array<i32>} : memref<128xi32, #tpu.memory_space<vmem>>, vector<16xi32>,
        tpu.vector_store %arg18[%parallel_loop3A_295], %parallel_loop3A_292 {strides = array<i32>} : memref<128xi32, #tpu.memory_space<vmem>>, vector<16xi32>,
      } {sc.loop_unroll_factor = 4 : i64, sc.parallel_access}
      %dma_start3A_273 = arith.constant 0 : i32
      %dma_start3A_274 = arith.constant 0 : i32
      %dma_start3A_275 = tpu.memref_slice %arg2[%dma_start3A_273, %dma_start3A_274] : memref<10000x128xf32, #tpu.memory_space<hbm>> -> memref<10000x128xf32, #tpu.memory_space<hbm>>
      tpu.enqueue_indirect_dma source(%dma_start3A_275 : memref<10000x128xf32, #tpu.memory_space<hbm>>) target(%arg19 : memref<128x128xf32, #tpu.memory_space<vmem>>) offsets(%arg18 : memref<128xi32, #tpu.memory_space<vmem>>) semaphore(%arg32 : memref<!tpu.dma_semaphore, #tpu.memory_space<semaphore_mem>>)
    } else {
    }
    %gt3A_83 = arith.constant 2 : i32
    %gt3A_84 = arith.cmpi sgt, %select_n3A, %gt3A_83 : i32
    %convert_element_type3A_85 = arith.extui %gt3A_84 : i1 to i32
    %cond3A_86 = arith.constant 0 : i32
    %cond3A_87 = arith.cmpi ne, %convert_element_type3A_85, %cond3A_86 : i32
    scf.if %cond3A_87 {
      %parallel_loop3A_270 = arith.constant 0 : i32
      %parallel_loop3A_271 = arith.constant 8 : i32
      %parallel_loop3A_272 = arith.constant 1 : i32
      scf.for %parallel_loop3A_276 = %parallel_loop3A_270 to %parallel_loop3A_271 step %parallel_loop3A_272  : i32 {
        %parallel_loop3A_277 = arith.constant 16 : i32
        %parallel_loop3A_278 = arith.muli %parallel_loop3A_276, %parallel_loop3A_277 : i32
        %parallel_loop3A_279 = arith.constant 256 : i32
        %parallel_loop3A_280 = arith.addi %parallel_loop3A_279, %parallel_loop3A_278 : i32
        %parallel_loop3A_281 = arith.index_cast %parallel_loop3A_280 : i32 to index
        %parallel_loop3A_282 = tpu.vector_load %arg12[%parallel_loop3A_281] {strides = array<i32>} : memref<10128xi32, #tpu.memory_space<vmem>>, vector<16xi32>,
        %parallel_loop3A_283 = arith.constant 16 : i32
        %parallel_loop3A_284 = arith.muli %parallel_loop3A_276, %parallel_loop3A_283 : i32
        %parallel_loop3A_285 = arith.index_cast %parallel_loop3A_284 : i32 to index
        %parallel_loop3A_286 = tpu.vector_load %arg20[%parallel_loop3A_285] {strides = array<i32>} : memref<128xi32, #tpu.memory_space<vmem>>, vector<16xi32>,
        tpu.vector_store %arg20[%parallel_loop3A_285], %parallel_loop3A_282 {strides = array<i32>} : memref<128xi32, #tpu.memory_space<vmem>>, vector<16xi32>,
        %parallel_loop3A_287 = arith.constant 16 : i32
        %parallel_loop3A_288 = arith.muli %parallel_loop3A_276, %parallel_loop3A_287 : i32
        %parallel_loop3A_289 = arith.constant 256 : i32
        %parallel_loop3A_290 = arith.addi %parallel_loop3A_289, %parallel_loop3A_288 : i32
        %parallel_loop3A_291 = arith.index_cast %parallel_loop3A_290 : i32 to index
        %parallel_loop3A_292 = tpu.vector_load %arg13[%parallel_loop3A_291] {strides = array<i32>} : memref<10128xi32, #tpu.memory_space<vmem>>, vector<16xi32>,
        %parallel_loop3A_293 = arith.constant 16 : i32
        %parallel_loop3A_294 = arith.muli %parallel_loop3A_276, %parallel_loop3A_293 : i32
        %parallel_loop3A_295 = arith.index_cast %parallel_loop3A_294 : i32 to index
        %parallel_loop3A_296 = tpu.vector_load %arg21[%parallel_loop3A_295] {strides = array<i32>} : memref<128xi32, #tpu.memory_space<vmem>>, vector<16xi32>,
        tpu.vector_store %arg21[%parallel_loop3A_295], %parallel_loop3A_292 {strides = array<i32>} : memref<128xi32, #tpu.memory_space<vmem>>, vector<16xi32>,
      } {sc.loop_unroll_factor = 4 : i64, sc.parallel_access}
      %dma_start3A_273 = arith.constant 0 : i32
      %dma_start3A_274 = arith.constant 0 : i32
      %dma_start3A_275 = tpu.memref_slice %arg2[%dma_start3A_273, %dma_start3A_274] : memref<10000x128xf32, #tpu.memory_space<hbm>> -> memref<10000x128xf32, #tpu.memory_space<hbm>>
      tpu.enqueue_indirect_dma source(%dma_start3A_275 : memref<10000x128xf32, #tpu.memory_space<hbm>>) target(%arg22 : memref<128x128xf32, #tpu.memory_space<vmem>>) offsets(%arg21 : memref<128xi32, #tpu.memory_space<vmem>>) semaphore(%arg33 : memref<!tpu.dma_semaphore, #tpu.memory_space<semaphore_mem>>)
    } else {
    }
    %gt3A_88 = arith.constant 3 : i32
    %gt3A_89 = arith.cmpi sgt, %select_n3A, %gt3A_88 : i32
    %convert_element_type3A_90 = arith.extui %gt3A_89 : i1 to i32
    %cond3A_91 = arith.constant 0 : i32
    %cond3A_92 = arith.cmpi ne, %convert_element_type3A_90, %cond3A_91 : i32
    scf.if %cond3A_92 {
      %parallel_loop3A_270 = arith.constant 0 : i32
      %parallel_loop3A_271 = arith.constant 8 : i32
      %parallel_loop3A_272 = arith.constant 1 : i32
      scf.for %parallel_loop3A_276 = %parallel_loop3A_270 to %parallel_loop3A_271 step %parallel_loop3A_272  : i32 {
        %parallel_loop3A_277 = arith.constant 16 : i32
        %parallel_loop3A_278 = arith.muli %parallel_loop3A_276, %parallel_loop3A_277 : i32
        %parallel_loop3A_279 = arith.constant 384 : i32
        %parallel_loop3A_280 = arith.addi %parallel_loop3A_279, %parallel_loop3A_278 : i32
        %parallel_loop3A_281 = arith.index_cast %parallel_loop3A_280 : i32 to index
        %parallel_loop3A_282 = tpu.vector_load %arg12[%parallel_loop3A_281] {strides = array<i32>} : memref<10128xi32, #tpu.memory_space<vmem>>, vector<16xi32>,
        %parallel_loop3A_283 = arith.constant 16 : i32
        %parallel_loop3A_284 = arith.muli %parallel_loop3A_276, %parallel_loop3A_283 : i32
        %parallel_loop3A_285 = arith.index_cast %parallel_loop3A_284 : i32 to index
        %parallel_loop3A_286 = tpu.vector_load %arg23[%parallel_loop3A_285] {strides = array<i32>} : memref<128xi32, #tpu.memory_space<vmem>>, vector<16xi32>,
        tpu.vector_store %arg23[%parallel_loop3A_285], %parallel_loop3A_282 {strides = array<i32>} : memref<128xi32, #tpu.memory_space<vmem>>, vector<16xi32>,
        %parallel_loop3A_287 = arith.constant 16 : i32
        %parallel_loop3A_288 = arith.muli %parallel_loop3A_276, %parallel_loop3A_287 : i32
        %parallel_loop3A_289 = arith.constant 384 : i32
        %parallel_loop3A_290 = arith.addi %parallel_loop3A_289, %parallel_loop3A_288 : i32
        %parallel_loop3A_291 = arith.index_cast %parallel_loop3A_290 : i32 to index
        %parallel_loop3A_292 = tpu.vector_load %arg13[%parallel_loop3A_291] {strides = array<i32>} : memref<10128xi32, #tpu.memory_space<vmem>>, vector<16xi32>,
        %parallel_loop3A_293 = arith.constant 16 : i32
        %parallel_loop3A_294 = arith.muli %parallel_loop3A_276, %parallel_loop3A_293 : i32
        %parallel_loop3A_295 = arith.index_cast %parallel_loop3A_294 : i32 to index
        %parallel_loop3A_296 = tpu.vector_load %arg24[%parallel_loop3A_295] {strides = array<i32>} : memref<128xi32, #tpu.memory_space<vmem>>, vector<16xi32>,
        tpu.vector_store %arg24[%parallel_loop3A_295], %parallel_loop3A_292 {strides = array<i32>} : memref<128xi32, #tpu.memory_space<vmem>>, vector<16xi32>,
      } {sc.loop_unroll_factor = 4 : i64, sc.parallel_access}
      %dma_start3A_273 = arith.constant 0 : i32
      %dma_start3A_274 = arith.constant 0 : i32
      %dma_start3A_275 = tpu.memref_slice %arg2[%dma_start3A_273, %dma_start3A_274] : memref<10000x128xf32, #tpu.memory_space<hbm>> -> memref<10000x128xf32, #tpu.memory_space<hbm>>
      tpu.enqueue_indirect_dma source(%dma_start3A_275 : memref<10000x128xf32, #tpu.memory_space<hbm>>) target(%arg25 : memref<128x128xf32, #tpu.memory_space<vmem>>) offsets(%arg24 : memref<128xi32, #tpu.memory_space<vmem>>) semaphore(%arg34 : memref<!tpu.dma_semaphore, #tpu.memory_space<semaphore_mem>>)
    } else {
    }
    %add3A_93 = arith.constant 4 : i32
    %add3A_94 = arith.addi %select_n3A, %add3A_93 : i32
    %sub3A_95 = arith.constant 1 : i32
    %sub3A_96 = arith.subi %add3A_94, %sub3A_95 : i32
    %jit3A_97 = arith.constant 4 : i32
    %div3A_98 = arith.divsi %sub3A_96, %jit3A_97 : i32
    %sign3A_99 = arith.constant 0 : i32
    %sign3A_100 = arith.cmpi sgt, %sub3A_96, %sign3A_99 : i32
    %sign3A_101 = arith.extui %sign3A_100 : i1 to i32
    %sign3A_102 = arith.constant 0 : i32
    %sign3A_103 = arith.cmpi slt, %sub3A_96, %sign3A_102 : i32
    %sign3A_104 = arith.extui %sign3A_103 : i1 to i32
    %sign3A_105 = arith.subi %sign3A_101, %sign3A_104 : i32
    %sign3A_106 = arith.constant 0 : i32
    %sign3A_107 = arith.cmpi sgt, %jit3A_97, %sign3A_106 : i32
    %sign3A_108 = arith.extui %sign3A_107 : i1 to i32
    %sign3A_109 = arith.constant 0 : i32
    %sign3A_110 = arith.cmpi slt, %jit3A_97, %sign3A_109 : i32
    %sign3A_111 = arith.extui %sign3A_110 : i1 to i32
    %sign3A_112 = arith.subi %sign3A_108, %sign3A_111 : i32
    %ne3A_113 = arith.cmpi ne, %sign3A_105, %sign3A_112 : i32
    %rem3A_114 = arith.remsi %sub3A_96, %jit3A_97 : i32
    %ne3A_115 = arith.constant 0 : i32
    %ne3A_116 = arith.cmpi ne, %rem3A_114, %ne3A_115 : i32
    %and3A_117 = arith.andi %ne3A_113, %ne3A_116 : i1
    %sub3A_118 = arith.constant 1 : i32
    %sub3A_119 = arith.subi %div3A_98, %sub3A_118 : i32
    %select_n3A_120 = arith.select %and3A_117, %sub3A_119, %div3A_98 : i32
    %while3A = arith.constant 0 : i32
    %while3A_121 = arith.constant 0 : i32
    %while3A_122 = arith.subi %select_n3A_120, %while3A : i32
    %while3A_123 = arith.addi %while3A, %while3A_122 : i32
    %while3A_124 = arith.constant 1 : i32
    %while3A_125 = arith.divsi %while3A_122, %while3A_124 : i32
    %while3A_126 = arith.muli %while3A_125, %while3A_124 : i32
    %while3A_127 = arith.addi %while3A, %while3A_126 : i32
    %while3A_128 = arith.constant 1 : i32
    %while3A_129 = scf.for %while3A_270 = %while3A to %while3A_127 step %while3A_128 iter_args(%while3A_271 = %while3A_121) -> (i32)  : i32 {
      %mul3A_272 = arith.constant 4 : i32
      %mul3A_273 = arith.muli %mul3A_272, %while3A_270 : i32
      %add3A_274 = arith.constant 0 : i32
      %add3A_275 = arith.addi %mul3A_273, %add3A_274 : i32
      %lt3A = arith.cmpi slt, %add3A_275, %select_n3A : i32
      %convert_element_type3A_276 = arith.extui %lt3A : i1 to i32
      %cond3A_277 = arith.constant 0 : i32
      %cond3A_278 = arith.cmpi ne, %convert_element_type3A_276, %cond3A_277 : i32
      scf.if %cond3A_278 {
        %dma_wait3A_304 = arith.constant 0 : i32
        %dma_wait3A_305 = arith.constant 0 : i32
        %dma_wait3A_306 = tpu.memref_slice %arg2[%dma_wait3A_304, %dma_wait3A_305] : memref<10000x128xf32, #tpu.memory_space<hbm>> -> memref<10000x128xf32, #tpu.memory_space<hbm>>
        tpu.wait_indirect_dma semaphore(%arg31 : memref<!tpu.dma_semaphore, #tpu.memory_space<semaphore_mem>>) src(%dma_wait3A_306 : memref<10000x128xf32, #tpu.memory_space<hbm>>) dst(%arg16 : memref<128x128xf32, #tpu.memory_space<vmem>>)
        "tpu.region"() ({
          %run_scoped3A = tpu.sem_alloc : memref<!tpu.dma_semaphore, #tpu.memory_space<semaphore_mem>>
          %dma_start3A_313 = arith.constant 0 : i32
          %dma_start3A_314 = arith.constant 0 : i32
          %dma_start3A_315 = tpu.memref_slice %arg29[%dma_start3A_313, %dma_start3A_314] : memref<1152x128xf32, #tpu.memory_space<vmem_shared>> -> memref<1152x128xf32, #tpu.memory_space<vmem_shared>>
          tpu.enqueue_indirect_dma source(%arg16 : memref<128x128xf32, #tpu.memory_space<vmem>>) target(%dma_start3A_315 : memref<1152x128xf32, #tpu.memory_space<vmem_shared>>) offsets(%arg14 : memref<128xi32, #tpu.memory_space<vmem>>) semaphore(%run_scoped3A : memref<!tpu.dma_semaphore, #tpu.memory_space<semaphore_mem>>) {add = true}
          %dma_wait3A_316 = arith.constant 0 : i32
          %dma_wait3A_317 = arith.constant 0 : i32
          %dma_wait3A_318 = tpu.memref_slice %arg29[%dma_wait3A_316, %dma_wait3A_317] : memref<1152x128xf32, #tpu.memory_space<vmem_shared>> -> memref<1152x128xf32, #tpu.memory_space<vmem_shared>>
          tpu.wait_indirect_dma semaphore(%run_scoped3A : memref<!tpu.dma_semaphore, #tpu.memory_space<semaphore_mem>>) src(%arg16 : memref<128x128xf32, #tpu.memory_space<vmem>>) dst(%dma_wait3A_318 : memref<1152x128xf32, #tpu.memory_space<vmem_shared>>)
          tpu.yield
        }) : () -> ()
        %add3A_307 = arith.constant 4 : i32
        %add3A_308 = arith.addi %add3A_275, %add3A_307 : i32
        %lt3A_309 = arith.cmpi slt, %add3A_308, %select_n3A : i32
        %convert_element_type3A_310 = arith.extui %lt3A_309 : i1 to i32
        %cond3A_311 = arith.constant 0 : i32
        %cond3A_312 = arith.cmpi ne, %convert_element_type3A_310, %cond3A_311 : i32
        scf.if %cond3A_312 {
          %add3A_313 = arith.constant 4 : i32
          %add3A_314 = arith.addi %add3A_275, %add3A_313 : i32
          %parallel_loop3A_315 = arith.constant 0 : i32
          %parallel_loop3A_316 = arith.constant 8 : i32
          %parallel_loop3A_317 = arith.constant 1 : i32
          scf.for %parallel_loop3A_321 = %parallel_loop3A_315 to %parallel_loop3A_316 step %parallel_loop3A_317  : i32 {
            %parallel_loop3A_322 = arith.constant 128 : i32
            %parallel_loop3A_323 = arith.muli %add3A_314, %parallel_loop3A_322 : i32
            %parallel_loop3A_324 = arith.constant 16 : i32
            %parallel_loop3A_325 = arith.muli %parallel_loop3A_321, %parallel_loop3A_324 : i32
            %parallel_loop3A_326 = arith.addi %parallel_loop3A_323, %parallel_loop3A_325 : i32
            %parallel_loop3A_327 = arith.index_cast %parallel_loop3A_326 : i32 to index
            %parallel_loop3A_328 = tpu.vector_load %arg12[%parallel_loop3A_327] {strides = array<i32>} : memref<10128xi32, #tpu.memory_space<vmem>>, vector<16xi32>,
            %parallel_loop3A_329 = arith.constant 16 : i32
            %parallel_loop3A_330 = arith.muli %parallel_loop3A_321, %parallel_loop3A_329 : i32
            %parallel_loop3A_331 = arith.index_cast %parallel_loop3A_330 : i32 to index
            %parallel_loop3A_332 = tpu.vector_load %arg14[%parallel_loop3A_331] {strides = array<i32>} : memref<128xi32, #tpu.memory_space<vmem>>, vector<16xi32>,
            tpu.vector_store %arg14[%parallel_loop3A_331], %parallel_loop3A_328 {strides = array<i32>} : memref<128xi32, #tpu.memory_space<vmem>>, vector<16xi32>,
            %parallel_loop3A_333 = arith.constant 128 : i32
            %parallel_loop3A_334 = arith.muli %add3A_314, %parallel_loop3A_333 : i32
            %parallel_loop3A_335 = arith.constant 16 : i32
            %parallel_loop3A_336 = arith.muli %parallel_loop3A_321, %parallel_loop3A_335 : i32
            %parallel_loop3A_337 = arith.addi %parallel_loop3A_334, %parallel_loop3A_336 : i32
            %parallel_loop3A_338 = arith.index_cast %parallel_loop3A_337 : i32 to index
            %parallel_loop3A_339 = tpu.vector_load %arg13[%parallel_loop3A_338] {strides = array<i32>} : memref<10128xi32, #tpu.memory_space<vmem>>, vector<16xi32>,
            %parallel_loop3A_340 = arith.constant 16 : i32
            %parallel_loop3A_341 = arith.muli %parallel_loop3A_321, %parallel_loop3A_340 : i32
            %parallel_loop3A_342 = arith.index_cast %parallel_loop3A_341 : i32 to index
            %parallel_loop3A_343 = tpu.vector_load %arg15[%parallel_loop3A_342] {strides = array<i32>} : memref<128xi32, #tpu.memory_space<vmem>>, vector<16xi32>,
            tpu.vector_store %arg15[%parallel_loop3A_342], %parallel_loop3A_339 {strides = array<i32>} : memref<128xi32, #tpu.memory_space<vmem>>, vector<16xi32>,
          } {sc.loop_unroll_factor = 4 : i64, sc.parallel_access}
          %dma_start3A_318 = arith.constant 0 : i32
          %dma_start3A_319 = arith.constant 0 : i32
          %dma_start3A_320 = tpu.memref_slice %arg2[%dma_start3A_318, %dma_start3A_319] : memref<10000x128xf32, #tpu.memory_space<hbm>> -> memref<10000x128xf32, #tpu.memory_space<hbm>>
          tpu.enqueue_indirect_dma source(%dma_start3A_320 : memref<10000x128xf32, #tpu.memory_space<hbm>>) target(%arg16 : memref<128x128xf32, #tpu.memory_space<vmem>>) offsets(%arg15 : memref<128xi32, #tpu.memory_space<vmem>>) semaphore(%arg31 : memref<!tpu.dma_semaphore, #tpu.memory_space<semaphore_mem>>)
        } else {
        }
      } else {
      }
      %mul3A_279 = arith.constant 4 : i32
      %mul3A_280 = arith.muli %mul3A_279, %while3A_270 : i32
      %add3A_281 = arith.constant 1 : i32
      %add3A_282 = arith.addi %mul3A_280, %add3A_281 : i32
      %lt3A_283 = arith.cmpi slt, %add3A_282, %select_n3A : i32
      %convert_element_type3A_284 = arith.extui %lt3A_283 : i1 to i32
      %cond3A_285 = arith.constant 0 : i32
      %cond3A_286 = arith.cmpi ne, %convert_element_type3A_284, %cond3A_285 : i32
      scf.if %cond3A_286 {
        %dma_wait3A_304 = arith.constant 0 : i32
        %dma_wait3A_305 = arith.constant 0 : i32
        %dma_wait3A_306 = tpu.memref_slice %arg2[%dma_wait3A_304, %dma_wait3A_305] : memref<10000x128xf32, #tpu.memory_space<hbm>> -> memref<10000x128xf32, #tpu.memory_space<hbm>>
        tpu.wait_indirect_dma semaphore(%arg32 : memref<!tpu.dma_semaphore, #tpu.memory_space<semaphore_mem>>) src(%dma_wait3A_306 : memref<10000x128xf32, #tpu.memory_space<hbm>>) dst(%arg19 : memref<128x128xf32, #tpu.memory_space<vmem>>)
        "tpu.region"() ({
          %run_scoped3A = tpu.sem_alloc : memref<!tpu.dma_semaphore, #tpu.memory_space<semaphore_mem>>
          %dma_start3A_313 = arith.constant 0 : i32
          %dma_start3A_314 = arith.constant 0 : i32
          %dma_start3A_315 = tpu.memref_slice %arg29[%dma_start3A_313, %dma_start3A_314] : memref<1152x128xf32, #tpu.memory_space<vmem_shared>> -> memref<1152x128xf32, #tpu.memory_space<vmem_shared>>
          tpu.enqueue_indirect_dma source(%arg19 : memref<128x128xf32, #tpu.memory_space<vmem>>) target(%dma_start3A_315 : memref<1152x128xf32, #tpu.memory_space<vmem_shared>>) offsets(%arg17 : memref<128xi32, #tpu.memory_space<vmem>>) semaphore(%run_scoped3A : memref<!tpu.dma_semaphore, #tpu.memory_space<semaphore_mem>>) {add = true}
          %dma_wait3A_316 = arith.constant 0 : i32
          %dma_wait3A_317 = arith.constant 0 : i32
          %dma_wait3A_318 = tpu.memref_slice %arg29[%dma_wait3A_316, %dma_wait3A_317] : memref<1152x128xf32, #tpu.memory_space<vmem_shared>> -> memref<1152x128xf32, #tpu.memory_space<vmem_shared>>
          tpu.wait_indirect_dma semaphore(%run_scoped3A : memref<!tpu.dma_semaphore, #tpu.memory_space<semaphore_mem>>) src(%arg19 : memref<128x128xf32, #tpu.memory_space<vmem>>) dst(%dma_wait3A_318 : memref<1152x128xf32, #tpu.memory_space<vmem_shared>>)
          tpu.yield
        }) : () -> ()
        %add3A_307 = arith.constant 4 : i32
        %add3A_308 = arith.addi %add3A_282, %add3A_307 : i32
        %lt3A_309 = arith.cmpi slt, %add3A_308, %select_n3A : i32
        %convert_element_type3A_310 = arith.extui %lt3A_309 : i1 to i32
        %cond3A_311 = arith.constant 0 : i32
        %cond3A_312 = arith.cmpi ne, %convert_element_type3A_310, %cond3A_311 : i32
        scf.if %cond3A_312 {
          %add3A_313 = arith.constant 4 : i32
          %add3A_314 = arith.addi %add3A_282, %add3A_313 : i32
          %parallel_loop3A_315 = arith.constant 0 : i32
          %parallel_loop3A_316 = arith.constant 8 : i32
          %parallel_loop3A_317 = arith.constant 1 : i32
          scf.for %parallel_loop3A_321 = %parallel_loop3A_315 to %parallel_loop3A_316 step %parallel_loop3A_317  : i32 {
            %parallel_loop3A_322 = arith.constant 128 : i32
            %parallel_loop3A_323 = arith.muli %add3A_314, %parallel_loop3A_322 : i32
            %parallel_loop3A_324 = arith.constant 16 : i32
            %parallel_loop3A_325 = arith.muli %parallel_loop3A_321, %parallel_loop3A_324 : i32
            %parallel_loop3A_326 = arith.addi %parallel_loop3A_323, %parallel_loop3A_325 : i32
            %parallel_loop3A_327 = arith.index_cast %parallel_loop3A_326 : i32 to index
            %parallel_loop3A_328 = tpu.vector_load %arg12[%parallel_loop3A_327] {strides = array<i32>} : memref<10128xi32, #tpu.memory_space<vmem>>, vector<16xi32>,
            %parallel_loop3A_329 = arith.constant 16 : i32
            %parallel_loop3A_330 = arith.muli %parallel_loop3A_321, %parallel_loop3A_329 : i32
            %parallel_loop3A_331 = arith.index_cast %parallel_loop3A_330 : i32 to index
            %parallel_loop3A_332 = tpu.vector_load %arg17[%parallel_loop3A_331] {strides = array<i32>} : memref<128xi32, #tpu.memory_space<vmem>>, vector<16xi32>,
            tpu.vector_store %arg17[%parallel_loop3A_331], %parallel_loop3A_328 {strides = array<i32>} : memref<128xi32, #tpu.memory_space<vmem>>, vector<16xi32>,
            %parallel_loop3A_333 = arith.constant 128 : i32
            %parallel_loop3A_334 = arith.muli %add3A_314, %parallel_loop3A_333 : i32
            %parallel_loop3A_335 = arith.constant 16 : i32
            %parallel_loop3A_336 = arith.muli %parallel_loop3A_321, %parallel_loop3A_335 : i32
            %parallel_loop3A_337 = arith.addi %parallel_loop3A_334, %parallel_loop3A_336 : i32
            %parallel_loop3A_338 = arith.index_cast %parallel_loop3A_337 : i32 to index
            %parallel_loop3A_339 = tpu.vector_load %arg13[%parallel_loop3A_338] {strides = array<i32>} : memref<10128xi32, #tpu.memory_space<vmem>>, vector<16xi32>,
            %parallel_loop3A_340 = arith.constant 16 : i32
            %parallel_loop3A_341 = arith.muli %parallel_loop3A_321, %parallel_loop3A_340 : i32
            %parallel_loop3A_342 = arith.index_cast %parallel_loop3A_341 : i32 to index
            %parallel_loop3A_343 = tpu.vector_load %arg18[%parallel_loop3A_342] {strides = array<i32>} : memref<128xi32, #tpu.memory_space<vmem>>, vector<16xi32>,
            tpu.vector_store %arg18[%parallel_loop3A_342], %parallel_loop3A_339 {strides = array<i32>} : memref<128xi32, #tpu.memory_space<vmem>>, vector<16xi32>,
          } {sc.loop_unroll_factor = 4 : i64, sc.parallel_access}
          %dma_start3A_318 = arith.constant 0 : i32
          %dma_start3A_319 = arith.constant 0 : i32
          %dma_start3A_320 = tpu.memref_slice %arg2[%dma_start3A_318, %dma_start3A_319] : memref<10000x128xf32, #tpu.memory_space<hbm>> -> memref<10000x128xf32, #tpu.memory_space<hbm>>
          tpu.enqueue_indirect_dma source(%dma_start3A_320 : memref<10000x128xf32, #tpu.memory_space<hbm>>) target(%arg19 : memref<128x128xf32, #tpu.memory_space<vmem>>) offsets(%arg18 : memref<128xi32, #tpu.memory_space<vmem>>) semaphore(%arg32 : memref<!tpu.dma_semaphore, #tpu.memory_space<semaphore_mem>>)
        } else {
        }
      } else {
      }
      %mul3A_287 = arith.constant 4 : i32
      %mul3A_288 = arith.muli %mul3A_287, %while3A_270 : i32
      %add3A_289 = arith.constant 2 : i32
      %add3A_290 = arith.addi %mul3A_288, %add3A_289 : i32
      %lt3A_291 = arith.cmpi slt, %add3A_290, %select_n3A : i32
      %convert_element_type3A_292 = arith.extui %lt3A_291 : i1 to i32
      %cond3A_293 = arith.constant 0 : i32
      %cond3A_294 = arith.cmpi ne, %convert_element_type3A_292, %cond3A_293 : i32
      scf.if %cond3A_294 {
        %dma_wait3A_304 = arith.constant 0 : i32
        %dma_wait3A_305 = arith.constant 0 : i32
        %dma_wait3A_306 = tpu.memref_slice %arg2[%dma_wait3A_304, %dma_wait3A_305] : memref<10000x128xf32, #tpu.memory_space<hbm>> -> memref<10000x128xf32, #tpu.memory_space<hbm>>
        tpu.wait_indirect_dma semaphore(%arg33 : memref<!tpu.dma_semaphore, #tpu.memory_space<semaphore_mem>>) src(%dma_wait3A_306 : memref<10000x128xf32, #tpu.memory_space<hbm>>) dst(%arg22 : memref<128x128xf32, #tpu.memory_space<vmem>>)
        "tpu.region"() ({
          %run_scoped3A = tpu.sem_alloc : memref<!tpu.dma_semaphore, #tpu.memory_space<semaphore_mem>>
          %dma_start3A_313 = arith.constant 0 : i32
          %dma_start3A_314 = arith.constant 0 : i32
          %dma_start3A_315 = tpu.memref_slice %arg29[%dma_start3A_313, %dma_start3A_314] : memref<1152x128xf32, #tpu.memory_space<vmem_shared>> -> memref<1152x128xf32, #tpu.memory_space<vmem_shared>>
          tpu.enqueue_indirect_dma source(%arg22 : memref<128x128xf32, #tpu.memory_space<vmem>>) target(%dma_start3A_315 : memref<1152x128xf32, #tpu.memory_space<vmem_shared>>) offsets(%arg20 : memref<128xi32, #tpu.memory_space<vmem>>) semaphore(%run_scoped3A : memref<!tpu.dma_semaphore, #tpu.memory_space<semaphore_mem>>) {add = true}
          %dma_wait3A_316 = arith.constant 0 : i32
          %dma_wait3A_317 = arith.constant 0 : i32
          %dma_wait3A_318 = tpu.memref_slice %arg29[%dma_wait3A_316, %dma_wait3A_317] : memref<1152x128xf32, #tpu.memory_space<vmem_shared>> -> memref<1152x128xf32, #tpu.memory_space<vmem_shared>>
          tpu.wait_indirect_dma semaphore(%run_scoped3A : memref<!tpu.dma_semaphore, #tpu.memory_space<semaphore_mem>>) src(%arg22 : memref<128x128xf32, #tpu.memory_space<vmem>>) dst(%dma_wait3A_318 : memref<1152x128xf32, #tpu.memory_space<vmem_shared>>)
          tpu.yield
        }) : () -> ()
        %add3A_307 = arith.constant 4 : i32
        %add3A_308 = arith.addi %add3A_290, %add3A_307 : i32
        %lt3A_309 = arith.cmpi slt, %add3A_308, %select_n3A : i32
        %convert_element_type3A_310 = arith.extui %lt3A_309 : i1 to i32
        %cond3A_311 = arith.constant 0 : i32
        %cond3A_312 = arith.cmpi ne, %convert_element_type3A_310, %cond3A_311 : i32
        scf.if %cond3A_312 {
          %add3A_313 = arith.constant 4 : i32
          %add3A_314 = arith.addi %add3A_290, %add3A_313 : i32
          %parallel_loop3A_315 = arith.constant 0 : i32
          %parallel_loop3A_316 = arith.constant 8 : i32
          %parallel_loop3A_317 = arith.constant 1 : i32
          scf.for %parallel_loop3A_321 = %parallel_loop3A_315 to %parallel_loop3A_316 step %parallel_loop3A_317  : i32 {
            %parallel_loop3A_322 = arith.constant 128 : i32
            %parallel_loop3A_323 = arith.muli %add3A_314, %parallel_loop3A_322 : i32
            %parallel_loop3A_324 = arith.constant 16 : i32
            %parallel_loop3A_325 = arith.muli %parallel_loop3A_321, %parallel_loop3A_324 : i32
            %parallel_loop3A_326 = arith.addi %parallel_loop3A_323, %parallel_loop3A_325 : i32
            %parallel_loop3A_327 = arith.index_cast %parallel_loop3A_326 : i32 to index
            %parallel_loop3A_328 = tpu.vector_load %arg12[%parallel_loop3A_327] {strides = array<i32>} : memref<10128xi32, #tpu.memory_space<vmem>>, vector<16xi32>,
            %parallel_loop3A_329 = arith.constant 16 : i32
            %parallel_loop3A_330 = arith.muli %parallel_loop3A_321, %parallel_loop3A_329 : i32
            %parallel_loop3A_331 = arith.index_cast %parallel_loop3A_330 : i32 to index
            %parallel_loop3A_332 = tpu.vector_load %arg20[%parallel_loop3A_331] {strides = array<i32>} : memref<128xi32, #tpu.memory_space<vmem>>, vector<16xi32>,
            tpu.vector_store %arg20[%parallel_loop3A_331], %parallel_loop3A_328 {strides = array<i32>} : memref<128xi32, #tpu.memory_space<vmem>>, vector<16xi32>,
            %parallel_loop3A_333 = arith.constant 128 : i32
            %parallel_loop3A_334 = arith.muli %add3A_314, %parallel_loop3A_333 : i32
            %parallel_loop3A_335 = arith.constant 16 : i32
            %parallel_loop3A_336 = arith.muli %parallel_loop3A_321, %parallel_loop3A_335 : i32
            %parallel_loop3A_337 = arith.addi %parallel_loop3A_334, %parallel_loop3A_336 : i32
            %parallel_loop3A_338 = arith.index_cast %parallel_loop3A_337 : i32 to index
            %parallel_loop3A_339 = tpu.vector_load %arg13[%parallel_loop3A_338] {strides = array<i32>} : memref<10128xi32, #tpu.memory_space<vmem>>, vector<16xi32>,
            %parallel_loop3A_340 = arith.constant 16 : i32
            %parallel_loop3A_341 = arith.muli %parallel_loop3A_321, %parallel_loop3A_340 : i32
            %parallel_loop3A_342 = arith.index_cast %parallel_loop3A_341 : i32 to index
            %parallel_loop3A_343 = tpu.vector_load %arg21[%parallel_loop3A_342] {strides = array<i32>} : memref<128xi32, #tpu.memory_space<vmem>>, vector<16xi32>,
            tpu.vector_store %arg21[%parallel_loop3A_342], %parallel_loop3A_339 {strides = array<i32>} : memref<128xi32, #tpu.memory_space<vmem>>, vector<16xi32>,
          } {sc.loop_unroll_factor = 4 : i64, sc.parallel_access}
          %dma_start3A_318 = arith.constant 0 : i32
          %dma_start3A_319 = arith.constant 0 : i32
          %dma_start3A_320 = tpu.memref_slice %arg2[%dma_start3A_318, %dma_start3A_319] : memref<10000x128xf32, #tpu.memory_space<hbm>> -> memref<10000x128xf32, #tpu.memory_space<hbm>>
          tpu.enqueue_indirect_dma source(%dma_start3A_320 : memref<10000x128xf32, #tpu.memory_space<hbm>>) target(%arg22 : memref<128x128xf32, #tpu.memory_space<vmem>>) offsets(%arg21 : memref<128xi32, #tpu.memory_space<vmem>>) semaphore(%arg33 : memref<!tpu.dma_semaphore, #tpu.memory_space<semaphore_mem>>)
        } else {
        }
      } else {
      }
      %mul3A_295 = arith.constant 4 : i32
      %mul3A_296 = arith.muli %mul3A_295, %while3A_270 : i32
      %add3A_297 = arith.constant 3 : i32
      %add3A_298 = arith.addi %mul3A_296, %add3A_297 : i32
      %lt3A_299 = arith.cmpi slt, %add3A_298, %select_n3A : i32
      %convert_element_type3A_300 = arith.extui %lt3A_299 : i1 to i32
      %cond3A_301 = arith.constant 0 : i32
      %cond3A_302 = arith.cmpi ne, %convert_element_type3A_300, %cond3A_301 : i32
      scf.if %cond3A_302 {
        %dma_wait3A_304 = arith.constant 0 : i32
        %dma_wait3A_305 = arith.constant 0 : i32
        %dma_wait3A_306 = tpu.memref_slice %arg2[%dma_wait3A_304, %dma_wait3A_305] : memref<10000x128xf32, #tpu.memory_space<hbm>> -> memref<10000x128xf32, #tpu.memory_space<hbm>>
        tpu.wait_indirect_dma semaphore(%arg34 : memref<!tpu.dma_semaphore, #tpu.memory_space<semaphore_mem>>) src(%dma_wait3A_306 : memref<10000x128xf32, #tpu.memory_space<hbm>>) dst(%arg25 : memref<128x128xf32, #tpu.memory_space<vmem>>)
        "tpu.region"() ({
          %run_scoped3A = tpu.sem_alloc : memref<!tpu.dma_semaphore, #tpu.memory_space<semaphore_mem>>
          %dma_start3A_313 = arith.constant 0 : i32
          %dma_start3A_314 = arith.constant 0 : i32
          %dma_start3A_315 = tpu.memref_slice %arg29[%dma_start3A_313, %dma_start3A_314] : memref<1152x128xf32, #tpu.memory_space<vmem_shared>> -> memref<1152x128xf32, #tpu.memory_space<vmem_shared>>
          tpu.enqueue_indirect_dma source(%arg25 : memref<128x128xf32, #tpu.memory_space<vmem>>) target(%dma_start3A_315 : memref<1152x128xf32, #tpu.memory_space<vmem_shared>>) offsets(%arg23 : memref<128xi32, #tpu.memory_space<vmem>>) semaphore(%run_scoped3A : memref<!tpu.dma_semaphore, #tpu.memory_space<semaphore_mem>>) {add = true}
          %dma_wait3A_316 = arith.constant 0 : i32
          %dma_wait3A_317 = arith.constant 0 : i32
          %dma_wait3A_318 = tpu.memref_slice %arg29[%dma_wait3A_316, %dma_wait3A_317] : memref<1152x128xf32, #tpu.memory_space<vmem_shared>> -> memref<1152x128xf32, #tpu.memory_space<vmem_shared>>
          tpu.wait_indirect_dma semaphore(%run_scoped3A : memref<!tpu.dma_semaphore, #tpu.memory_space<semaphore_mem>>) src(%arg25 : memref<128x128xf32, #tpu.memory_space<vmem>>) dst(%dma_wait3A_318 : memref<1152x128xf32, #tpu.memory_space<vmem_shared>>)
          tpu.yield
        }) : () -> ()
        %add3A_307 = arith.constant 4 : i32
        %add3A_308 = arith.addi %add3A_298, %add3A_307 : i32
        %lt3A_309 = arith.cmpi slt, %add3A_308, %select_n3A : i32
        %convert_element_type3A_310 = arith.extui %lt3A_309 : i1 to i32
        %cond3A_311 = arith.constant 0 : i32
        %cond3A_312 = arith.cmpi ne, %convert_element_type3A_310, %cond3A_311 : i32
        scf.if %cond3A_312 {
          %add3A_313 = arith.constant 4 : i32
          %add3A_314 = arith.addi %add3A_298, %add3A_313 : i32
          %parallel_loop3A_315 = arith.constant 0 : i32
          %parallel_loop3A_316 = arith.constant 8 : i32
          %parallel_loop3A_317 = arith.constant 1 : i32
          scf.for %parallel_loop3A_321 = %parallel_loop3A_315 to %parallel_loop3A_316 step %parallel_loop3A_317  : i32 {
            %parallel_loop3A_322 = arith.constant 128 : i32
            %parallel_loop3A_323 = arith.muli %add3A_314, %parallel_loop3A_322 : i32
            %parallel_loop3A_324 = arith.constant 16 : i32
            %parallel_loop3A_325 = arith.muli %parallel_loop3A_321, %parallel_loop3A_324 : i32
            %parallel_loop3A_326 = arith.addi %parallel_loop3A_323, %parallel_loop3A_325 : i32
            %parallel_loop3A_327 = arith.index_cast %parallel_loop3A_326 : i32 to index
            %parallel_loop3A_328 = tpu.vector_load %arg12[%parallel_loop3A_327] {strides = array<i32>} : memref<10128xi32, #tpu.memory_space<vmem>>, vector<16xi32>,
            %parallel_loop3A_329 = arith.constant 16 : i32
            %parallel_loop3A_330 = arith.muli %parallel_loop3A_321, %parallel_loop3A_329 : i32
            %parallel_loop3A_331 = arith.index_cast %parallel_loop3A_330 : i32 to index
            %parallel_loop3A_332 = tpu.vector_load %arg23[%parallel_loop3A_331] {strides = array<i32>} : memref<128xi32, #tpu.memory_space<vmem>>, vector<16xi32>,
            tpu.vector_store %arg23[%parallel_loop3A_331], %parallel_loop3A_328 {strides = array<i32>} : memref<128xi32, #tpu.memory_space<vmem>>, vector<16xi32>,
            %parallel_loop3A_333 = arith.constant 128 : i32
            %parallel_loop3A_334 = arith.muli %add3A_314, %parallel_loop3A_333 : i32
            %parallel_loop3A_335 = arith.constant 16 : i32
            %parallel_loop3A_336 = arith.muli %parallel_loop3A_321, %parallel_loop3A_335 : i32
            %parallel_loop3A_337 = arith.addi %parallel_loop3A_334, %parallel_loop3A_336 : i32
            %parallel_loop3A_338 = arith.index_cast %parallel_loop3A_337 : i32 to index
            %parallel_loop3A_339 = tpu.vector_load %arg13[%parallel_loop3A_338] {strides = array<i32>} : memref<10128xi32, #tpu.memory_space<vmem>>, vector<16xi32>,
            %parallel_loop3A_340 = arith.constant 16 : i32
            %parallel_loop3A_341 = arith.muli %parallel_loop3A_321, %parallel_loop3A_340 : i32
            %parallel_loop3A_342 = arith.index_cast %parallel_loop3A_341 : i32 to index
            %parallel_loop3A_343 = tpu.vector_load %arg24[%parallel_loop3A_342] {strides = array<i32>} : memref<128xi32, #tpu.memory_space<vmem>>, vector<16xi32>,
            tpu.vector_store %arg24[%parallel_loop3A_342], %parallel_loop3A_339 {strides = array<i32>} : memref<128xi32, #tpu.memory_space<vmem>>, vector<16xi32>,
          } {sc.loop_unroll_factor = 4 : i64, sc.parallel_access}
          %dma_start3A_318 = arith.constant 0 : i32
          %dma_start3A_319 = arith.constant 0 : i32
          %dma_start3A_320 = tpu.memref_slice %arg2[%dma_start3A_318, %dma_start3A_319] : memref<10000x128xf32, #tpu.memory_space<hbm>> -> memref<10000x128xf32, #tpu.memory_space<hbm>>
          tpu.enqueue_indirect_dma source(%dma_start3A_320 : memref<10000x128xf32, #tpu.memory_space<hbm>>) target(%arg25 : memref<128x128xf32, #tpu.memory_space<vmem>>) offsets(%arg24 : memref<128xi32, #tpu.memory_space<vmem>>) semaphore(%arg34 : memref<!tpu.dma_semaphore, #tpu.memory_space<semaphore_mem>>)
        } else {
        }
      } else {
      }
      %while3A_303 = arith.constant 0 : i32
      scf.yield %while3A_303 : i32
    }
    %while3A_130 = arith.constant 1 : i32
    %while3A_131 = scf.for %while3A_270 = %while3A_127 to %while3A_123 step %while3A_130 iter_args(%while3A_271 = %while3A_129) -> (i32)  : i32 {
      %mul3A_272 = arith.constant 4 : i32
      %mul3A_273 = arith.muli %mul3A_272, %while3A_270 : i32
      %add3A_274 = arith.constant 0 : i32
      %add3A_275 = arith.addi %mul3A_273, %add3A_274 : i32
      %lt3A = arith.cmpi slt, %add3A_275, %select_n3A : i32
      %convert_element_type3A_276 = arith.extui %lt3A : i1 to i32
      %cond3A_277 = arith.constant 0 : i32
      %cond3A_278 = arith.cmpi ne, %convert_element_type3A_276, %cond3A_277 : i32
      scf.if %cond3A_278 {
        %dma_wait3A_304 = arith.constant 0 : i32
        %dma_wait3A_305 = arith.constant 0 : i32
        %dma_wait3A_306 = tpu.memref_slice %arg2[%dma_wait3A_304, %dma_wait3A_305] : memref<10000x128xf32, #tpu.memory_space<hbm>> -> memref<10000x128xf32, #tpu.memory_space<hbm>>
        tpu.wait_indirect_dma semaphore(%arg31 : memref<!tpu.dma_semaphore, #tpu.memory_space<semaphore_mem>>) src(%dma_wait3A_306 : memref<10000x128xf32, #tpu.memory_space<hbm>>) dst(%arg16 : memref<128x128xf32, #tpu.memory_space<vmem>>)
        "tpu.region"() ({
          %run_scoped3A = tpu.sem_alloc : memref<!tpu.dma_semaphore, #tpu.memory_space<semaphore_mem>>
          %dma_start3A_313 = arith.constant 0 : i32
          %dma_start3A_314 = arith.constant 0 : i32
          %dma_start3A_315 = tpu.memref_slice %arg29[%dma_start3A_313, %dma_start3A_314] : memref<1152x128xf32, #tpu.memory_space<vmem_shared>> -> memref<1152x128xf32, #tpu.memory_space<vmem_shared>>
          tpu.enqueue_indirect_dma source(%arg16 : memref<128x128xf32, #tpu.memory_space<vmem>>) target(%dma_start3A_315 : memref<1152x128xf32, #tpu.memory_space<vmem_shared>>) offsets(%arg14 : memref<128xi32, #tpu.memory_space<vmem>>) semaphore(%run_scoped3A : memref<!tpu.dma_semaphore, #tpu.memory_space<semaphore_mem>>) {add = true}
          %dma_wait3A_316 = arith.constant 0 : i32
          %dma_wait3A_317 = arith.constant 0 : i32
          %dma_wait3A_318 = tpu.memref_slice %arg29[%dma_wait3A_316, %dma_wait3A_317] : memref<1152x128xf32, #tpu.memory_space<vmem_shared>> -> memref<1152x128xf32, #tpu.memory_space<vmem_shared>>
          tpu.wait_indirect_dma semaphore(%run_scoped3A : memref<!tpu.dma_semaphore, #tpu.memory_space<semaphore_mem>>) src(%arg16 : memref<128x128xf32, #tpu.memory_space<vmem>>) dst(%dma_wait3A_318 : memref<1152x128xf32, #tpu.memory_space<vmem_shared>>)
          tpu.yield
        }) : () -> ()
        %add3A_307 = arith.constant 4 : i32
        %add3A_308 = arith.addi %add3A_275, %add3A_307 : i32
        %lt3A_309 = arith.cmpi slt, %add3A_308, %select_n3A : i32
        %convert_element_type3A_310 = arith.extui %lt3A_309 : i1 to i32
        %cond3A_311 = arith.constant 0 : i32
        %cond3A_312 = arith.cmpi ne, %convert_element_type3A_310, %cond3A_311 : i32
        scf.if %cond3A_312 {
          %add3A_313 = arith.constant 4 : i32
          %add3A_314 = arith.addi %add3A_275, %add3A_313 : i32
          %parallel_loop3A_315 = arith.constant 0 : i32
          %parallel_loop3A_316 = arith.constant 8 : i32
          %parallel_loop3A_317 = arith.constant 1 : i32
          scf.for %parallel_loop3A_321 = %parallel_loop3A_315 to %parallel_loop3A_316 step %parallel_loop3A_317  : i32 {
            %parallel_loop3A_322 = arith.constant 128 : i32
            %parallel_loop3A_323 = arith.muli %add3A_314, %parallel_loop3A_322 : i32
            %parallel_loop3A_324 = arith.constant 16 : i32
            %parallel_loop3A_325 = arith.muli %parallel_loop3A_321, %parallel_loop3A_324 : i32
            %parallel_loop3A_326 = arith.addi %parallel_loop3A_323, %parallel_loop3A_325 : i32
            %parallel_loop3A_327 = arith.index_cast %parallel_loop3A_326 : i32 to index
            %parallel_loop3A_328 = tpu.vector_load %arg12[%parallel_loop3A_327] {strides = array<i32>} : memref<10128xi32, #tpu.memory_space<vmem>>, vector<16xi32>,
            %parallel_loop3A_329 = arith.constant 16 : i32
            %parallel_loop3A_330 = arith.muli %parallel_loop3A_321, %parallel_loop3A_329 : i32
            %parallel_loop3A_331 = arith.index_cast %parallel_loop3A_330 : i32 to index
            %parallel_loop3A_332 = tpu.vector_load %arg14[%parallel_loop3A_331] {strides = array<i32>} : memref<128xi32, #tpu.memory_space<vmem>>, vector<16xi32>,
            tpu.vector_store %arg14[%parallel_loop3A_331], %parallel_loop3A_328 {strides = array<i32>} : memref<128xi32, #tpu.memory_space<vmem>>, vector<16xi32>,
            %parallel_loop3A_333 = arith.constant 128 : i32
            %parallel_loop3A_334 = arith.muli %add3A_314, %parallel_loop3A_333 : i32
            %parallel_loop3A_335 = arith.constant 16 : i32
            %parallel_loop3A_336 = arith.muli %parallel_loop3A_321, %parallel_loop3A_335 : i32
            %parallel_loop3A_337 = arith.addi %parallel_loop3A_334, %parallel_loop3A_336 : i32
            %parallel_loop3A_338 = arith.index_cast %parallel_loop3A_337 : i32 to index
            %parallel_loop3A_339 = tpu.vector_load %arg13[%parallel_loop3A_338] {strides = array<i32>} : memref<10128xi32, #tpu.memory_space<vmem>>, vector<16xi32>,
            %parallel_loop3A_340 = arith.constant 16 : i32
            %parallel_loop3A_341 = arith.muli %parallel_loop3A_321, %parallel_loop3A_340 : i32
            %parallel_loop3A_342 = arith.index_cast %parallel_loop3A_341 : i32 to index
            %parallel_loop3A_343 = tpu.vector_load %arg15[%parallel_loop3A_342] {strides = array<i32>} : memref<128xi32, #tpu.memory_space<vmem>>, vector<16xi32>,
            tpu.vector_store %arg15[%parallel_loop3A_342], %parallel_loop3A_339 {strides = array<i32>} : memref<128xi32, #tpu.memory_space<vmem>>, vector<16xi32>,
          } {sc.loop_unroll_factor = 4 : i64, sc.parallel_access}
          %dma_start3A_318 = arith.constant 0 : i32
          %dma_start3A_319 = arith.constant 0 : i32
          %dma_start3A_320 = tpu.memref_slice %arg2[%dma_start3A_318, %dma_start3A_319] : memref<10000x128xf32, #tpu.memory_space<hbm>> -> memref<10000x128xf32, #tpu.memory_space<hbm>>
          tpu.enqueue_indirect_dma source(%dma_start3A_320 : memref<10000x128xf32, #tpu.memory_space<hbm>>) target(%arg16 : memref<128x128xf32, #tpu.memory_space<vmem>>) offsets(%arg15 : memref<128xi32, #tpu.memory_space<vmem>>) semaphore(%arg31 : memref<!tpu.dma_semaphore, #tpu.memory_space<semaphore_mem>>)
        } else {
        }
      } else {
      }
      %mul3A_279 = arith.constant 4 : i32
      %mul3A_280 = arith.muli %mul3A_279, %while3A_270 : i32
      %add3A_281 = arith.constant 1 : i32
      %add3A_282 = arith.addi %mul3A_280, %add3A_281 : i32
      %lt3A_283 = arith.cmpi slt, %add3A_282, %select_n3A : i32
      %convert_element_type3A_284 = arith.extui %lt3A_283 : i1 to i32
      %cond3A_285 = arith.constant 0 : i32
      %cond3A_286 = arith.cmpi ne, %convert_element_type3A_284, %cond3A_285 : i32
      scf.if %cond3A_286 {
        %dma_wait3A_304 = arith.constant 0 : i32
        %dma_wait3A_305 = arith.constant 0 : i32
        %dma_wait3A_306 = tpu.memref_slice %arg2[%dma_wait3A_304, %dma_wait3A_305] : memref<10000x128xf32, #tpu.memory_space<hbm>> -> memref<10000x128xf32, #tpu.memory_space<hbm>>
        tpu.wait_indirect_dma semaphore(%arg32 : memref<!tpu.dma_semaphore, #tpu.memory_space<semaphore_mem>>) src(%dma_wait3A_306 : memref<10000x128xf32, #tpu.memory_space<hbm>>) dst(%arg19 : memref<128x128xf32, #tpu.memory_space<vmem>>)
        "tpu.region"() ({
          %run_scoped3A = tpu.sem_alloc : memref<!tpu.dma_semaphore, #tpu.memory_space<semaphore_mem>>
          %dma_start3A_313 = arith.constant 0 : i32
          %dma_start3A_314 = arith.constant 0 : i32
          %dma_start3A_315 = tpu.memref_slice %arg29[%dma_start3A_313, %dma_start3A_314] : memref<1152x128xf32, #tpu.memory_space<vmem_shared>> -> memref<1152x128xf32, #tpu.memory_space<vmem_shared>>
          tpu.enqueue_indirect_dma source(%arg19 : memref<128x128xf32, #tpu.memory_space<vmem>>) target(%dma_start3A_315 : memref<1152x128xf32, #tpu.memory_space<vmem_shared>>) offsets(%arg17 : memref<128xi32, #tpu.memory_space<vmem>>) semaphore(%run_scoped3A : memref<!tpu.dma_semaphore, #tpu.memory_space<semaphore_mem>>) {add = true}
          %dma_wait3A_316 = arith.constant 0 : i32
          %dma_wait3A_317 = arith.constant 0 : i32
          %dma_wait3A_318 = tpu.memref_slice %arg29[%dma_wait3A_316, %dma_wait3A_317] : memref<1152x128xf32, #tpu.memory_space<vmem_shared>> -> memref<1152x128xf32, #tpu.memory_space<vmem_shared>>
          tpu.wait_indirect_dma semaphore(%run_scoped3A : memref<!tpu.dma_semaphore, #tpu.memory_space<semaphore_mem>>) src(%arg19 : memref<128x128xf32, #tpu.memory_space<vmem>>) dst(%dma_wait3A_318 : memref<1152x128xf32, #tpu.memory_space<vmem_shared>>)
          tpu.yield
        }) : () -> ()
        %add3A_307 = arith.constant 4 : i32
        %add3A_308 = arith.addi %add3A_282, %add3A_307 : i32
        %lt3A_309 = arith.cmpi slt, %add3A_308, %select_n3A : i32
        %convert_element_type3A_310 = arith.extui %lt3A_309 : i1 to i32
        %cond3A_311 = arith.constant 0 : i32
        %cond3A_312 = arith.cmpi ne, %convert_element_type3A_310, %cond3A_311 : i32
        scf.if %cond3A_312 {
          %add3A_313 = arith.constant 4 : i32
          %add3A_314 = arith.addi %add3A_282, %add3A_313 : i32
          %parallel_loop3A_315 = arith.constant 0 : i32
          %parallel_loop3A_316 = arith.constant 8 : i32
          %parallel_loop3A_317 = arith.constant 1 : i32
          scf.for %parallel_loop3A_321 = %parallel_loop3A_315 to %parallel_loop3A_316 step %parallel_loop3A_317  : i32 {
            %parallel_loop3A_322 = arith.constant 128 : i32
            %parallel_loop3A_323 = arith.muli %add3A_314, %parallel_loop3A_322 : i32
            %parallel_loop3A_324 = arith.constant 16 : i32
            %parallel_loop3A_325 = arith.muli %parallel_loop3A_321, %parallel_loop3A_324 : i32
            %parallel_loop3A_326 = arith.addi %parallel_loop3A_323, %parallel_loop3A_325 : i32
            %parallel_loop3A_327 = arith.index_cast %parallel_loop3A_326 : i32 to index
            %parallel_loop3A_328 = tpu.vector_load %arg12[%parallel_loop3A_327] {strides = array<i32>} : memref<10128xi32, #tpu.memory_space<vmem>>, vector<16xi32>,
            %parallel_loop3A_329 = arith.constant 16 : i32
            %parallel_loop3A_330 = arith.muli %parallel_loop3A_321, %parallel_loop3A_329 : i32
            %parallel_loop3A_331 = arith.index_cast %parallel_loop3A_330 : i32 to index
            %parallel_loop3A_332 = tpu.vector_load %arg17[%parallel_loop3A_331] {strides = array<i32>} : memref<128xi32, #tpu.memory_space<vmem>>, vector<16xi32>,
            tpu.vector_store %arg17[%parallel_loop3A_331], %parallel_loop3A_328 {strides = array<i32>} : memref<128xi32, #tpu.memory_space<vmem>>, vector<16xi32>,
            %parallel_loop3A_333 = arith.constant 128 : i32
            %parallel_loop3A_334 = arith.muli %add3A_314, %parallel_loop3A_333 : i32
            %parallel_loop3A_335 = arith.constant 16 : i32
            %parallel_loop3A_336 = arith.muli %parallel_loop3A_321, %parallel_loop3A_335 : i32
            %parallel_loop3A_337 = arith.addi %parallel_loop3A_334, %parallel_loop3A_336 : i32
            %parallel_loop3A_338 = arith.index_cast %parallel_loop3A_337 : i32 to index
            %parallel_loop3A_339 = tpu.vector_load %arg13[%parallel_loop3A_338] {strides = array<i32>} : memref<10128xi32, #tpu.memory_space<vmem>>, vector<16xi32>,
            %parallel_loop3A_340 = arith.constant 16 : i32
            %parallel_loop3A_341 = arith.muli %parallel_loop3A_321, %parallel_loop3A_340 : i32
            %parallel_loop3A_342 = arith.index_cast %parallel_loop3A_341 : i32 to index
            %parallel_loop3A_343 = tpu.vector_load %arg18[%parallel_loop3A_342] {strides = array<i32>} : memref<128xi32, #tpu.memory_space<vmem>>, vector<16xi32>,
            tpu.vector_store %arg18[%parallel_loop3A_342], %parallel_loop3A_339 {strides = array<i32>} : memref<128xi32, #tpu.memory_space<vmem>>, vector<16xi32>,
          } {sc.loop_unroll_factor = 4 : i64, sc.parallel_access}
          %dma_start3A_318 = arith.constant 0 : i32
          %dma_start3A_319 = arith.constant 0 : i32
          %dma_start3A_320 = tpu.memref_slice %arg2[%dma_start3A_318, %dma_start3A_319] : memref<10000x128xf32, #tpu.memory_space<hbm>> -> memref<10000x128xf32, #tpu.memory_space<hbm>>
          tpu.enqueue_indirect_dma source(%dma_start3A_320 : memref<10000x128xf32, #tpu.memory_space<hbm>>) target(%arg19 : memref<128x128xf32, #tpu.memory_space<vmem>>) offsets(%arg18 : memref<128xi32, #tpu.memory_space<vmem>>) semaphore(%arg32 : memref<!tpu.dma_semaphore, #tpu.memory_space<semaphore_mem>>)
        } else {
        }
      } else {
      }
      %mul3A_287 = arith.constant 4 : i32
      %mul3A_288 = arith.muli %mul3A_287, %while3A_270 : i32
      %add3A_289 = arith.constant 2 : i32
      %add3A_290 = arith.addi %mul3A_288, %add3A_289 : i32
      %lt3A_291 = arith.cmpi slt, %add3A_290, %select_n3A : i32
      %convert_element_type3A_292 = arith.extui %lt3A_291 : i1 to i32
      %cond3A_293 = arith.constant 0 : i32
      %cond3A_294 = arith.cmpi ne, %convert_element_type3A_292, %cond3A_293 : i32
      scf.if %cond3A_294 {
        %dma_wait3A_304 = arith.constant 0 : i32
        %dma_wait3A_305 = arith.constant 0 : i32
        %dma_wait3A_306 = tpu.memref_slice %arg2[%dma_wait3A_304, %dma_wait3A_305] : memref<10000x128xf32, #tpu.memory_space<hbm>> -> memref<10000x128xf32, #tpu.memory_space<hbm>>
        tpu.wait_indirect_dma semaphore(%arg33 : memref<!tpu.dma_semaphore, #tpu.memory_space<semaphore_mem>>) src(%dma_wait3A_306 : memref<10000x128xf32, #tpu.memory_space<hbm>>) dst(%arg22 : memref<128x128xf32, #tpu.memory_space<vmem>>)
        "tpu.region"() ({
          %run_scoped3A = tpu.sem_alloc : memref<!tpu.dma_semaphore, #tpu.memory_space<semaphore_mem>>
          %dma_start3A_313 = arith.constant 0 : i32
          %dma_start3A_314 = arith.constant 0 : i32
          %dma_start3A_315 = tpu.memref_slice %arg29[%dma_start3A_313, %dma_start3A_314] : memref<1152x128xf32, #tpu.memory_space<vmem_shared>> -> memref<1152x128xf32, #tpu.memory_space<vmem_shared>>
          tpu.enqueue_indirect_dma source(%arg22 : memref<128x128xf32, #tpu.memory_space<vmem>>) target(%dma_start3A_315 : memref<1152x128xf32, #tpu.memory_space<vmem_shared>>) offsets(%arg20 : memref<128xi32, #tpu.memory_space<vmem>>) semaphore(%run_scoped3A : memref<!tpu.dma_semaphore, #tpu.memory_space<semaphore_mem>>) {add = true}
          %dma_wait3A_316 = arith.constant 0 : i32
          %dma_wait3A_317 = arith.constant 0 : i32
          %dma_wait3A_318 = tpu.memref_slice %arg29[%dma_wait3A_316, %dma_wait3A_317] : memref<1152x128xf32, #tpu.memory_space<vmem_shared>> -> memref<1152x128xf32, #tpu.memory_space<vmem_shared>>
          tpu.wait_indirect_dma semaphore(%run_scoped3A : memref<!tpu.dma_semaphore, #tpu.memory_space<semaphore_mem>>) src(%arg22 : memref<128x128xf32, #tpu.memory_space<vmem>>) dst(%dma_wait3A_318 : memref<1152x128xf32, #tpu.memory_space<vmem_shared>>)
          tpu.yield
        }) : () -> ()
        %add3A_307 = arith.constant 4 : i32
        %add3A_308 = arith.addi %add3A_290, %add3A_307 : i32
        %lt3A_309 = arith.cmpi slt, %add3A_308, %select_n3A : i32
        %convert_element_type3A_310 = arith.extui %lt3A_309 : i1 to i32
        %cond3A_311 = arith.constant 0 : i32
        %cond3A_312 = arith.cmpi ne, %convert_element_type3A_310, %cond3A_311 : i32
        scf.if %cond3A_312 {
          %add3A_313 = arith.constant 4 : i32
          %add3A_314 = arith.addi %add3A_290, %add3A_313 : i32
          %parallel_loop3A_315 = arith.constant 0 : i32
          %parallel_loop3A_316 = arith.constant 8 : i32
          %parallel_loop3A_317 = arith.constant 1 : i32
          scf.for %parallel_loop3A_321 = %parallel_loop3A_315 to %parallel_loop3A_316 step %parallel_loop3A_317  : i32 {
            %parallel_loop3A_322 = arith.constant 128 : i32
            %parallel_loop3A_323 = arith.muli %add3A_314, %parallel_loop3A_322 : i32
            %parallel_loop3A_324 = arith.constant 16 : i32
            %parallel_loop3A_325 = arith.muli %parallel_loop3A_321, %parallel_loop3A_324 : i32
            %parallel_loop3A_326 = arith.addi %parallel_loop3A_323, %parallel_loop3A_325 : i32
            %parallel_loop3A_327 = arith.index_cast %parallel_loop3A_326 : i32 to index
            %parallel_loop3A_328 = tpu.vector_load %arg12[%parallel_loop3A_327] {strides = array<i32>} : memref<10128xi32, #tpu.memory_space<vmem>>, vector<16xi32>,
            %parallel_loop3A_329 = arith.constant 16 : i32
            %parallel_loop3A_330 = arith.muli %parallel_loop3A_321, %parallel_loop3A_329 : i32
            %parallel_loop3A_331 = arith.index_cast %parallel_loop3A_330 : i32 to index
            %parallel_loop3A_332 = tpu.vector_load %arg20[%parallel_loop3A_331] {strides = array<i32>} : memref<128xi32, #tpu.memory_space<vmem>>, vector<16xi32>,
            tpu.vector_store %arg20[%parallel_loop3A_331], %parallel_loop3A_328 {strides = array<i32>} : memref<128xi32, #tpu.memory_space<vmem>>, vector<16xi32>,
            %parallel_loop3A_333 = arith.constant 128 : i32
            %parallel_loop3A_334 = arith.muli %add3A_314, %parallel_loop3A_333 : i32
            %parallel_loop3A_335 = arith.constant 16 : i32
            %parallel_loop3A_336 = arith.muli %parallel_loop3A_321, %parallel_loop3A_335 : i32
            %parallel_loop3A_337 = arith.addi %parallel_loop3A_334, %parallel_loop3A_336 : i32
            %parallel_loop3A_338 = arith.index_cast %parallel_loop3A_337 : i32 to index
            %parallel_loop3A_339 = tpu.vector_load %arg13[%parallel_loop3A_338] {strides = array<i32>} : memref<10128xi32, #tpu.memory_space<vmem>>, vector<16xi32>,
            %parallel_loop3A_340 = arith.constant 16 : i32
            %parallel_loop3A_341 = arith.muli %parallel_loop3A_321, %parallel_loop3A_340 : i32
            %parallel_loop3A_342 = arith.index_cast %parallel_loop3A_341 : i32 to index
            %parallel_loop3A_343 = tpu.vector_load %arg21[%parallel_loop3A_342] {strides = array<i32>} : memref<128xi32, #tpu.memory_space<vmem>>, vector<16xi32>,
            tpu.vector_store %arg21[%parallel_loop3A_342], %parallel_loop3A_339 {strides = array<i32>} : memref<128xi32, #tpu.memory_space<vmem>>, vector<16xi32>,
          } {sc.loop_unroll_factor = 4 : i64, sc.parallel_access}
          %dma_start3A_318 = arith.constant 0 : i32
          %dma_start3A_319 = arith.constant 0 : i32
          %dma_start3A_320 = tpu.memref_slice %arg2[%dma_start3A_318, %dma_start3A_319] : memref<10000x128xf32, #tpu.memory_space<hbm>> -> memref<10000x128xf32, #tpu.memory_space<hbm>>
          tpu.enqueue_indirect_dma source(%dma_start3A_320 : memref<10000x128xf32, #tpu.memory_space<hbm>>) target(%arg22 : memref<128x128xf32, #tpu.memory_space<vmem>>) offsets(%arg21 : memref<128xi32, #tpu.memory_space<vmem>>) semaphore(%arg33 : memref<!tpu.dma_semaphore, #tpu.memory_space<semaphore_mem>>)
        } else {
        }
      } else {
      }
      %mul3A_295 = arith.constant 4 : i32
      %mul3A_296 = arith.muli %mul3A_295, %while3A_270 : i32
      %add3A_297 = arith.constant 3 : i32
      %add3A_298 = arith.addi %mul3A_296, %add3A_297 : i32
      %lt3A_299 = arith.cmpi slt, %add3A_298, %select_n3A : i32
      %convert_element_type3A_300 = arith.extui %lt3A_299 : i1 to i32
      %cond3A_301 = arith.constant 0 : i32
      %cond3A_302 = arith.cmpi ne, %convert_element_type3A_300, %cond3A_301 : i32
      scf.if %cond3A_302 {
        %dma_wait3A_304 = arith.constant 0 : i32
        %dma_wait3A_305 = arith.constant 0 : i32
        %dma_wait3A_306 = tpu.memref_slice %arg2[%dma_wait3A_304, %dma_wait3A_305] : memref<10000x128xf32, #tpu.memory_space<hbm>> -> memref<10000x128xf32, #tpu.memory_space<hbm>>
        tpu.wait_indirect_dma semaphore(%arg34 : memref<!tpu.dma_semaphore, #tpu.memory_space<semaphore_mem>>) src(%dma_wait3A_306 : memref<10000x128xf32, #tpu.memory_space<hbm>>) dst(%arg25 : memref<128x128xf32, #tpu.memory_space<vmem>>)
        "tpu.region"() ({
          %run_scoped3A = tpu.sem_alloc : memref<!tpu.dma_semaphore, #tpu.memory_space<semaphore_mem>>
          %dma_start3A_313 = arith.constant 0 : i32
          %dma_start3A_314 = arith.constant 0 : i32
          %dma_start3A_315 = tpu.memref_slice %arg29[%dma_start3A_313, %dma_start3A_314] : memref<1152x128xf32, #tpu.memory_space<vmem_shared>> -> memref<1152x128xf32, #tpu.memory_space<vmem_shared>>
          tpu.enqueue_indirect_dma source(%arg25 : memref<128x128xf32, #tpu.memory_space<vmem>>) target(%dma_start3A_315 : memref<1152x128xf32, #tpu.memory_space<vmem_shared>>) offsets(%arg23 : memref<128xi32, #tpu.memory_space<vmem>>) semaphore(%run_scoped3A : memref<!tpu.dma_semaphore, #tpu.memory_space<semaphore_mem>>) {add = true}
          %dma_wait3A_316 = arith.constant 0 : i32
          %dma_wait3A_317 = arith.constant 0 : i32
          %dma_wait3A_318 = tpu.memref_slice %arg29[%dma_wait3A_316, %dma_wait3A_317] : memref<1152x128xf32, #tpu.memory_space<vmem_shared>> -> memref<1152x128xf32, #tpu.memory_space<vmem_shared>>
          tpu.wait_indirect_dma semaphore(%run_scoped3A : memref<!tpu.dma_semaphore, #tpu.memory_space<semaphore_mem>>) src(%arg25 : memref<128x128xf32, #tpu.memory_space<vmem>>) dst(%dma_wait3A_318 : memref<1152x128xf32, #tpu.memory_space<vmem_shared>>)
          tpu.yield
        }) : () -> ()
        %add3A_307 = arith.constant 4 : i32
        %add3A_308 = arith.addi %add3A_298, %add3A_307 : i32
        %lt3A_309 = arith.cmpi slt, %add3A_308, %select_n3A : i32
        %convert_element_type3A_310 = arith.extui %lt3A_309 : i1 to i32
        %cond3A_311 = arith.constant 0 : i32
        %cond3A_312 = arith.cmpi ne, %convert_element_type3A_310, %cond3A_311 : i32
        scf.if %cond3A_312 {
          %add3A_313 = arith.constant 4 : i32
          %add3A_314 = arith.addi %add3A_298, %add3A_313 : i32
          %parallel_loop3A_315 = arith.constant 0 : i32
          %parallel_loop3A_316 = arith.constant 8 : i32
          %parallel_loop3A_317 = arith.constant 1 : i32
          scf.for %parallel_loop3A_321 = %parallel_loop3A_315 to %parallel_loop3A_316 step %parallel_loop3A_317  : i32 {
            %parallel_loop3A_322 = arith.constant 128 : i32
            %parallel_loop3A_323 = arith.muli %add3A_314, %parallel_loop3A_322 : i32
            %parallel_loop3A_324 = arith.constant 16 : i32
            %parallel_loop3A_325 = arith.muli %parallel_loop3A_321, %parallel_loop3A_324 : i32
            %parallel_loop3A_326 = arith.addi %parallel_loop3A_323, %parallel_loop3A_325 : i32
            %parallel_loop3A_327 = arith.index_cast %parallel_loop3A_326 : i32 to index
            %parallel_loop3A_328 = tpu.vector_load %arg12[%parallel_loop3A_327] {strides = array<i32>} : memref<10128xi32, #tpu.memory_space<vmem>>, vector<16xi32>,
            %parallel_loop3A_329 = arith.constant 16 : i32
            %parallel_loop3A_330 = arith.muli %parallel_loop3A_321, %parallel_loop3A_329 : i32
            %parallel_loop3A_331 = arith.index_cast %parallel_loop3A_330 : i32 to index
            %parallel_loop3A_332 = tpu.vector_load %arg23[%parallel_loop3A_331] {strides = array<i32>} : memref<128xi32, #tpu.memory_space<vmem>>, vector<16xi32>,
            tpu.vector_store %arg23[%parallel_loop3A_331], %parallel_loop3A_328 {strides = array<i32>} : memref<128xi32, #tpu.memory_space<vmem>>, vector<16xi32>,
            %parallel_loop3A_333 = arith.constant 128 : i32
            %parallel_loop3A_334 = arith.muli %add3A_314, %parallel_loop3A_333 : i32
            %parallel_loop3A_335 = arith.constant 16 : i32
            %parallel_loop3A_336 = arith.muli %parallel_loop3A_321, %parallel_loop3A_335 : i32
            %parallel_loop3A_337 = arith.addi %parallel_loop3A_334, %parallel_loop3A_336 : i32
            %parallel_loop3A_338 = arith.index_cast %parallel_loop3A_337 : i32 to index
            %parallel_loop3A_339 = tpu.vector_load %arg13[%parallel_loop3A_338] {strides = array<i32>} : memref<10128xi32, #tpu.memory_space<vmem>>, vector<16xi32>,
            %parallel_loop3A_340 = arith.constant 16 : i32
            %parallel_loop3A_341 = arith.muli %parallel_loop3A_321, %parallel_loop3A_340 : i32
            %parallel_loop3A_342 = arith.index_cast %parallel_loop3A_341 : i32 to index
            %parallel_loop3A_343 = tpu.vector_load %arg24[%parallel_loop3A_342] {strides = array<i32>} : memref<128xi32, #tpu.memory_space<vmem>>, vector<16xi32>,
            tpu.vector_store %arg24[%parallel_loop3A_342], %parallel_loop3A_339 {strides = array<i32>} : memref<128xi32, #tpu.memory_space<vmem>>, vector<16xi32>,
          } {sc.loop_unroll_factor = 4 : i64, sc.parallel_access}
          %dma_start3A_318 = arith.constant 0 : i32
          %dma_start3A_319 = arith.constant 0 : i32
          %dma_start3A_320 = tpu.memref_slice %arg2[%dma_start3A_318, %dma_start3A_319] : memref<10000x128xf32, #tpu.memory_space<hbm>> -> memref<10000x128xf32, #tpu.memory_space<hbm>>
          tpu.enqueue_indirect_dma source(%dma_start3A_320 : memref<10000x128xf32, #tpu.memory_space<hbm>>) target(%arg25 : memref<128x128xf32, #tpu.memory_space<vmem>>) offsets(%arg24 : memref<128xi32, #tpu.memory_space<vmem>>) semaphore(%arg34 : memref<!tpu.dma_semaphore, #tpu.memory_space<semaphore_mem>>)
        } else {
        }
      } else {
      }
      %while3A_303 = arith.constant 0 : i32
      scf.yield %while3A_303 : i32
    }
    %mul3A_132 = arith.constant 1024 : i32
    %mul3A_133 = arith.muli %add3A, %mul3A_132 : i32
    "tpu.region"() ({
      %run_scoped3A = tpu.sem_alloc : memref<!tpu.dma_semaphore, #tpu.memory_space<semaphore_mem>>
      %dma_start3A_270 = tpu.memref_slice %arg7[%mul3A_133] : memref<32768xf32, #tpu.memory_space<hbm>> -> memref<1024xf32, #tpu.memory_space<hbm>>
      %dma_start3A_271 = tpu.memref_slice %arg7[%mul3A_133] : memref<32768xf32, #tpu.memory_space<hbm>> -> memref<1024xf32, #tpu.memory_space<hbm>>
      tpu.enqueue_dma source(%arg26 : memref<1024xf32, #tpu.memory_space<vmem>>) target(%dma_start3A_271 : memref<1024xf32, #tpu.memory_space<hbm>>) target_semaphore(%run_scoped3A : memref<!tpu.dma_semaphore, #tpu.memory_space<semaphore_mem>>)
      %dma_wait3A_272 = tpu.memref_slice %arg7[%mul3A_133] : memref<32768xf32, #tpu.memory_space<hbm>> -> memref<1024xf32, #tpu.memory_space<hbm>>
      %dma_wait3A_273 = tpu.memref_slice %arg7[%mul3A_133] : memref<32768xf32, #tpu.memory_space<hbm>> -> memref<1024xf32, #tpu.memory_space<hbm>>
      tpu.wait_dma2 semaphore(%run_scoped3A : memref<!tpu.dma_semaphore, #tpu.memory_space<semaphore_mem>>) src(%arg26 : memref<1024xf32, #tpu.memory_space<vmem>>) dst(%dma_wait3A_273 : memref<1024xf32, #tpu.memory_space<hbm>>)
      tpu.yield
    }) : () -> ()
    %add3A_134 = arith.constant 320000 : i32
    %add3A_135 = arith.addi %add3A_134, %mul3A_2 : i32
    %dma_wait3A_136 = tpu.memref_slice %arg5[%add3A_135] : memref<640000xi32, #tpu.memory_space<hbm>> -> memref<10000xi32, #tpu.memory_space<hbm>>
    %dma_wait3A_137 = tpu.memref_slice %arg5[%add3A_135] : memref<640000xi32, #tpu.memory_space<hbm>> -> memref<10000xi32, #tpu.memory_space<hbm>>
    tpu.wait_dma2 semaphore(%arg35 : memref<!tpu.dma_semaphore, #tpu.memory_space<semaphore_mem>>) src(%dma_wait3A_137 : memref<10000xi32, #tpu.memory_space<hbm>>) dst(%arg10 : memref<10000xi32, #tpu.memory_space<vmem>>)
    %dma_wait3A_138 = tpu.memref_slice %arg5[%mul3A_2] : memref<640000xi32, #tpu.memory_space<hbm>> -> memref<10000xi32, #tpu.memory_space<hbm>>
    %dma_wait3A_139 = tpu.memref_slice %arg5[%mul3A_2] : memref<640000xi32, #tpu.memory_space<hbm>> -> memref<10000xi32, #tpu.memory_space<hbm>>
    tpu.wait_dma2 semaphore(%arg36 : memref<!tpu.dma_semaphore, #tpu.memory_space<semaphore_mem>>) src(%dma_wait3A_139 : memref<10000xi32, #tpu.memory_space<hbm>>) dst(%arg11 : memref<10000xi32, #tpu.memory_space<vmem>>)
    %parallel_loop3A_140 = arith.constant 0 : i32
    %parallel_loop3A_141 = arith.constant 64 : i32
    %parallel_loop3A_142 = arith.constant 1 : i32
    scf.for %parallel_loop3A_270 = %parallel_loop3A_140 to %parallel_loop3A_141 step %parallel_loop3A_142  : i32 {
      %parallel_loop3A_271 = arith.constant 16 : i32
      %parallel_loop3A_272 = arith.muli %parallel_loop3A_270, %parallel_loop3A_271 : i32
      %parallel_loop3A_273 = arith.index_cast %parallel_loop3A_272 : i32 to index
      %parallel_loop3A_274 = tpu.vector_load %arg26[%parallel_loop3A_273] {strides = array<i32>} : memref<1024xf32, #tpu.memory_space<vmem>>, vector<16xf32>,
      tpu.vector_store %arg26[%parallel_loop3A_273], %broadcast_in_dim3A_10 {strides = array<i32>} : memref<1024xf32, #tpu.memory_space<vmem>>, vector<16xf32>,
    } {sc.loop_unroll_factor = 4 : i64, sc.parallel_access}
    %iota3A_143 = tpu.iota {dimensions = array<i32: 0>} : vector<16xi32>
    %eq3A_144 = arith.constant 0 : i32
    %eq3A_145 = vector.broadcast %eq3A_144 : i32 to vector<16xi32>
    %eq3A_146 = arith.cmpi eq, %iota3A_143, %eq3A_145 : vector<16xi32>
    %broadcast_in_dim3A_147 = arith.constant 0 : i32
    %broadcast_in_dim3A_148 = vector.broadcast %broadcast_in_dim3A_147 : i32 to vector<16xi32>
    %swap3A_149 = arith.constant 624 : index
    %swap3A_150 = tpu.vector_load %arg27[%swap3A_149] {strides = array<i32>} : memref<640xi32, #tpu.memory_space<vmem>>, vector<16xi32>,
    tpu.vector_store %arg27[%swap3A_149], %broadcast_in_dim3A_148 {strides = array<i32>} : memref<640xi32, #tpu.memory_space<vmem>>, vector<16xi32>,
    %parallel_loop3A_151 = arith.constant 0 : i32
    %parallel_loop3A_152 = arith.constant 625 : i32
    %parallel_loop3A_153 = arith.constant 1 : i32
    scf.for %parallel_loop3A_270 = %parallel_loop3A_151 to %parallel_loop3A_152 step %parallel_loop3A_153  : i32 {
      %parallel_loop3A_271 = arith.constant 16 : i32
      %parallel_loop3A_272 = arith.muli %parallel_loop3A_270, %parallel_loop3A_271 : i32
      %parallel_loop3A_273 = arith.index_cast %parallel_loop3A_272 : i32 to index
      %parallel_loop3A_274 = tpu.vector_load %arg10[%parallel_loop3A_273] {strides = array<i32>} : memref<10000xi32, #tpu.memory_space<vmem>>, vector<16xi32>,
      %parallel_loop3A_275 = arith.constant 1024 : i32
      %parallel_loop3A_276 = vector.broadcast %parallel_loop3A_275 : i32 to vector<16xi32>
      %parallel_loop3A_277 = arith.cmpi slt, %parallel_loop3A_274, %parallel_loop3A_276 : vector<16xi32>
      %parallel_loop3A_278 = tpu.all_reduce %parallel_loop3A_277 {dim = 0 : i64, kind = #tpu.reduction_kind<sum>} : vector<16xi1> -> vector<16xi32>
      %parallel_loop3A_279 = vector.broadcast %parallel_loop3A_270 : i32 to vector<16xi32>
      %parallel_loop3A_280 = arith.addi %broadcast_in_dim3A_148, %parallel_loop3A_279 : vector<16xi32>
      tpu.vector_store_idx %arg27[%parallel_loop3A_280], %parallel_loop3A_278 masked %eq3A_146 : memref<640xi32, #tpu.memory_space<vmem>>[vector<16xi32>], vector<16xi32>, vector<16xi1>
    } {sc.loop_unroll_factor = 4 : i64, sc.parallel_access}
    %broadcast_in_dim3A_154 = arith.constant 0 : i32
    %broadcast_in_dim3A_155 = vector.broadcast %broadcast_in_dim3A_154 : i32 to vector<16xi32>
    %scan3A_156 = arith.constant 0 : i32
    %scan3A_157 = arith.constant 40 : i32
    %scan3A_158 = arith.addi %scan3A_156, %scan3A_157 : i32
    %scan3A_159 = arith.constant 1 : i32
    %scan3A_160 = scf.for %scan3A_270 = %scan3A_156 to %scan3A_158 step %scan3A_159 iter_args(%scan3A_271 = %broadcast_in_dim3A_155) -> (vector<16xi32>)  : i32 {
      %mul3A_272 = arith.constant 16 : i32
      %mul3A_273 = arith.muli %scan3A_270, %mul3A_272 : i32
      %get3A = arith.index_cast %mul3A_273 : i32 to index
      %get3A_274 = tpu.vector_load %arg27[%get3A] {strides = array<i32>} : memref<640xi32, #tpu.memory_space<vmem>>, vector<16xi32>,
      %broadcast_in_dim3A_275 = arith.constant true
      %broadcast_in_dim3A_276 = vector.broadcast %broadcast_in_dim3A_275 : i1 to vector<16xi1>
      %masked_cumsum3A = tpu.scan <sum>, %get3A_274 masked %broadcast_in_dim3A_276 : vector<16xi32>, vector<16xi1> -> vector<16xi32>
      %add3A_277 = arith.addi %scan3A_271, %masked_cumsum3A : vector<16xi32>
      %sub3A_278 = arith.subi %add3A_277, %get3A_274 : vector<16xi32>
      %mul3A_279 = arith.constant 16 : i32
      %mul3A_280 = arith.muli %scan3A_270, %mul3A_279 : i32
      %swap3A_281 = arith.index_cast %mul3A_280 : i32 to index
      %swap3A_282 = tpu.vector_load %arg28[%swap3A_281] {strides = array<i32>} : memref<640xi32, #tpu.memory_space<vmem>>, vector<16xi32>,
      tpu.vector_store %arg28[%swap3A_281], %sub3A_278 {strides = array<i32>} : memref<640xi32, #tpu.memory_space<vmem>>, vector<16xi32>,
      %broadcast_in_dim3A_283 = vector.shape_cast %broadcast_in_dim3A_12 : vector<16xi32> to vector<16x1xi32>
      %gather3A = vector.shape_cast %broadcast_in_dim3A_283 : vector<16x1xi32> to vector<16xi32>
      %gather3A_284 = tpu.dynamic_gather %masked_cumsum3A[%gather3A] in [0] : vector<16xi32>, vector<16xi32> -> vector<16xi32>
      %add3A_285 = arith.addi %scan3A_271, %gather3A_284 : vector<16xi32>
      scf.yield %add3A_285 : vector<16xi32>
    }
    %scan3A_161 = arith.constant 40 : i32
    %slice3A_162 = vector.extract_strided_slice %scan3A_160 {offsets = [0], sizes = [1], strides = [1]} : vector<16xi32> to vector<1xi32>
    %squeeze3A_163 = vector.extract %slice3A_162[0] : i32 from vector<1xi32>
    %parallel_loop3A_164 = arith.constant 0 : i32
    %parallel_loop3A_165 = arith.constant 625 : i32
    %parallel_loop3A_166 = arith.constant 1 : i32
    scf.for %parallel_loop3A_270 = %parallel_loop3A_164 to %parallel_loop3A_165 step %parallel_loop3A_166  : i32 {
      %parallel_loop3A_271 = arith.constant 16 : i32
      %parallel_loop3A_272 = arith.muli %parallel_loop3A_270, %parallel_loop3A_271 : i32
      %parallel_loop3A_273 = arith.index_cast %parallel_loop3A_272 : i32 to index
      %parallel_loop3A_274 = tpu.vector_load %arg10[%parallel_loop3A_273] {strides = array<i32>} : memref<10000xi32, #tpu.memory_space<vmem>>, vector<16xi32>,
      %parallel_loop3A_275 = arith.constant 16 : i32
      %parallel_loop3A_276 = arith.muli %parallel_loop3A_270, %parallel_loop3A_275 : i32
      %parallel_loop3A_277 = arith.index_cast %parallel_loop3A_276 : i32 to index
      %parallel_loop3A_278 = tpu.vector_load %arg11[%parallel_loop3A_277] {strides = array<i32>} : memref<10000xi32, #tpu.memory_space<vmem>>, vector<16xi32>,
      %parallel_loop3A_279 = arith.constant 1024 : i32
      %parallel_loop3A_280 = vector.broadcast %parallel_loop3A_279 : i32 to vector<16xi32>
      %parallel_loop3A_281 = arith.cmpi slt, %parallel_loop3A_274, %parallel_loop3A_280 : vector<16xi32>
      %parallel_loop3A_282 = arith.extui %parallel_loop3A_281 : vector<16xi1> to vector<16xi32>
      %parallel_loop3A_283 = arith.constant true
      %parallel_loop3A_284 = vector.broadcast %parallel_loop3A_283 : i1 to vector<16xi1>
      %parallel_loop3A_285 = tpu.scan <sum>, %parallel_loop3A_282 masked %parallel_loop3A_284 : vector<16xi32>, vector<16xi1> -> vector<16xi32>
      %parallel_loop3A_286 = vector.broadcast %parallel_loop3A_270 : i32 to vector<16xi32>
      %parallel_loop3A_287 = arith.addi %broadcast_in_dim3A_148, %parallel_loop3A_286 : vector<16xi32>
      %parallel_loop3A_288 = tpu.vector_load_idx %arg28[%parallel_loop3A_287] : memref<640xi32, #tpu.memory_space<vmem>>[vector<16xi32>], vector<16xi32>,
      %parallel_loop3A_289 = arith.addi %parallel_loop3A_288, %parallel_loop3A_285 : vector<16xi32>
      %parallel_loop3A_290 = arith.constant 1 : i32
      %parallel_loop3A_291 = vector.broadcast %parallel_loop3A_290 : i32 to vector<16xi32>
      %parallel_loop3A_292 = arith.subi %parallel_loop3A_289, %parallel_loop3A_291 : vector<16xi32>
      tpu.vector_store_idx %arg12[%parallel_loop3A_292], %parallel_loop3A_274 masked %parallel_loop3A_281 : memref<10128xi32, #tpu.memory_space<vmem>>[vector<16xi32>], vector<16xi32>, vector<16xi1>
      tpu.vector_store_idx %arg13[%parallel_loop3A_292], %parallel_loop3A_278 masked %parallel_loop3A_281 : memref<10128xi32, #tpu.memory_space<vmem>>[vector<16xi32>], vector<16xi32>, vector<16xi1>
      tpu.vector_store_idx %arg26[%parallel_loop3A_274], %broadcast_in_dim3A_8 masked %parallel_loop3A_281 {add = true} : memref<1024xf32, #tpu.memory_space<vmem>>[vector<16xi32>], vector<16xf32>, vector<16xi1>
    } {sc.loop_unroll_factor = 2 : i64, sc.parallel_access}
    %scan3A_167 = arith.constant 0 : i32
    %scan3A_168 = arith.constant 0 : i32
    %scan3A_169 = arith.constant 8 : i32
    %scan3A_170 = arith.addi %scan3A_168, %scan3A_169 : i32
    %scan3A_171 = arith.constant 1 : i32
    %scan3A_172 = scf.for %scan3A_270 = %scan3A_168 to %scan3A_170 step %scan3A_171 iter_args(%scan3A_271 = %scan3A_167) -> (i32)  : i32 {
      %broadcast_in_dim3A_272 = arith.constant 1024 : i32
      %broadcast_in_dim3A_273 = vector.broadcast %broadcast_in_dim3A_272 : i32 to vector<16xi32>
      %mul3A_274 = arith.constant 16 : i32
      %mul3A_275 = arith.muli %scan3A_270, %mul3A_274 : i32
      %add3A_276 = arith.addi %squeeze3A_163, %mul3A_275 : i32
      %swap3A_277 = arith.index_cast %add3A_276 : i32 to index
      %swap3A_278 = tpu.vector_load %arg12[%swap3A_277] {strides = array<i32>} : memref<10128xi32, #tpu.memory_space<vmem>>, vector<16xi32>,
      tpu.vector_store %arg12[%swap3A_277], %broadcast_in_dim3A_273 {strides = array<i32>} : memref<10128xi32, #tpu.memory_space<vmem>>, vector<16xi32>,
      %broadcast_in_dim3A_279 = arith.constant 0 : i32
      %broadcast_in_dim3A_280 = vector.broadcast %broadcast_in_dim3A_279 : i32 to vector<16xi32>
      %mul3A_281 = arith.constant 16 : i32
      %mul3A_282 = arith.muli %scan3A_270, %mul3A_281 : i32
      %add3A_283 = arith.addi %squeeze3A_163, %mul3A_282 : i32
      %swap3A_284 = arith.index_cast %add3A_283 : i32 to index
      %swap3A_285 = tpu.vector_load %arg13[%swap3A_284] {strides = array<i32>} : memref<10128xi32, #tpu.memory_space<vmem>>, vector<16xi32>,
      tpu.vector_store %arg13[%swap3A_284], %broadcast_in_dim3A_280 {strides = array<i32>} : memref<10128xi32, #tpu.memory_space<vmem>>, vector<16xi32>,
      %scan3A_286 = arith.constant 0 : i32
      scf.yield %scan3A_286 : i32
    }
    %scan3A_173 = arith.constant 8 : i32
    %add3A_174 = arith.constant 128 : i32
    %add3A_175 = arith.addi %squeeze3A_163, %add3A_174 : i32
    %sub3A_176 = arith.constant 1 : i32
    %sub3A_177 = arith.subi %add3A_175, %sub3A_176 : i32
    %jit3A_178 = arith.constant 128 : i32
    %div3A_179 = arith.divsi %sub3A_177, %jit3A_178 : i32
    %sign3A_180 = arith.constant 0 : i32
    %sign3A_181 = arith.cmpi sgt, %sub3A_177, %sign3A_180 : i32
    %sign3A_182 = arith.extui %sign3A_181 : i1 to i32
    %sign3A_183 = arith.constant 0 : i32
    %sign3A_184 = arith.cmpi slt, %sub3A_177, %sign3A_183 : i32
    %sign3A_185 = arith.extui %sign3A_184 : i1 to i32
    %sign3A_186 = arith.subi %sign3A_182, %sign3A_185 : i32
    %sign3A_187 = arith.constant 0 : i32
    %sign3A_188 = arith.cmpi sgt, %jit3A_178, %sign3A_187 : i32
    %sign3A_189 = arith.extui %sign3A_188 : i1 to i32
    %sign3A_190 = arith.constant 0 : i32
    %sign3A_191 = arith.cmpi slt, %jit3A_178, %sign3A_190 : i32
    %sign3A_192 = arith.extui %sign3A_191 : i1 to i32
    %sign3A_193 = arith.subi %sign3A_189, %sign3A_192 : i32
    %ne3A_194 = arith.cmpi ne, %sign3A_186, %sign3A_193 : i32
    %rem3A_195 = arith.remsi %sub3A_177, %jit3A_178 : i32
    %ne3A_196 = arith.constant 0 : i32
    %ne3A_197 = arith.cmpi ne, %rem3A_195, %ne3A_196 : i32
    %and3A_198 = arith.andi %ne3A_194, %ne3A_197 : i1
    %sub3A_199 = arith.constant 1 : i32
    %sub3A_200 = arith.subi %div3A_179, %sub3A_199 : i32
    %select_n3A_201 = arith.select %and3A_198, %sub3A_200, %div3A_179 : i32
    %gt3A_202 = arith.constant 0 : i32
    %gt3A_203 = arith.cmpi sgt, %select_n3A_201, %gt3A_202 : i32
    %convert_element_type3A_204 = arith.extui %gt3A_203 : i1 to i32
    %cond3A_205 = arith.constant 0 : i32
    %cond3A_206 = arith.cmpi ne, %convert_element_type3A_204, %cond3A_205 : i32
    scf.if %cond3A_206 {
      %parallel_loop3A_270 = arith.constant 0 : i32
      %parallel_loop3A_271 = arith.constant 8 : i32
      %parallel_loop3A_272 = arith.constant 1 : i32
      scf.for %parallel_loop3A_276 = %parallel_loop3A_270 to %parallel_loop3A_271 step %parallel_loop3A_272  : i32 {
        %parallel_loop3A_277 = arith.constant 16 : i32
        %parallel_loop3A_278 = arith.muli %parallel_loop3A_276, %parallel_loop3A_277 : i32
        %parallel_loop3A_279 = arith.constant 0 : i32
        %parallel_loop3A_280 = arith.addi %parallel_loop3A_279, %parallel_loop3A_278 : i32
        %parallel_loop3A_281 = arith.index_cast %parallel_loop3A_280 : i32 to index
        %parallel_loop3A_282 = tpu.vector_load %arg12[%parallel_loop3A_281] {strides = array<i32>} : memref<10128xi32, #tpu.memory_space<vmem>>, vector<16xi32>,
        %parallel_loop3A_283 = arith.constant 16 : i32
        %parallel_loop3A_284 = arith.muli %parallel_loop3A_276, %parallel_loop3A_283 : i32
        %parallel_loop3A_285 = arith.index_cast %parallel_loop3A_284 : i32 to index
        %parallel_loop3A_286 = tpu.vector_load %arg14[%parallel_loop3A_285] {strides = array<i32>} : memref<128xi32, #tpu.memory_space<vmem>>, vector<16xi32>,
        tpu.vector_store %arg14[%parallel_loop3A_285], %parallel_loop3A_282 {strides = array<i32>} : memref<128xi32, #tpu.memory_space<vmem>>, vector<16xi32>,
        %parallel_loop3A_287 = arith.constant 16 : i32
        %parallel_loop3A_288 = arith.muli %parallel_loop3A_276, %parallel_loop3A_287 : i32
        %parallel_loop3A_289 = arith.constant 0 : i32
        %parallel_loop3A_290 = arith.addi %parallel_loop3A_289, %parallel_loop3A_288 : i32
        %parallel_loop3A_291 = arith.index_cast %parallel_loop3A_290 : i32 to index
        %parallel_loop3A_292 = tpu.vector_load %arg13[%parallel_loop3A_291] {strides = array<i32>} : memref<10128xi32, #tpu.memory_space<vmem>>, vector<16xi32>,
        %parallel_loop3A_293 = arith.constant 16 : i32
        %parallel_loop3A_294 = arith.muli %parallel_loop3A_276, %parallel_loop3A_293 : i32
        %parallel_loop3A_295 = arith.index_cast %parallel_loop3A_294 : i32 to index
        %parallel_loop3A_296 = tpu.vector_load %arg15[%parallel_loop3A_295] {strides = array<i32>} : memref<128xi32, #tpu.memory_space<vmem>>, vector<16xi32>,
        tpu.vector_store %arg15[%parallel_loop3A_295], %parallel_loop3A_292 {strides = array<i32>} : memref<128xi32, #tpu.memory_space<vmem>>, vector<16xi32>,
      } {sc.loop_unroll_factor = 4 : i64, sc.parallel_access}
      %dma_start3A_273 = arith.constant 0 : i32
      %dma_start3A_274 = arith.constant 0 : i32
      %dma_start3A_275 = tpu.memref_slice %arg4[%dma_start3A_273, %dma_start3A_274] : memref<10000x128xf32, #tpu.memory_space<hbm>> -> memref<10000x128xf32, #tpu.memory_space<hbm>>
      tpu.enqueue_indirect_dma source(%dma_start3A_275 : memref<10000x128xf32, #tpu.memory_space<hbm>>) target(%arg16 : memref<128x128xf32, #tpu.memory_space<vmem>>) offsets(%arg15 : memref<128xi32, #tpu.memory_space<vmem>>) semaphore(%arg31 : memref<!tpu.dma_semaphore, #tpu.memory_space<semaphore_mem>>)
    } else {
    }
    %gt3A_207 = arith.constant 1 : i32
    %gt3A_208 = arith.cmpi sgt, %select_n3A_201, %gt3A_207 : i32
    %convert_element_type3A_209 = arith.extui %gt3A_208 : i1 to i32
    %cond3A_210 = arith.constant 0 : i32
    %cond3A_211 = arith.cmpi ne, %convert_element_type3A_209, %cond3A_210 : i32
    scf.if %cond3A_211 {
      %parallel_loop3A_270 = arith.constant 0 : i32
      %parallel_loop3A_271 = arith.constant 8 : i32
      %parallel_loop3A_272 = arith.constant 1 : i32
      scf.for %parallel_loop3A_276 = %parallel_loop3A_270 to %parallel_loop3A_271 step %parallel_loop3A_272  : i32 {
        %parallel_loop3A_277 = arith.constant 16 : i32
        %parallel_loop3A_278 = arith.muli %parallel_loop3A_276, %parallel_loop3A_277 : i32
        %parallel_loop3A_279 = arith.constant 128 : i32
        %parallel_loop3A_280 = arith.addi %parallel_loop3A_279, %parallel_loop3A_278 : i32
        %parallel_loop3A_281 = arith.index_cast %parallel_loop3A_280 : i32 to index
        %parallel_loop3A_282 = tpu.vector_load %arg12[%parallel_loop3A_281] {strides = array<i32>} : memref<10128xi32, #tpu.memory_space<vmem>>, vector<16xi32>,
        %parallel_loop3A_283 = arith.constant 16 : i32
        %parallel_loop3A_284 = arith.muli %parallel_loop3A_276, %parallel_loop3A_283 : i32
        %parallel_loop3A_285 = arith.index_cast %parallel_loop3A_284 : i32 to index
        %parallel_loop3A_286 = tpu.vector_load %arg17[%parallel_loop3A_285] {strides = array<i32>} : memref<128xi32, #tpu.memory_space<vmem>>, vector<16xi32>,
        tpu.vector_store %arg17[%parallel_loop3A_285], %parallel_loop3A_282 {strides = array<i32>} : memref<128xi32, #tpu.memory_space<vmem>>, vector<16xi32>,
        %parallel_loop3A_287 = arith.constant 16 : i32
        %parallel_loop3A_288 = arith.muli %parallel_loop3A_276, %parallel_loop3A_287 : i32
        %parallel_loop3A_289 = arith.constant 128 : i32
        %parallel_loop3A_290 = arith.addi %parallel_loop3A_289, %parallel_loop3A_288 : i32
        %parallel_loop3A_291 = arith.index_cast %parallel_loop3A_290 : i32 to index
        %parallel_loop3A_292 = tpu.vector_load %arg13[%parallel_loop3A_291] {strides = array<i32>} : memref<10128xi32, #tpu.memory_space<vmem>>, vector<16xi32>,
        %parallel_loop3A_293 = arith.constant 16 : i32
        %parallel_loop3A_294 = arith.muli %parallel_loop3A_276, %parallel_loop3A_293 : i32
        %parallel_loop3A_295 = arith.index_cast %parallel_loop3A_294 : i32 to index
        %parallel_loop3A_296 = tpu.vector_load %arg18[%parallel_loop3A_295] {strides = array<i32>} : memref<128xi32, #tpu.memory_space<vmem>>, vector<16xi32>,
        tpu.vector_store %arg18[%parallel_loop3A_295], %parallel_loop3A_292 {strides = array<i32>} : memref<128xi32, #tpu.memory_space<vmem>>, vector<16xi32>,
      } {sc.loop_unroll_factor = 4 : i64, sc.parallel_access}
      %dma_start3A_273 = arith.constant 0 : i32
      %dma_start3A_274 = arith.constant 0 : i32
      %dma_start3A_275 = tpu.memref_slice %arg4[%dma_start3A_273, %dma_start3A_274] : memref<10000x128xf32, #tpu.memory_space<hbm>> -> memref<10000x128xf32, #tpu.memory_space<hbm>>
      tpu.enqueue_indirect_dma source(%dma_start3A_275 : memref<10000x128xf32, #tpu.memory_space<hbm>>) target(%arg19 : memref<128x128xf32, #tpu.memory_space<vmem>>) offsets(%arg18 : memref<128xi32, #tpu.memory_space<vmem>>) semaphore(%arg32 : memref<!tpu.dma_semaphore, #tpu.memory_space<semaphore_mem>>)
    } else {
    }
    %gt3A_212 = arith.constant 2 : i32
    %gt3A_213 = arith.cmpi sgt, %select_n3A_201, %gt3A_212 : i32
    %convert_element_type3A_214 = arith.extui %gt3A_213 : i1 to i32
    %cond3A_215 = arith.constant 0 : i32
    %cond3A_216 = arith.cmpi ne, %convert_element_type3A_214, %cond3A_215 : i32
    scf.if %cond3A_216 {
      %parallel_loop3A_270 = arith.constant 0 : i32
      %parallel_loop3A_271 = arith.constant 8 : i32
      %parallel_loop3A_272 = arith.constant 1 : i32
      scf.for %parallel_loop3A_276 = %parallel_loop3A_270 to %parallel_loop3A_271 step %parallel_loop3A_272  : i32 {
        %parallel_loop3A_277 = arith.constant 16 : i32
        %parallel_loop3A_278 = arith.muli %parallel_loop3A_276, %parallel_loop3A_277 : i32
        %parallel_loop3A_279 = arith.constant 256 : i32
        %parallel_loop3A_280 = arith.addi %parallel_loop3A_279, %parallel_loop3A_278 : i32
        %parallel_loop3A_281 = arith.index_cast %parallel_loop3A_280 : i32 to index
        %parallel_loop3A_282 = tpu.vector_load %arg12[%parallel_loop3A_281] {strides = array<i32>} : memref<10128xi32, #tpu.memory_space<vmem>>, vector<16xi32>,
        %parallel_loop3A_283 = arith.constant 16 : i32
        %parallel_loop3A_284 = arith.muli %parallel_loop3A_276, %parallel_loop3A_283 : i32
        %parallel_loop3A_285 = arith.index_cast %parallel_loop3A_284 : i32 to index
        %parallel_loop3A_286 = tpu.vector_load %arg20[%parallel_loop3A_285] {strides = array<i32>} : memref<128xi32, #tpu.memory_space<vmem>>, vector<16xi32>,
        tpu.vector_store %arg20[%parallel_loop3A_285], %parallel_loop3A_282 {strides = array<i32>} : memref<128xi32, #tpu.memory_space<vmem>>, vector<16xi32>,
        %parallel_loop3A_287 = arith.constant 16 : i32
        %parallel_loop3A_288 = arith.muli %parallel_loop3A_276, %parallel_loop3A_287 : i32
        %parallel_loop3A_289 = arith.constant 256 : i32
        %parallel_loop3A_290 = arith.addi %parallel_loop3A_289, %parallel_loop3A_288 : i32
        %parallel_loop3A_291 = arith.index_cast %parallel_loop3A_290 : i32 to index
        %parallel_loop3A_292 = tpu.vector_load %arg13[%parallel_loop3A_291] {strides = array<i32>} : memref<10128xi32, #tpu.memory_space<vmem>>, vector<16xi32>,
        %parallel_loop3A_293 = arith.constant 16 : i32
        %parallel_loop3A_294 = arith.muli %parallel_loop3A_276, %parallel_loop3A_293 : i32
        %parallel_loop3A_295 = arith.index_cast %parallel_loop3A_294 : i32 to index
        %parallel_loop3A_296 = tpu.vector_load %arg21[%parallel_loop3A_295] {strides = array<i32>} : memref<128xi32, #tpu.memory_space<vmem>>, vector<16xi32>,
        tpu.vector_store %arg21[%parallel_loop3A_295], %parallel_loop3A_292 {strides = array<i32>} : memref<128xi32, #tpu.memory_space<vmem>>, vector<16xi32>,
      } {sc.loop_unroll_factor = 4 : i64, sc.parallel_access}
      %dma_start3A_273 = arith.constant 0 : i32
      %dma_start3A_274 = arith.constant 0 : i32
      %dma_start3A_275 = tpu.memref_slice %arg4[%dma_start3A_273, %dma_start3A_274] : memref<10000x128xf32, #tpu.memory_space<hbm>> -> memref<10000x128xf32, #tpu.memory_space<hbm>>
      tpu.enqueue_indirect_dma source(%dma_start3A_275 : memref<10000x128xf32, #tpu.memory_space<hbm>>) target(%arg22 : memref<128x128xf32, #tpu.memory_space<vmem>>) offsets(%arg21 : memref<128xi32, #tpu.memory_space<vmem>>) semaphore(%arg33 : memref<!tpu.dma_semaphore, #tpu.memory_space<semaphore_mem>>)
    } else {
    }
    %gt3A_217 = arith.constant 3 : i32
    %gt3A_218 = arith.cmpi sgt, %select_n3A_201, %gt3A_217 : i32
    %convert_element_type3A_219 = arith.extui %gt3A_218 : i1 to i32
    %cond3A_220 = arith.constant 0 : i32
    %cond3A_221 = arith.cmpi ne, %convert_element_type3A_219, %cond3A_220 : i32
    scf.if %cond3A_221 {
      %parallel_loop3A_270 = arith.constant 0 : i32
      %parallel_loop3A_271 = arith.constant 8 : i32
      %parallel_loop3A_272 = arith.constant 1 : i32
      scf.for %parallel_loop3A_276 = %parallel_loop3A_270 to %parallel_loop3A_271 step %parallel_loop3A_272  : i32 {
        %parallel_loop3A_277 = arith.constant 16 : i32
        %parallel_loop3A_278 = arith.muli %parallel_loop3A_276, %parallel_loop3A_277 : i32
        %parallel_loop3A_279 = arith.constant 384 : i32
        %parallel_loop3A_280 = arith.addi %parallel_loop3A_279, %parallel_loop3A_278 : i32
        %parallel_loop3A_281 = arith.index_cast %parallel_loop3A_280 : i32 to index
        %parallel_loop3A_282 = tpu.vector_load %arg12[%parallel_loop3A_281] {strides = array<i32>} : memref<10128xi32, #tpu.memory_space<vmem>>, vector<16xi32>,
        %parallel_loop3A_283 = arith.constant 16 : i32
        %parallel_loop3A_284 = arith.muli %parallel_loop3A_276, %parallel_loop3A_283 : i32
        %parallel_loop3A_285 = arith.index_cast %parallel_loop3A_284 : i32 to index
        %parallel_loop3A_286 = tpu.vector_load %arg23[%parallel_loop3A_285] {strides = array<i32>} : memref<128xi32, #tpu.memory_space<vmem>>, vector<16xi32>,
        tpu.vector_store %arg23[%parallel_loop3A_285], %parallel_loop3A_282 {strides = array<i32>} : memref<128xi32, #tpu.memory_space<vmem>>, vector<16xi32>,
        %parallel_loop3A_287 = arith.constant 16 : i32
        %parallel_loop3A_288 = arith.muli %parallel_loop3A_276, %parallel_loop3A_287 : i32
        %parallel_loop3A_289 = arith.constant 384 : i32
        %parallel_loop3A_290 = arith.addi %parallel_loop3A_289, %parallel_loop3A_288 : i32
        %parallel_loop3A_291 = arith.index_cast %parallel_loop3A_290 : i32 to index
        %parallel_loop3A_292 = tpu.vector_load %arg13[%parallel_loop3A_291] {strides = array<i32>} : memref<10128xi32, #tpu.memory_space<vmem>>, vector<16xi32>,
        %parallel_loop3A_293 = arith.constant 16 : i32
        %parallel_loop3A_294 = arith.muli %parallel_loop3A_276, %parallel_loop3A_293 : i32
        %parallel_loop3A_295 = arith.index_cast %parallel_loop3A_294 : i32 to index
        %parallel_loop3A_296 = tpu.vector_load %arg24[%parallel_loop3A_295] {strides = array<i32>} : memref<128xi32, #tpu.memory_space<vmem>>, vector<16xi32>,
        tpu.vector_store %arg24[%parallel_loop3A_295], %parallel_loop3A_292 {strides = array<i32>} : memref<128xi32, #tpu.memory_space<vmem>>, vector<16xi32>,
      } {sc.loop_unroll_factor = 4 : i64, sc.parallel_access}
      %dma_start3A_273 = arith.constant 0 : i32
      %dma_start3A_274 = arith.constant 0 : i32
      %dma_start3A_275 = tpu.memref_slice %arg4[%dma_start3A_273, %dma_start3A_274] : memref<10000x128xf32, #tpu.memory_space<hbm>> -> memref<10000x128xf32, #tpu.memory_space<hbm>>
      tpu.enqueue_indirect_dma source(%dma_start3A_275 : memref<10000x128xf32, #tpu.memory_space<hbm>>) target(%arg25 : memref<128x128xf32, #tpu.memory_space<vmem>>) offsets(%arg24 : memref<128xi32, #tpu.memory_space<vmem>>) semaphore(%arg34 : memref<!tpu.dma_semaphore, #tpu.memory_space<semaphore_mem>>)
    } else {
    }
    %add3A_222 = arith.constant 4 : i32
    %add3A_223 = arith.addi %select_n3A_201, %add3A_222 : i32
    %sub3A_224 = arith.constant 1 : i32
    %sub3A_225 = arith.subi %add3A_223, %sub3A_224 : i32
    %jit3A_226 = arith.constant 4 : i32
    %div3A_227 = arith.divsi %sub3A_225, %jit3A_226 : i32
    %sign3A_228 = arith.constant 0 : i32
    %sign3A_229 = arith.cmpi sgt, %sub3A_225, %sign3A_228 : i32
    %sign3A_230 = arith.extui %sign3A_229 : i1 to i32
    %sign3A_231 = arith.constant 0 : i32
    %sign3A_232 = arith.cmpi slt, %sub3A_225, %sign3A_231 : i32
    %sign3A_233 = arith.extui %sign3A_232 : i1 to i32
    %sign3A_234 = arith.subi %sign3A_230, %sign3A_233 : i32
    %sign3A_235 = arith.constant 0 : i32
    %sign3A_236 = arith.cmpi sgt, %jit3A_226, %sign3A_235 : i32
    %sign3A_237 = arith.extui %sign3A_236 : i1 to i32
    %sign3A_238 = arith.constant 0 : i32
    %sign3A_239 = arith.cmpi slt, %jit3A_226, %sign3A_238 : i32
    %sign3A_240 = arith.extui %sign3A_239 : i1 to i32
    %sign3A_241 = arith.subi %sign3A_237, %sign3A_240 : i32
    %ne3A_242 = arith.cmpi ne, %sign3A_234, %sign3A_241 : i32
    %rem3A_243 = arith.remsi %sub3A_225, %jit3A_226 : i32
    %ne3A_244 = arith.constant 0 : i32
    %ne3A_245 = arith.cmpi ne, %rem3A_243, %ne3A_244 : i32
    %and3A_246 = arith.andi %ne3A_242, %ne3A_245 : i1
    %sub3A_247 = arith.constant 1 : i32
    %sub3A_248 = arith.subi %div3A_227, %sub3A_247 : i32
    %select_n3A_249 = arith.select %and3A_246, %sub3A_248, %div3A_227 : i32
    %while3A_250 = arith.constant 0 : i32
    %while3A_251 = arith.constant 0 : i32
    %while3A_252 = arith.subi %select_n3A_249, %while3A_250 : i32
    %while3A_253 = arith.addi %while3A_250, %while3A_252 : i32
    %while3A_254 = arith.constant 1 : i32
    %while3A_255 = arith.divsi %while3A_252, %while3A_254 : i32
    %while3A_256 = arith.muli %while3A_255, %while3A_254 : i32
    %while3A_257 = arith.addi %while3A_250, %while3A_256 : i32
    %while3A_258 = arith.constant 1 : i32
    %while3A_259 = scf.for %while3A_270 = %while3A_250 to %while3A_257 step %while3A_258 iter_args(%while3A_271 = %while3A_251) -> (i32)  : i32 {
      %mul3A_272 = arith.constant 4 : i32
      %mul3A_273 = arith.muli %mul3A_272, %while3A_270 : i32
      %add3A_274 = arith.constant 0 : i32
      %add3A_275 = arith.addi %mul3A_273, %add3A_274 : i32
      %lt3A = arith.cmpi slt, %add3A_275, %select_n3A_201 : i32
      %convert_element_type3A_276 = arith.extui %lt3A : i1 to i32
      %cond3A_277 = arith.constant 0 : i32
      %cond3A_278 = arith.cmpi ne, %convert_element_type3A_276, %cond3A_277 : i32
      scf.if %cond3A_278 {
        %dma_wait3A_304 = arith.constant 0 : i32
        %dma_wait3A_305 = arith.constant 0 : i32
        %dma_wait3A_306 = tpu.memref_slice %arg4[%dma_wait3A_304, %dma_wait3A_305] : memref<10000x128xf32, #tpu.memory_space<hbm>> -> memref<10000x128xf32, #tpu.memory_space<hbm>>
        tpu.wait_indirect_dma semaphore(%arg31 : memref<!tpu.dma_semaphore, #tpu.memory_space<semaphore_mem>>) src(%dma_wait3A_306 : memref<10000x128xf32, #tpu.memory_space<hbm>>) dst(%arg16 : memref<128x128xf32, #tpu.memory_space<vmem>>)
        "tpu.region"() ({
          %run_scoped3A = tpu.sem_alloc : memref<!tpu.dma_semaphore, #tpu.memory_space<semaphore_mem>>
          %dma_start3A_313 = arith.constant 0 : i32
          %dma_start3A_314 = arith.constant 0 : i32
          %dma_start3A_315 = tpu.memref_slice %arg30[%dma_start3A_313, %dma_start3A_314] : memref<1152x128xf32, #tpu.memory_space<vmem_shared>> -> memref<1152x128xf32, #tpu.memory_space<vmem_shared>>
          tpu.enqueue_indirect_dma source(%arg16 : memref<128x128xf32, #tpu.memory_space<vmem>>) target(%dma_start3A_315 : memref<1152x128xf32, #tpu.memory_space<vmem_shared>>) offsets(%arg14 : memref<128xi32, #tpu.memory_space<vmem>>) semaphore(%run_scoped3A : memref<!tpu.dma_semaphore, #tpu.memory_space<semaphore_mem>>) {add = true}
          %dma_wait3A_316 = arith.constant 0 : i32
          %dma_wait3A_317 = arith.constant 0 : i32
          %dma_wait3A_318 = tpu.memref_slice %arg30[%dma_wait3A_316, %dma_wait3A_317] : memref<1152x128xf32, #tpu.memory_space<vmem_shared>> -> memref<1152x128xf32, #tpu.memory_space<vmem_shared>>
          tpu.wait_indirect_dma semaphore(%run_scoped3A : memref<!tpu.dma_semaphore, #tpu.memory_space<semaphore_mem>>) src(%arg16 : memref<128x128xf32, #tpu.memory_space<vmem>>) dst(%dma_wait3A_318 : memref<1152x128xf32, #tpu.memory_space<vmem_shared>>)
          tpu.yield
        }) : () -> ()
        %add3A_307 = arith.constant 4 : i32
        %add3A_308 = arith.addi %add3A_275, %add3A_307 : i32
        %lt3A_309 = arith.cmpi slt, %add3A_308, %select_n3A_201 : i32
        %convert_element_type3A_310 = arith.extui %lt3A_309 : i1 to i32
        %cond3A_311 = arith.constant 0 : i32
        %cond3A_312 = arith.cmpi ne, %convert_element_type3A_310, %cond3A_311 : i32
        scf.if %cond3A_312 {
          %add3A_313 = arith.constant 4 : i32
          %add3A_314 = arith.addi %add3A_275, %add3A_313 : i32
          %parallel_loop3A_315 = arith.constant 0 : i32
          %parallel_loop3A_316 = arith.constant 8 : i32
          %parallel_loop3A_317 = arith.constant 1 : i32
          scf.for %parallel_loop3A_321 = %parallel_loop3A_315 to %parallel_loop3A_316 step %parallel_loop3A_317  : i32 {
            %parallel_loop3A_322 = arith.constant 128 : i32
            %parallel_loop3A_323 = arith.muli %add3A_314, %parallel_loop3A_322 : i32
            %parallel_loop3A_324 = arith.constant 16 : i32
            %parallel_loop3A_325 = arith.muli %parallel_loop3A_321, %parallel_loop3A_324 : i32
            %parallel_loop3A_326 = arith.addi %parallel_loop3A_323, %parallel_loop3A_325 : i32
            %parallel_loop3A_327 = arith.index_cast %parallel_loop3A_326 : i32 to index
            %parallel_loop3A_328 = tpu.vector_load %arg12[%parallel_loop3A_327] {strides = array<i32>} : memref<10128xi32, #tpu.memory_space<vmem>>, vector<16xi32>,
            %parallel_loop3A_329 = arith.constant 16 : i32
            %parallel_loop3A_330 = arith.muli %parallel_loop3A_321, %parallel_loop3A_329 : i32
            %parallel_loop3A_331 = arith.index_cast %parallel_loop3A_330 : i32 to index
            %parallel_loop3A_332 = tpu.vector_load %arg14[%parallel_loop3A_331] {strides = array<i32>} : memref<128xi32, #tpu.memory_space<vmem>>, vector<16xi32>,
            tpu.vector_store %arg14[%parallel_loop3A_331], %parallel_loop3A_328 {strides = array<i32>} : memref<128xi32, #tpu.memory_space<vmem>>, vector<16xi32>,
            %parallel_loop3A_333 = arith.constant 128 : i32
            %parallel_loop3A_334 = arith.muli %add3A_314, %parallel_loop3A_333 : i32
            %parallel_loop3A_335 = arith.constant 16 : i32
            %parallel_loop3A_336 = arith.muli %parallel_loop3A_321, %parallel_loop3A_335 : i32
            %parallel_loop3A_337 = arith.addi %parallel_loop3A_334, %parallel_loop3A_336 : i32
            %parallel_loop3A_338 = arith.index_cast %parallel_loop3A_337 : i32 to index
            %parallel_loop3A_339 = tpu.vector_load %arg13[%parallel_loop3A_338] {strides = array<i32>} : memref<10128xi32, #tpu.memory_space<vmem>>, vector<16xi32>,
            %parallel_loop3A_340 = arith.constant 16 : i32
            %parallel_loop3A_341 = arith.muli %parallel_loop3A_321, %parallel_loop3A_340 : i32
            %parallel_loop3A_342 = arith.index_cast %parallel_loop3A_341 : i32 to index
            %parallel_loop3A_343 = tpu.vector_load %arg15[%parallel_loop3A_342] {strides = array<i32>} : memref<128xi32, #tpu.memory_space<vmem>>, vector<16xi32>,
            tpu.vector_store %arg15[%parallel_loop3A_342], %parallel_loop3A_339 {strides = array<i32>} : memref<128xi32, #tpu.memory_space<vmem>>, vector<16xi32>,
          } {sc.loop_unroll_factor = 4 : i64, sc.parallel_access}
          %dma_start3A_318 = arith.constant 0 : i32
          %dma_start3A_319 = arith.constant 0 : i32
          %dma_start3A_320 = tpu.memref_slice %arg4[%dma_start3A_318, %dma_start3A_319] : memref<10000x128xf32, #tpu.memory_space<hbm>> -> memref<10000x128xf32, #tpu.memory_space<hbm>>
          tpu.enqueue_indirect_dma source(%dma_start3A_320 : memref<10000x128xf32, #tpu.memory_space<hbm>>) target(%arg16 : memref<128x128xf32, #tpu.memory_space<vmem>>) offsets(%arg15 : memref<128xi32, #tpu.memory_space<vmem>>) semaphore(%arg31 : memref<!tpu.dma_semaphore, #tpu.memory_space<semaphore_mem>>)
        } else {
        }
      } else {
      }
      %mul3A_279 = arith.constant 4 : i32
      %mul3A_280 = arith.muli %mul3A_279, %while3A_270 : i32
      %add3A_281 = arith.constant 1 : i32
      %add3A_282 = arith.addi %mul3A_280, %add3A_281 : i32
      %lt3A_283 = arith.cmpi slt, %add3A_282, %select_n3A_201 : i32
      %convert_element_type3A_284 = arith.extui %lt3A_283 : i1 to i32
      %cond3A_285 = arith.constant 0 : i32
      %cond3A_286 = arith.cmpi ne, %convert_element_type3A_284, %cond3A_285 : i32
      scf.if %cond3A_286 {
        %dma_wait3A_304 = arith.constant 0 : i32
        %dma_wait3A_305 = arith.constant 0 : i32
        %dma_wait3A_306 = tpu.memref_slice %arg4[%dma_wait3A_304, %dma_wait3A_305] : memref<10000x128xf32, #tpu.memory_space<hbm>> -> memref<10000x128xf32, #tpu.memory_space<hbm>>
        tpu.wait_indirect_dma semaphore(%arg32 : memref<!tpu.dma_semaphore, #tpu.memory_space<semaphore_mem>>) src(%dma_wait3A_306 : memref<10000x128xf32, #tpu.memory_space<hbm>>) dst(%arg19 : memref<128x128xf32, #tpu.memory_space<vmem>>)
        "tpu.region"() ({
          %run_scoped3A = tpu.sem_alloc : memref<!tpu.dma_semaphore, #tpu.memory_space<semaphore_mem>>
          %dma_start3A_313 = arith.constant 0 : i32
          %dma_start3A_314 = arith.constant 0 : i32
          %dma_start3A_315 = tpu.memref_slice %arg30[%dma_start3A_313, %dma_start3A_314] : memref<1152x128xf32, #tpu.memory_space<vmem_shared>> -> memref<1152x128xf32, #tpu.memory_space<vmem_shared>>
          tpu.enqueue_indirect_dma source(%arg19 : memref<128x128xf32, #tpu.memory_space<vmem>>) target(%dma_start3A_315 : memref<1152x128xf32, #tpu.memory_space<vmem_shared>>) offsets(%arg17 : memref<128xi32, #tpu.memory_space<vmem>>) semaphore(%run_scoped3A : memref<!tpu.dma_semaphore, #tpu.memory_space<semaphore_mem>>) {add = true}
          %dma_wait3A_316 = arith.constant 0 : i32
          %dma_wait3A_317 = arith.constant 0 : i32
          %dma_wait3A_318 = tpu.memref_slice %arg30[%dma_wait3A_316, %dma_wait3A_317] : memref<1152x128xf32, #tpu.memory_space<vmem_shared>> -> memref<1152x128xf32, #tpu.memory_space<vmem_shared>>
          tpu.wait_indirect_dma semaphore(%run_scoped3A : memref<!tpu.dma_semaphore, #tpu.memory_space<semaphore_mem>>) src(%arg19 : memref<128x128xf32, #tpu.memory_space<vmem>>) dst(%dma_wait3A_318 : memref<1152x128xf32, #tpu.memory_space<vmem_shared>>)
          tpu.yield
        }) : () -> ()
        %add3A_307 = arith.constant 4 : i32
        %add3A_308 = arith.addi %add3A_282, %add3A_307 : i32
        %lt3A_309 = arith.cmpi slt, %add3A_308, %select_n3A_201 : i32
        %convert_element_type3A_310 = arith.extui %lt3A_309 : i1 to i32
        %cond3A_311 = arith.constant 0 : i32
        %cond3A_312 = arith.cmpi ne, %convert_element_type3A_310, %cond3A_311 : i32
        scf.if %cond3A_312 {
          %add3A_313 = arith.constant 4 : i32
          %add3A_314 = arith.addi %add3A_282, %add3A_313 : i32
          %parallel_loop3A_315 = arith.constant 0 : i32
          %parallel_loop3A_316 = arith.constant 8 : i32
          %parallel_loop3A_317 = arith.constant 1 : i32
          scf.for %parallel_loop3A_321 = %parallel_loop3A_315 to %parallel_loop3A_316 step %parallel_loop3A_317  : i32 {
            %parallel_loop3A_322 = arith.constant 128 : i32
            %parallel_loop3A_323 = arith.muli %add3A_314, %parallel_loop3A_322 : i32
            %parallel_loop3A_324 = arith.constant 16 : i32
            %parallel_loop3A_325 = arith.muli %parallel_loop3A_321, %parallel_loop3A_324 : i32
            %parallel_loop3A_326 = arith.addi %parallel_loop3A_323, %parallel_loop3A_325 : i32
            %parallel_loop3A_327 = arith.index_cast %parallel_loop3A_326 : i32 to index
            %parallel_loop3A_328 = tpu.vector_load %arg12[%parallel_loop3A_327] {strides = array<i32>} : memref<10128xi32, #tpu.memory_space<vmem>>, vector<16xi32>,
            %parallel_loop3A_329 = arith.constant 16 : i32
            %parallel_loop3A_330 = arith.muli %parallel_loop3A_321, %parallel_loop3A_329 : i32
            %parallel_loop3A_331 = arith.index_cast %parallel_loop3A_330 : i32 to index
            %parallel_loop3A_332 = tpu.vector_load %arg17[%parallel_loop3A_331] {strides = array<i32>} : memref<128xi32, #tpu.memory_space<vmem>>, vector<16xi32>,
            tpu.vector_store %arg17[%parallel_loop3A_331], %parallel_loop3A_328 {strides = array<i32>} : memref<128xi32, #tpu.memory_space<vmem>>, vector<16xi32>,
            %parallel_loop3A_333 = arith.constant 128 : i32
            %parallel_loop3A_334 = arith.muli %add3A_314, %parallel_loop3A_333 : i32
            %parallel_loop3A_335 = arith.constant 16 : i32
            %parallel_loop3A_336 = arith.muli %parallel_loop3A_321, %parallel_loop3A_335 : i32
            %parallel_loop3A_337 = arith.addi %parallel_loop3A_334, %parallel_loop3A_336 : i32
            %parallel_loop3A_338 = arith.index_cast %parallel_loop3A_337 : i32 to index
            %parallel_loop3A_339 = tpu.vector_load %arg13[%parallel_loop3A_338] {strides = array<i32>} : memref<10128xi32, #tpu.memory_space<vmem>>, vector<16xi32>,
            %parallel_loop3A_340 = arith.constant 16 : i32
            %parallel_loop3A_341 = arith.muli %parallel_loop3A_321, %parallel_loop3A_340 : i32
            %parallel_loop3A_342 = arith.index_cast %parallel_loop3A_341 : i32 to index
            %parallel_loop3A_343 = tpu.vector_load %arg18[%parallel_loop3A_342] {strides = array<i32>} : memref<128xi32, #tpu.memory_space<vmem>>, vector<16xi32>,
            tpu.vector_store %arg18[%parallel_loop3A_342], %parallel_loop3A_339 {strides = array<i32>} : memref<128xi32, #tpu.memory_space<vmem>>, vector<16xi32>,
          } {sc.loop_unroll_factor = 4 : i64, sc.parallel_access}
          %dma_start3A_318 = arith.constant 0 : i32
          %dma_start3A_319 = arith.constant 0 : i32
          %dma_start3A_320 = tpu.memref_slice %arg4[%dma_start3A_318, %dma_start3A_319] : memref<10000x128xf32, #tpu.memory_space<hbm>> -> memref<10000x128xf32, #tpu.memory_space<hbm>>
          tpu.enqueue_indirect_dma source(%dma_start3A_320 : memref<10000x128xf32, #tpu.memory_space<hbm>>) target(%arg19 : memref<128x128xf32, #tpu.memory_space<vmem>>) offsets(%arg18 : memref<128xi32, #tpu.memory_space<vmem>>) semaphore(%arg32 : memref<!tpu.dma_semaphore, #tpu.memory_space<semaphore_mem>>)
        } else {
        }
      } else {
      }
      %mul3A_287 = arith.constant 4 : i32
      %mul3A_288 = arith.muli %mul3A_287, %while3A_270 : i32
      %add3A_289 = arith.constant 2 : i32
      %add3A_290 = arith.addi %mul3A_288, %add3A_289 : i32
      %lt3A_291 = arith.cmpi slt, %add3A_290, %select_n3A_201 : i32
      %convert_element_type3A_292 = arith.extui %lt3A_291 : i1 to i32
      %cond3A_293 = arith.constant 0 : i32
      %cond3A_294 = arith.cmpi ne, %convert_element_type3A_292, %cond3A_293 : i32
      scf.if %cond3A_294 {
        %dma_wait3A_304 = arith.constant 0 : i32
        %dma_wait3A_305 = arith.constant 0 : i32
        %dma_wait3A_306 = tpu.memref_slice %arg4[%dma_wait3A_304, %dma_wait3A_305] : memref<10000x128xf32, #tpu.memory_space<hbm>> -> memref<10000x128xf32, #tpu.memory_space<hbm>>
        tpu.wait_indirect_dma semaphore(%arg33 : memref<!tpu.dma_semaphore, #tpu.memory_space<semaphore_mem>>) src(%dma_wait3A_306 : memref<10000x128xf32, #tpu.memory_space<hbm>>) dst(%arg22 : memref<128x128xf32, #tpu.memory_space<vmem>>)
        "tpu.region"() ({
          %run_scoped3A = tpu.sem_alloc : memref<!tpu.dma_semaphore, #tpu.memory_space<semaphore_mem>>
          %dma_start3A_313 = arith.constant 0 : i32
          %dma_start3A_314 = arith.constant 0 : i32
          %dma_start3A_315 = tpu.memref_slice %arg30[%dma_start3A_313, %dma_start3A_314] : memref<1152x128xf32, #tpu.memory_space<vmem_shared>> -> memref<1152x128xf32, #tpu.memory_space<vmem_shared>>
          tpu.enqueue_indirect_dma source(%arg22 : memref<128x128xf32, #tpu.memory_space<vmem>>) target(%dma_start3A_315 : memref<1152x128xf32, #tpu.memory_space<vmem_shared>>) offsets(%arg20 : memref<128xi32, #tpu.memory_space<vmem>>) semaphore(%run_scoped3A : memref<!tpu.dma_semaphore, #tpu.memory_space<semaphore_mem>>) {add = true}
          %dma_wait3A_316 = arith.constant 0 : i32
          %dma_wait3A_317 = arith.constant 0 : i32
          %dma_wait3A_318 = tpu.memref_slice %arg30[%dma_wait3A_316, %dma_wait3A_317] : memref<1152x128xf32, #tpu.memory_space<vmem_shared>> -> memref<1152x128xf32, #tpu.memory_space<vmem_shared>>
          tpu.wait_indirect_dma semaphore(%run_scoped3A : memref<!tpu.dma_semaphore, #tpu.memory_space<semaphore_mem>>) src(%arg22 : memref<128x128xf32, #tpu.memory_space<vmem>>) dst(%dma_wait3A_318 : memref<1152x128xf32, #tpu.memory_space<vmem_shared>>)
          tpu.yield
        }) : () -> ()
        %add3A_307 = arith.constant 4 : i32
        %add3A_308 = arith.addi %add3A_290, %add3A_307 : i32
        %lt3A_309 = arith.cmpi slt, %add3A_308, %select_n3A_201 : i32
        %convert_element_type3A_310 = arith.extui %lt3A_309 : i1 to i32
        %cond3A_311 = arith.constant 0 : i32
        %cond3A_312 = arith.cmpi ne, %convert_element_type3A_310, %cond3A_311 : i32
        scf.if %cond3A_312 {
          %add3A_313 = arith.constant 4 : i32
          %add3A_314 = arith.addi %add3A_290, %add3A_313 : i32
          %parallel_loop3A_315 = arith.constant 0 : i32
          %parallel_loop3A_316 = arith.constant 8 : i32
          %parallel_loop3A_317 = arith.constant 1 : i32
          scf.for %parallel_loop3A_321 = %parallel_loop3A_315 to %parallel_loop3A_316 step %parallel_loop3A_317  : i32 {
            %parallel_loop3A_322 = arith.constant 128 : i32
            %parallel_loop3A_323 = arith.muli %add3A_314, %parallel_loop3A_322 : i32
            %parallel_loop3A_324 = arith.constant 16 : i32
            %parallel_loop3A_325 = arith.muli %parallel_loop3A_321, %parallel_loop3A_324 : i32
            %parallel_loop3A_326 = arith.addi %parallel_loop3A_323, %parallel_loop3A_325 : i32
            %parallel_loop3A_327 = arith.index_cast %parallel_loop3A_326 : i32 to index
            %parallel_loop3A_328 = tpu.vector_load %arg12[%parallel_loop3A_327] {strides = array<i32>} : memref<10128xi32, #tpu.memory_space<vmem>>, vector<16xi32>,
            %parallel_loop3A_329 = arith.constant 16 : i32
            %parallel_loop3A_330 = arith.muli %parallel_loop3A_321, %parallel_loop3A_329 : i32
            %parallel_loop3A_331 = arith.index_cast %parallel_loop3A_330 : i32 to index
            %parallel_loop3A_332 = tpu.vector_load %arg20[%parallel_loop3A_331] {strides = array<i32>} : memref<128xi32, #tpu.memory_space<vmem>>, vector<16xi32>,
            tpu.vector_store %arg20[%parallel_loop3A_331], %parallel_loop3A_328 {strides = array<i32>} : memref<128xi32, #tpu.memory_space<vmem>>, vector<16xi32>,
            %parallel_loop3A_333 = arith.constant 128 : i32
            %parallel_loop3A_334 = arith.muli %add3A_314, %parallel_loop3A_333 : i32
            %parallel_loop3A_335 = arith.constant 16 : i32
            %parallel_loop3A_336 = arith.muli %parallel_loop3A_321, %parallel_loop3A_335 : i32
            %parallel_loop3A_337 = arith.addi %parallel_loop3A_334, %parallel_loop3A_336 : i32
            %parallel_loop3A_338 = arith.index_cast %parallel_loop3A_337 : i32 to index
            %parallel_loop3A_339 = tpu.vector_load %arg13[%parallel_loop3A_338] {strides = array<i32>} : memref<10128xi32, #tpu.memory_space<vmem>>, vector<16xi32>,
            %parallel_loop3A_340 = arith.constant 16 : i32
            %parallel_loop3A_341 = arith.muli %parallel_loop3A_321, %parallel_loop3A_340 : i32
            %parallel_loop3A_342 = arith.index_cast %parallel_loop3A_341 : i32 to index
            %parallel_loop3A_343 = tpu.vector_load %arg21[%parallel_loop3A_342] {strides = array<i32>} : memref<128xi32, #tpu.memory_space<vmem>>, vector<16xi32>,
            tpu.vector_store %arg21[%parallel_loop3A_342], %parallel_loop3A_339 {strides = array<i32>} : memref<128xi32, #tpu.memory_space<vmem>>, vector<16xi32>,
          } {sc.loop_unroll_factor = 4 : i64, sc.parallel_access}
          %dma_start3A_318 = arith.constant 0 : i32
          %dma_start3A_319 = arith.constant 0 : i32
          %dma_start3A_320 = tpu.memref_slice %arg4[%dma_start3A_318, %dma_start3A_319] : memref<10000x128xf32, #tpu.memory_space<hbm>> -> memref<10000x128xf32, #tpu.memory_space<hbm>>
          tpu.enqueue_indirect_dma source(%dma_start3A_320 : memref<10000x128xf32, #tpu.memory_space<hbm>>) target(%arg22 : memref<128x128xf32, #tpu.memory_space<vmem>>) offsets(%arg21 : memref<128xi32, #tpu.memory_space<vmem>>) semaphore(%arg33 : memref<!tpu.dma_semaphore, #tpu.memory_space<semaphore_mem>>)
        } else {
        }
      } else {
      }
      %mul3A_295 = arith.constant 4 : i32
      %mul3A_296 = arith.muli %mul3A_295, %while3A_270 : i32
      %add3A_297 = arith.constant 3 : i32
      %add3A_298 = arith.addi %mul3A_296, %add3A_297 : i32
      %lt3A_299 = arith.cmpi slt, %add3A_298, %select_n3A_201 : i32
      %convert_element_type3A_300 = arith.extui %lt3A_299 : i1 to i32
      %cond3A_301 = arith.constant 0 : i32
      %cond3A_302 = arith.cmpi ne, %convert_element_type3A_300, %cond3A_301 : i32
      scf.if %cond3A_302 {
        %dma_wait3A_304 = arith.constant 0 : i32
        %dma_wait3A_305 = arith.constant 0 : i32
        %dma_wait3A_306 = tpu.memref_slice %arg4[%dma_wait3A_304, %dma_wait3A_305] : memref<10000x128xf32, #tpu.memory_space<hbm>> -> memref<10000x128xf32, #tpu.memory_space<hbm>>
        tpu.wait_indirect_dma semaphore(%arg34 : memref<!tpu.dma_semaphore, #tpu.memory_space<semaphore_mem>>) src(%dma_wait3A_306 : memref<10000x128xf32, #tpu.memory_space<hbm>>) dst(%arg25 : memref<128x128xf32, #tpu.memory_space<vmem>>)
        "tpu.region"() ({
          %run_scoped3A = tpu.sem_alloc : memref<!tpu.dma_semaphore, #tpu.memory_space<semaphore_mem>>
          %dma_start3A_313 = arith.constant 0 : i32
          %dma_start3A_314 = arith.constant 0 : i32
          %dma_start3A_315 = tpu.memref_slice %arg30[%dma_start3A_313, %dma_start3A_314] : memref<1152x128xf32, #tpu.memory_space<vmem_shared>> -> memref<1152x128xf32, #tpu.memory_space<vmem_shared>>
          tpu.enqueue_indirect_dma source(%arg25 : memref<128x128xf32, #tpu.memory_space<vmem>>) target(%dma_start3A_315 : memref<1152x128xf32, #tpu.memory_space<vmem_shared>>) offsets(%arg23 : memref<128xi32, #tpu.memory_space<vmem>>) semaphore(%run_scoped3A : memref<!tpu.dma_semaphore, #tpu.memory_space<semaphore_mem>>) {add = true}
          %dma_wait3A_316 = arith.constant 0 : i32
          %dma_wait3A_317 = arith.constant 0 : i32
          %dma_wait3A_318 = tpu.memref_slice %arg30[%dma_wait3A_316, %dma_wait3A_317] : memref<1152x128xf32, #tpu.memory_space<vmem_shared>> -> memref<1152x128xf32, #tpu.memory_space<vmem_shared>>
          tpu.wait_indirect_dma semaphore(%run_scoped3A : memref<!tpu.dma_semaphore, #tpu.memory_space<semaphore_mem>>) src(%arg25 : memref<128x128xf32, #tpu.memory_space<vmem>>) dst(%dma_wait3A_318 : memref<1152x128xf32, #tpu.memory_space<vmem_shared>>)
          tpu.yield
        }) : () -> ()
        %add3A_307 = arith.constant 4 : i32
        %add3A_308 = arith.addi %add3A_298, %add3A_307 : i32
        %lt3A_309 = arith.cmpi slt, %add3A_308, %select_n3A_201 : i32
        %convert_element_type3A_310 = arith.extui %lt3A_309 : i1 to i32
        %cond3A_311 = arith.constant 0 : i32
        %cond3A_312 = arith.cmpi ne, %convert_element_type3A_310, %cond3A_311 : i32
        scf.if %cond3A_312 {
          %add3A_313 = arith.constant 4 : i32
          %add3A_314 = arith.addi %add3A_298, %add3A_313 : i32
          %parallel_loop3A_315 = arith.constant 0 : i32
          %parallel_loop3A_316 = arith.constant 8 : i32
          %parallel_loop3A_317 = arith.constant 1 : i32
          scf.for %parallel_loop3A_321 = %parallel_loop3A_315 to %parallel_loop3A_316 step %parallel_loop3A_317  : i32 {
            %parallel_loop3A_322 = arith.constant 128 : i32
            %parallel_loop3A_323 = arith.muli %add3A_314, %parallel_loop3A_322 : i32
            %parallel_loop3A_324 = arith.constant 16 : i32
            %parallel_loop3A_325 = arith.muli %parallel_loop3A_321, %parallel_loop3A_324 : i32
            %parallel_loop3A_326 = arith.addi %parallel_loop3A_323, %parallel_loop3A_325 : i32
            %parallel_loop3A_327 = arith.index_cast %parallel_loop3A_326 : i32 to index
            %parallel_loop3A_328 = tpu.vector_load %arg12[%parallel_loop3A_327] {strides = array<i32>} : memref<10128xi32, #tpu.memory_space<vmem>>, vector<16xi32>,
            %parallel_loop3A_329 = arith.constant 16 : i32
            %parallel_loop3A_330 = arith.muli %parallel_loop3A_321, %parallel_loop3A_329 : i32
            %parallel_loop3A_331 = arith.index_cast %parallel_loop3A_330 : i32 to index
            %parallel_loop3A_332 = tpu.vector_load %arg23[%parallel_loop3A_331] {strides = array<i32>} : memref<128xi32, #tpu.memory_space<vmem>>, vector<16xi32>,
            tpu.vector_store %arg23[%parallel_loop3A_331], %parallel_loop3A_328 {strides = array<i32>} : memref<128xi32, #tpu.memory_space<vmem>>, vector<16xi32>,
            %parallel_loop3A_333 = arith.constant 128 : i32
            %parallel_loop3A_334 = arith.muli %add3A_314, %parallel_loop3A_333 : i32
            %parallel_loop3A_335 = arith.constant 16 : i32
            %parallel_loop3A_336 = arith.muli %parallel_loop3A_321, %parallel_loop3A_335 : i32
            %parallel_loop3A_337 = arith.addi %parallel_loop3A_334, %parallel_loop3A_336 : i32
            %parallel_loop3A_338 = arith.index_cast %parallel_loop3A_337 : i32 to index
            %parallel_loop3A_339 = tpu.vector_load %arg13[%parallel_loop3A_338] {strides = array<i32>} : memref<10128xi32, #tpu.memory_space<vmem>>, vector<16xi32>,
            %parallel_loop3A_340 = arith.constant 16 : i32
            %parallel_loop3A_341 = arith.muli %parallel_loop3A_321, %parallel_loop3A_340 : i32
            %parallel_loop3A_342 = arith.index_cast %parallel_loop3A_341 : i32 to index
            %parallel_loop3A_343 = tpu.vector_load %arg24[%parallel_loop3A_342] {strides = array<i32>} : memref<128xi32, #tpu.memory_space<vmem>>, vector<16xi32>,
            tpu.vector_store %arg24[%parallel_loop3A_342], %parallel_loop3A_339 {strides = array<i32>} : memref<128xi32, #tpu.memory_space<vmem>>, vector<16xi32>,
          } {sc.loop_unroll_factor = 4 : i64, sc.parallel_access}
          %dma_start3A_318 = arith.constant 0 : i32
          %dma_start3A_319 = arith.constant 0 : i32
          %dma_start3A_320 = tpu.memref_slice %arg4[%dma_start3A_318, %dma_start3A_319] : memref<10000x128xf32, #tpu.memory_space<hbm>> -> memref<10000x128xf32, #tpu.memory_space<hbm>>
          tpu.enqueue_indirect_dma source(%dma_start3A_320 : memref<10000x128xf32, #tpu.memory_space<hbm>>) target(%arg25 : memref<128x128xf32, #tpu.memory_space<vmem>>) offsets(%arg24 : memref<128xi32, #tpu.memory_space<vmem>>) semaphore(%arg34 : memref<!tpu.dma_semaphore, #tpu.memory_space<semaphore_mem>>)
        } else {
        }
      } else {
      }
      %while3A_303 = arith.constant 0 : i32
      scf.yield %while3A_303 : i32
    }
    %while3A_260 = arith.constant 1 : i32
    %while3A_261 = scf.for %while3A_270 = %while3A_257 to %while3A_253 step %while3A_260 iter_args(%while3A_271 = %while3A_259) -> (i32)  : i32 {
      %mul3A_272 = arith.constant 4 : i32
      %mul3A_273 = arith.muli %mul3A_272, %while3A_270 : i32
      %add3A_274 = arith.constant 0 : i32
      %add3A_275 = arith.addi %mul3A_273, %add3A_274 : i32
      %lt3A = arith.cmpi slt, %add3A_275, %select_n3A_201 : i32
      %convert_element_type3A_276 = arith.extui %lt3A : i1 to i32
      %cond3A_277 = arith.constant 0 : i32
      %cond3A_278 = arith.cmpi ne, %convert_element_type3A_276, %cond3A_277 : i32
      scf.if %cond3A_278 {
        %dma_wait3A_304 = arith.constant 0 : i32
        %dma_wait3A_305 = arith.constant 0 : i32
        %dma_wait3A_306 = tpu.memref_slice %arg4[%dma_wait3A_304, %dma_wait3A_305] : memref<10000x128xf32, #tpu.memory_space<hbm>> -> memref<10000x128xf32, #tpu.memory_space<hbm>>
        tpu.wait_indirect_dma semaphore(%arg31 : memref<!tpu.dma_semaphore, #tpu.memory_space<semaphore_mem>>) src(%dma_wait3A_306 : memref<10000x128xf32, #tpu.memory_space<hbm>>) dst(%arg16 : memref<128x128xf32, #tpu.memory_space<vmem>>)
        "tpu.region"() ({
          %run_scoped3A = tpu.sem_alloc : memref<!tpu.dma_semaphore, #tpu.memory_space<semaphore_mem>>
          %dma_start3A_313 = arith.constant 0 : i32
          %dma_start3A_314 = arith.constant 0 : i32
          %dma_start3A_315 = tpu.memref_slice %arg30[%dma_start3A_313, %dma_start3A_314] : memref<1152x128xf32, #tpu.memory_space<vmem_shared>> -> memref<1152x128xf32, #tpu.memory_space<vmem_shared>>
          tpu.enqueue_indirect_dma source(%arg16 : memref<128x128xf32, #tpu.memory_space<vmem>>) target(%dma_start3A_315 : memref<1152x128xf32, #tpu.memory_space<vmem_shared>>) offsets(%arg14 : memref<128xi32, #tpu.memory_space<vmem>>) semaphore(%run_scoped3A : memref<!tpu.dma_semaphore, #tpu.memory_space<semaphore_mem>>) {add = true}
          %dma_wait3A_316 = arith.constant 0 : i32
          %dma_wait3A_317 = arith.constant 0 : i32
          %dma_wait3A_318 = tpu.memref_slice %arg30[%dma_wait3A_316, %dma_wait3A_317] : memref<1152x128xf32, #tpu.memory_space<vmem_shared>> -> memref<1152x128xf32, #tpu.memory_space<vmem_shared>>
          tpu.wait_indirect_dma semaphore(%run_scoped3A : memref<!tpu.dma_semaphore, #tpu.memory_space<semaphore_mem>>) src(%arg16 : memref<128x128xf32, #tpu.memory_space<vmem>>) dst(%dma_wait3A_318 : memref<1152x128xf32, #tpu.memory_space<vmem_shared>>)
          tpu.yield
        }) : () -> ()
        %add3A_307 = arith.constant 4 : i32
        %add3A_308 = arith.addi %add3A_275, %add3A_307 : i32
        %lt3A_309 = arith.cmpi slt, %add3A_308, %select_n3A_201 : i32
        %convert_element_type3A_310 = arith.extui %lt3A_309 : i1 to i32
        %cond3A_311 = arith.constant 0 : i32
        %cond3A_312 = arith.cmpi ne, %convert_element_type3A_310, %cond3A_311 : i32
        scf.if %cond3A_312 {
          %add3A_313 = arith.constant 4 : i32
          %add3A_314 = arith.addi %add3A_275, %add3A_313 : i32
          %parallel_loop3A_315 = arith.constant 0 : i32
          %parallel_loop3A_316 = arith.constant 8 : i32
          %parallel_loop3A_317 = arith.constant 1 : i32
          scf.for %parallel_loop3A_321 = %parallel_loop3A_315 to %parallel_loop3A_316 step %parallel_loop3A_317  : i32 {
            %parallel_loop3A_322 = arith.constant 128 : i32
            %parallel_loop3A_323 = arith.muli %add3A_314, %parallel_loop3A_322 : i32
            %parallel_loop3A_324 = arith.constant 16 : i32
            %parallel_loop3A_325 = arith.muli %parallel_loop3A_321, %parallel_loop3A_324 : i32
            %parallel_loop3A_326 = arith.addi %parallel_loop3A_323, %parallel_loop3A_325 : i32
            %parallel_loop3A_327 = arith.index_cast %parallel_loop3A_326 : i32 to index
            %parallel_loop3A_328 = tpu.vector_load %arg12[%parallel_loop3A_327] {strides = array<i32>} : memref<10128xi32, #tpu.memory_space<vmem>>, vector<16xi32>,
            %parallel_loop3A_329 = arith.constant 16 : i32
            %parallel_loop3A_330 = arith.muli %parallel_loop3A_321, %parallel_loop3A_329 : i32
            %parallel_loop3A_331 = arith.index_cast %parallel_loop3A_330 : i32 to index
            %parallel_loop3A_332 = tpu.vector_load %arg14[%parallel_loop3A_331] {strides = array<i32>} : memref<128xi32, #tpu.memory_space<vmem>>, vector<16xi32>,
            tpu.vector_store %arg14[%parallel_loop3A_331], %parallel_loop3A_328 {strides = array<i32>} : memref<128xi32, #tpu.memory_space<vmem>>, vector<16xi32>,
            %parallel_loop3A_333 = arith.constant 128 : i32
            %parallel_loop3A_334 = arith.muli %add3A_314, %parallel_loop3A_333 : i32
            %parallel_loop3A_335 = arith.constant 16 : i32
            %parallel_loop3A_336 = arith.muli %parallel_loop3A_321, %parallel_loop3A_335 : i32
            %parallel_loop3A_337 = arith.addi %parallel_loop3A_334, %parallel_loop3A_336 : i32
            %parallel_loop3A_338 = arith.index_cast %parallel_loop3A_337 : i32 to index
            %parallel_loop3A_339 = tpu.vector_load %arg13[%parallel_loop3A_338] {strides = array<i32>} : memref<10128xi32, #tpu.memory_space<vmem>>, vector<16xi32>,
            %parallel_loop3A_340 = arith.constant 16 : i32
            %parallel_loop3A_341 = arith.muli %parallel_loop3A_321, %parallel_loop3A_340 : i32
            %parallel_loop3A_342 = arith.index_cast %parallel_loop3A_341 : i32 to index
            %parallel_loop3A_343 = tpu.vector_load %arg15[%parallel_loop3A_342] {strides = array<i32>} : memref<128xi32, #tpu.memory_space<vmem>>, vector<16xi32>,
            tpu.vector_store %arg15[%parallel_loop3A_342], %parallel_loop3A_339 {strides = array<i32>} : memref<128xi32, #tpu.memory_space<vmem>>, vector<16xi32>,
          } {sc.loop_unroll_factor = 4 : i64, sc.parallel_access}
          %dma_start3A_318 = arith.constant 0 : i32
          %dma_start3A_319 = arith.constant 0 : i32
          %dma_start3A_320 = tpu.memref_slice %arg4[%dma_start3A_318, %dma_start3A_319] : memref<10000x128xf32, #tpu.memory_space<hbm>> -> memref<10000x128xf32, #tpu.memory_space<hbm>>
          tpu.enqueue_indirect_dma source(%dma_start3A_320 : memref<10000x128xf32, #tpu.memory_space<hbm>>) target(%arg16 : memref<128x128xf32, #tpu.memory_space<vmem>>) offsets(%arg15 : memref<128xi32, #tpu.memory_space<vmem>>) semaphore(%arg31 : memref<!tpu.dma_semaphore, #tpu.memory_space<semaphore_mem>>)
        } else {
        }
      } else {
      }
      %mul3A_279 = arith.constant 4 : i32
      %mul3A_280 = arith.muli %mul3A_279, %while3A_270 : i32
      %add3A_281 = arith.constant 1 : i32
      %add3A_282 = arith.addi %mul3A_280, %add3A_281 : i32
      %lt3A_283 = arith.cmpi slt, %add3A_282, %select_n3A_201 : i32
      %convert_element_type3A_284 = arith.extui %lt3A_283 : i1 to i32
      %cond3A_285 = arith.constant 0 : i32
      %cond3A_286 = arith.cmpi ne, %convert_element_type3A_284, %cond3A_285 : i32
      scf.if %cond3A_286 {
        %dma_wait3A_304 = arith.constant 0 : i32
        %dma_wait3A_305 = arith.constant 0 : i32
        %dma_wait3A_306 = tpu.memref_slice %arg4[%dma_wait3A_304, %dma_wait3A_305] : memref<10000x128xf32, #tpu.memory_space<hbm>> -> memref<10000x128xf32, #tpu.memory_space<hbm>>
        tpu.wait_indirect_dma semaphore(%arg32 : memref<!tpu.dma_semaphore, #tpu.memory_space<semaphore_mem>>) src(%dma_wait3A_306 : memref<10000x128xf32, #tpu.memory_space<hbm>>) dst(%arg19 : memref<128x128xf32, #tpu.memory_space<vmem>>)
        "tpu.region"() ({
          %run_scoped3A = tpu.sem_alloc : memref<!tpu.dma_semaphore, #tpu.memory_space<semaphore_mem>>
          %dma_start3A_313 = arith.constant 0 : i32
          %dma_start3A_314 = arith.constant 0 : i32
          %dma_start3A_315 = tpu.memref_slice %arg30[%dma_start3A_313, %dma_start3A_314] : memref<1152x128xf32, #tpu.memory_space<vmem_shared>> -> memref<1152x128xf32, #tpu.memory_space<vmem_shared>>
          tpu.enqueue_indirect_dma source(%arg19 : memref<128x128xf32, #tpu.memory_space<vmem>>) target(%dma_start3A_315 : memref<1152x128xf32, #tpu.memory_space<vmem_shared>>) offsets(%arg17 : memref<128xi32, #tpu.memory_space<vmem>>) semaphore(%run_scoped3A : memref<!tpu.dma_semaphore, #tpu.memory_space<semaphore_mem>>) {add = true}
          %dma_wait3A_316 = arith.constant 0 : i32
          %dma_wait3A_317 = arith.constant 0 : i32
          %dma_wait3A_318 = tpu.memref_slice %arg30[%dma_wait3A_316, %dma_wait3A_317] : memref<1152x128xf32, #tpu.memory_space<vmem_shared>> -> memref<1152x128xf32, #tpu.memory_space<vmem_shared>>
          tpu.wait_indirect_dma semaphore(%run_scoped3A : memref<!tpu.dma_semaphore, #tpu.memory_space<semaphore_mem>>) src(%arg19 : memref<128x128xf32, #tpu.memory_space<vmem>>) dst(%dma_wait3A_318 : memref<1152x128xf32, #tpu.memory_space<vmem_shared>>)
          tpu.yield
        }) : () -> ()
        %add3A_307 = arith.constant 4 : i32
        %add3A_308 = arith.addi %add3A_282, %add3A_307 : i32
        %lt3A_309 = arith.cmpi slt, %add3A_308, %select_n3A_201 : i32
        %convert_element_type3A_310 = arith.extui %lt3A_309 : i1 to i32
        %cond3A_311 = arith.constant 0 : i32
        %cond3A_312 = arith.cmpi ne, %convert_element_type3A_310, %cond3A_311 : i32
        scf.if %cond3A_312 {
          %add3A_313 = arith.constant 4 : i32
          %add3A_314 = arith.addi %add3A_282, %add3A_313 : i32
          %parallel_loop3A_315 = arith.constant 0 : i32
          %parallel_loop3A_316 = arith.constant 8 : i32
          %parallel_loop3A_317 = arith.constant 1 : i32
          scf.for %parallel_loop3A_321 = %parallel_loop3A_315 to %parallel_loop3A_316 step %parallel_loop3A_317  : i32 {
            %parallel_loop3A_322 = arith.constant 128 : i32
            %parallel_loop3A_323 = arith.muli %add3A_314, %parallel_loop3A_322 : i32
            %parallel_loop3A_324 = arith.constant 16 : i32
            %parallel_loop3A_325 = arith.muli %parallel_loop3A_321, %parallel_loop3A_324 : i32
            %parallel_loop3A_326 = arith.addi %parallel_loop3A_323, %parallel_loop3A_325 : i32
            %parallel_loop3A_327 = arith.index_cast %parallel_loop3A_326 : i32 to index
            %parallel_loop3A_328 = tpu.vector_load %arg12[%parallel_loop3A_327] {strides = array<i32>} : memref<10128xi32, #tpu.memory_space<vmem>>, vector<16xi32>,
            %parallel_loop3A_329 = arith.constant 16 : i32
            %parallel_loop3A_330 = arith.muli %parallel_loop3A_321, %parallel_loop3A_329 : i32
            %parallel_loop3A_331 = arith.index_cast %parallel_loop3A_330 : i32 to index
            %parallel_loop3A_332 = tpu.vector_load %arg17[%parallel_loop3A_331] {strides = array<i32>} : memref<128xi32, #tpu.memory_space<vmem>>, vector<16xi32>,
            tpu.vector_store %arg17[%parallel_loop3A_331], %parallel_loop3A_328 {strides = array<i32>} : memref<128xi32, #tpu.memory_space<vmem>>, vector<16xi32>,
            %parallel_loop3A_333 = arith.constant 128 : i32
            %parallel_loop3A_334 = arith.muli %add3A_314, %parallel_loop3A_333 : i32
            %parallel_loop3A_335 = arith.constant 16 : i32
            %parallel_loop3A_336 = arith.muli %parallel_loop3A_321, %parallel_loop3A_335 : i32
            %parallel_loop3A_337 = arith.addi %parallel_loop3A_334, %parallel_loop3A_336 : i32
            %parallel_loop3A_338 = arith.index_cast %parallel_loop3A_337 : i32 to index
            %parallel_loop3A_339 = tpu.vector_load %arg13[%parallel_loop3A_338] {strides = array<i32>} : memref<10128xi32, #tpu.memory_space<vmem>>, vector<16xi32>,
            %parallel_loop3A_340 = arith.constant 16 : i32
            %parallel_loop3A_341 = arith.muli %parallel_loop3A_321, %parallel_loop3A_340 : i32
            %parallel_loop3A_342 = arith.index_cast %parallel_loop3A_341 : i32 to index
            %parallel_loop3A_343 = tpu.vector_load %arg18[%parallel_loop3A_342] {strides = array<i32>} : memref<128xi32, #tpu.memory_space<vmem>>, vector<16xi32>,
            tpu.vector_store %arg18[%parallel_loop3A_342], %parallel_loop3A_339 {strides = array<i32>} : memref<128xi32, #tpu.memory_space<vmem>>, vector<16xi32>,
          } {sc.loop_unroll_factor = 4 : i64, sc.parallel_access}
          %dma_start3A_318 = arith.constant 0 : i32
          %dma_start3A_319 = arith.constant 0 : i32
          %dma_start3A_320 = tpu.memref_slice %arg4[%dma_start3A_318, %dma_start3A_319] : memref<10000x128xf32, #tpu.memory_space<hbm>> -> memref<10000x128xf32, #tpu.memory_space<hbm>>
          tpu.enqueue_indirect_dma source(%dma_start3A_320 : memref<10000x128xf32, #tpu.memory_space<hbm>>) target(%arg19 : memref<128x128xf32, #tpu.memory_space<vmem>>) offsets(%arg18 : memref<128xi32, #tpu.memory_space<vmem>>) semaphore(%arg32 : memref<!tpu.dma_semaphore, #tpu.memory_space<semaphore_mem>>)
        } else {
        }
      } else {
      }
      %mul3A_287 = arith.constant 4 : i32
      %mul3A_288 = arith.muli %mul3A_287, %while3A_270 : i32
      %add3A_289 = arith.constant 2 : i32
      %add3A_290 = arith.addi %mul3A_288, %add3A_289 : i32
      %lt3A_291 = arith.cmpi slt, %add3A_290, %select_n3A_201 : i32
      %convert_element_type3A_292 = arith.extui %lt3A_291 : i1 to i32
      %cond3A_293 = arith.constant 0 : i32
      %cond3A_294 = arith.cmpi ne, %convert_element_type3A_292, %cond3A_293 : i32
      scf.if %cond3A_294 {
        %dma_wait3A_304 = arith.constant 0 : i32
        %dma_wait3A_305 = arith.constant 0 : i32
        %dma_wait3A_306 = tpu.memref_slice %arg4[%dma_wait3A_304, %dma_wait3A_305] : memref<10000x128xf32, #tpu.memory_space<hbm>> -> memref<10000x128xf32, #tpu.memory_space<hbm>>
        tpu.wait_indirect_dma semaphore(%arg33 : memref<!tpu.dma_semaphore, #tpu.memory_space<semaphore_mem>>) src(%dma_wait3A_306 : memref<10000x128xf32, #tpu.memory_space<hbm>>) dst(%arg22 : memref<128x128xf32, #tpu.memory_space<vmem>>)
        "tpu.region"() ({
          %run_scoped3A = tpu.sem_alloc : memref<!tpu.dma_semaphore, #tpu.memory_space<semaphore_mem>>
          %dma_start3A_313 = arith.constant 0 : i32
          %dma_start3A_314 = arith.constant 0 : i32
          %dma_start3A_315 = tpu.memref_slice %arg30[%dma_start3A_313, %dma_start3A_314] : memref<1152x128xf32, #tpu.memory_space<vmem_shared>> -> memref<1152x128xf32, #tpu.memory_space<vmem_shared>>
          tpu.enqueue_indirect_dma source(%arg22 : memref<128x128xf32, #tpu.memory_space<vmem>>) target(%dma_start3A_315 : memref<1152x128xf32, #tpu.memory_space<vmem_shared>>) offsets(%arg20 : memref<128xi32, #tpu.memory_space<vmem>>) semaphore(%run_scoped3A : memref<!tpu.dma_semaphore, #tpu.memory_space<semaphore_mem>>) {add = true}
          %dma_wait3A_316 = arith.constant 0 : i32
          %dma_wait3A_317 = arith.constant 0 : i32
          %dma_wait3A_318 = tpu.memref_slice %arg30[%dma_wait3A_316, %dma_wait3A_317] : memref<1152x128xf32, #tpu.memory_space<vmem_shared>> -> memref<1152x128xf32, #tpu.memory_space<vmem_shared>>
          tpu.wait_indirect_dma semaphore(%run_scoped3A : memref<!tpu.dma_semaphore, #tpu.memory_space<semaphore_mem>>) src(%arg22 : memref<128x128xf32, #tpu.memory_space<vmem>>) dst(%dma_wait3A_318 : memref<1152x128xf32, #tpu.memory_space<vmem_shared>>)
          tpu.yield
        }) : () -> ()
        %add3A_307 = arith.constant 4 : i32
        %add3A_308 = arith.addi %add3A_290, %add3A_307 : i32
        %lt3A_309 = arith.cmpi slt, %add3A_308, %select_n3A_201 : i32
        %convert_element_type3A_310 = arith.extui %lt3A_309 : i1 to i32
        %cond3A_311 = arith.constant 0 : i32
        %cond3A_312 = arith.cmpi ne, %convert_element_type3A_310, %cond3A_311 : i32
        scf.if %cond3A_312 {
          %add3A_313 = arith.constant 4 : i32
          %add3A_314 = arith.addi %add3A_290, %add3A_313 : i32
          %parallel_loop3A_315 = arith.constant 0 : i32
          %parallel_loop3A_316 = arith.constant 8 : i32
          %parallel_loop3A_317 = arith.constant 1 : i32
          scf.for %parallel_loop3A_321 = %parallel_loop3A_315 to %parallel_loop3A_316 step %parallel_loop3A_317  : i32 {
            %parallel_loop3A_322 = arith.constant 128 : i32
            %parallel_loop3A_323 = arith.muli %add3A_314, %parallel_loop3A_322 : i32
            %parallel_loop3A_324 = arith.constant 16 : i32
            %parallel_loop3A_325 = arith.muli %parallel_loop3A_321, %parallel_loop3A_324 : i32
            %parallel_loop3A_326 = arith.addi %parallel_loop3A_323, %parallel_loop3A_325 : i32
            %parallel_loop3A_327 = arith.index_cast %parallel_loop3A_326 : i32 to index
            %parallel_loop3A_328 = tpu.vector_load %arg12[%parallel_loop3A_327] {strides = array<i32>} : memref<10128xi32, #tpu.memory_space<vmem>>, vector<16xi32>,
            %parallel_loop3A_329 = arith.constant 16 : i32
            %parallel_loop3A_330 = arith.muli %parallel_loop3A_321, %parallel_loop3A_329 : i32
            %parallel_loop3A_331 = arith.index_cast %parallel_loop3A_330 : i32 to index
            %parallel_loop3A_332 = tpu.vector_load %arg20[%parallel_loop3A_331] {strides = array<i32>} : memref<128xi32, #tpu.memory_space<vmem>>, vector<16xi32>,
            tpu.vector_store %arg20[%parallel_loop3A_331], %parallel_loop3A_328 {strides = array<i32>} : memref<128xi32, #tpu.memory_space<vmem>>, vector<16xi32>,
            %parallel_loop3A_333 = arith.constant 128 : i32
            %parallel_loop3A_334 = arith.muli %add3A_314, %parallel_loop3A_333 : i32
            %parallel_loop3A_335 = arith.constant 16 : i32
            %parallel_loop3A_336 = arith.muli %parallel_loop3A_321, %parallel_loop3A_335 : i32
            %parallel_loop3A_337 = arith.addi %parallel_loop3A_334, %parallel_loop3A_336 : i32
            %parallel_loop3A_338 = arith.index_cast %parallel_loop3A_337 : i32 to index
            %parallel_loop3A_339 = tpu.vector_load %arg13[%parallel_loop3A_338] {strides = array<i32>} : memref<10128xi32, #tpu.memory_space<vmem>>, vector<16xi32>,
            %parallel_loop3A_340 = arith.constant 16 : i32
            %parallel_loop3A_341 = arith.muli %parallel_loop3A_321, %parallel_loop3A_340 : i32
            %parallel_loop3A_342 = arith.index_cast %parallel_loop3A_341 : i32 to index
            %parallel_loop3A_343 = tpu.vector_load %arg21[%parallel_loop3A_342] {strides = array<i32>} : memref<128xi32, #tpu.memory_space<vmem>>, vector<16xi32>,
            tpu.vector_store %arg21[%parallel_loop3A_342], %parallel_loop3A_339 {strides = array<i32>} : memref<128xi32, #tpu.memory_space<vmem>>, vector<16xi32>,
          } {sc.loop_unroll_factor = 4 : i64, sc.parallel_access}
          %dma_start3A_318 = arith.constant 0 : i32
          %dma_start3A_319 = arith.constant 0 : i32
          %dma_start3A_320 = tpu.memref_slice %arg4[%dma_start3A_318, %dma_start3A_319] : memref<10000x128xf32, #tpu.memory_space<hbm>> -> memref<10000x128xf32, #tpu.memory_space<hbm>>
          tpu.enqueue_indirect_dma source(%dma_start3A_320 : memref<10000x128xf32, #tpu.memory_space<hbm>>) target(%arg22 : memref<128x128xf32, #tpu.memory_space<vmem>>) offsets(%arg21 : memref<128xi32, #tpu.memory_space<vmem>>) semaphore(%arg33 : memref<!tpu.dma_semaphore, #tpu.memory_space<semaphore_mem>>)
        } else {
        }
      } else {
      }
      %mul3A_295 = arith.constant 4 : i32
      %mul3A_296 = arith.muli %mul3A_295, %while3A_270 : i32
      %add3A_297 = arith.constant 3 : i32
      %add3A_298 = arith.addi %mul3A_296, %add3A_297 : i32
      %lt3A_299 = arith.cmpi slt, %add3A_298, %select_n3A_201 : i32
      %convert_element_type3A_300 = arith.extui %lt3A_299 : i1 to i32
      %cond3A_301 = arith.constant 0 : i32
      %cond3A_302 = arith.cmpi ne, %convert_element_type3A_300, %cond3A_301 : i32
      scf.if %cond3A_302 {
        %dma_wait3A_304 = arith.constant 0 : i32
        %dma_wait3A_305 = arith.constant 0 : i32
        %dma_wait3A_306 = tpu.memref_slice %arg4[%dma_wait3A_304, %dma_wait3A_305] : memref<10000x128xf32, #tpu.memory_space<hbm>> -> memref<10000x128xf32, #tpu.memory_space<hbm>>
        tpu.wait_indirect_dma semaphore(%arg34 : memref<!tpu.dma_semaphore, #tpu.memory_space<semaphore_mem>>) src(%dma_wait3A_306 : memref<10000x128xf32, #tpu.memory_space<hbm>>) dst(%arg25 : memref<128x128xf32, #tpu.memory_space<vmem>>)
        "tpu.region"() ({
          %run_scoped3A = tpu.sem_alloc : memref<!tpu.dma_semaphore, #tpu.memory_space<semaphore_mem>>
          %dma_start3A_313 = arith.constant 0 : i32
          %dma_start3A_314 = arith.constant 0 : i32
          %dma_start3A_315 = tpu.memref_slice %arg30[%dma_start3A_313, %dma_start3A_314] : memref<1152x128xf32, #tpu.memory_space<vmem_shared>> -> memref<1152x128xf32, #tpu.memory_space<vmem_shared>>
          tpu.enqueue_indirect_dma source(%arg25 : memref<128x128xf32, #tpu.memory_space<vmem>>) target(%dma_start3A_315 : memref<1152x128xf32, #tpu.memory_space<vmem_shared>>) offsets(%arg23 : memref<128xi32, #tpu.memory_space<vmem>>) semaphore(%run_scoped3A : memref<!tpu.dma_semaphore, #tpu.memory_space<semaphore_mem>>) {add = true}
          %dma_wait3A_316 = arith.constant 0 : i32
          %dma_wait3A_317 = arith.constant 0 : i32
          %dma_wait3A_318 = tpu.memref_slice %arg30[%dma_wait3A_316, %dma_wait3A_317] : memref<1152x128xf32, #tpu.memory_space<vmem_shared>> -> memref<1152x128xf32, #tpu.memory_space<vmem_shared>>
          tpu.wait_indirect_dma semaphore(%run_scoped3A : memref<!tpu.dma_semaphore, #tpu.memory_space<semaphore_mem>>) src(%arg25 : memref<128x128xf32, #tpu.memory_space<vmem>>) dst(%dma_wait3A_318 : memref<1152x128xf32, #tpu.memory_space<vmem_shared>>)
          tpu.yield
        }) : () -> ()
        %add3A_307 = arith.constant 4 : i32
        %add3A_308 = arith.addi %add3A_298, %add3A_307 : i32
        %lt3A_309 = arith.cmpi slt, %add3A_308, %select_n3A_201 : i32
        %convert_element_type3A_310 = arith.extui %lt3A_309 : i1 to i32
        %cond3A_311 = arith.constant 0 : i32
        %cond3A_312 = arith.cmpi ne, %convert_element_type3A_310, %cond3A_311 : i32
        scf.if %cond3A_312 {
          %add3A_313 = arith.constant 4 : i32
          %add3A_314 = arith.addi %add3A_298, %add3A_313 : i32
          %parallel_loop3A_315 = arith.constant 0 : i32
          %parallel_loop3A_316 = arith.constant 8 : i32
          %parallel_loop3A_317 = arith.constant 1 : i32
          scf.for %parallel_loop3A_321 = %parallel_loop3A_315 to %parallel_loop3A_316 step %parallel_loop3A_317  : i32 {
            %parallel_loop3A_322 = arith.constant 128 : i32
            %parallel_loop3A_323 = arith.muli %add3A_314, %parallel_loop3A_322 : i32
            %parallel_loop3A_324 = arith.constant 16 : i32
            %parallel_loop3A_325 = arith.muli %parallel_loop3A_321, %parallel_loop3A_324 : i32
            %parallel_loop3A_326 = arith.addi %parallel_loop3A_323, %parallel_loop3A_325 : i32
            %parallel_loop3A_327 = arith.index_cast %parallel_loop3A_326 : i32 to index
            %parallel_loop3A_328 = tpu.vector_load %arg12[%parallel_loop3A_327] {strides = array<i32>} : memref<10128xi32, #tpu.memory_space<vmem>>, vector<16xi32>,
            %parallel_loop3A_329 = arith.constant 16 : i32
            %parallel_loop3A_330 = arith.muli %parallel_loop3A_321, %parallel_loop3A_329 : i32
            %parallel_loop3A_331 = arith.index_cast %parallel_loop3A_330 : i32 to index
            %parallel_loop3A_332 = tpu.vector_load %arg23[%parallel_loop3A_331] {strides = array<i32>} : memref<128xi32, #tpu.memory_space<vmem>>, vector<16xi32>,
            tpu.vector_store %arg23[%parallel_loop3A_331], %parallel_loop3A_328 {strides = array<i32>} : memref<128xi32, #tpu.memory_space<vmem>>, vector<16xi32>,
            %parallel_loop3A_333 = arith.constant 128 : i32
            %parallel_loop3A_334 = arith.muli %add3A_314, %parallel_loop3A_333 : i32
            %parallel_loop3A_335 = arith.constant 16 : i32
            %parallel_loop3A_336 = arith.muli %parallel_loop3A_321, %parallel_loop3A_335 : i32
            %parallel_loop3A_337 = arith.addi %parallel_loop3A_334, %parallel_loop3A_336 : i32
            %parallel_loop3A_338 = arith.index_cast %parallel_loop3A_337 : i32 to index
            %parallel_loop3A_339 = tpu.vector_load %arg13[%parallel_loop3A_338] {strides = array<i32>} : memref<10128xi32, #tpu.memory_space<vmem>>, vector<16xi32>,
            %parallel_loop3A_340 = arith.constant 16 : i32
            %parallel_loop3A_341 = arith.muli %parallel_loop3A_321, %parallel_loop3A_340 : i32
            %parallel_loop3A_342 = arith.index_cast %parallel_loop3A_341 : i32 to index
            %parallel_loop3A_343 = tpu.vector_load %arg24[%parallel_loop3A_342] {strides = array<i32>} : memref<128xi32, #tpu.memory_space<vmem>>, vector<16xi32>,
            tpu.vector_store %arg24[%parallel_loop3A_342], %parallel_loop3A_339 {strides = array<i32>} : memref<128xi32, #tpu.memory_space<vmem>>, vector<16xi32>,
          } {sc.loop_unroll_factor = 4 : i64, sc.parallel_access}
          %dma_start3A_318 = arith.constant 0 : i32
          %dma_start3A_319 = arith.constant 0 : i32
          %dma_start3A_320 = tpu.memref_slice %arg4[%dma_start3A_318, %dma_start3A_319] : memref<10000x128xf32, #tpu.memory_space<hbm>> -> memref<10000x128xf32, #tpu.memory_space<hbm>>
          tpu.enqueue_indirect_dma source(%dma_start3A_320 : memref<10000x128xf32, #tpu.memory_space<hbm>>) target(%arg25 : memref<128x128xf32, #tpu.memory_space<vmem>>) offsets(%arg24 : memref<128xi32, #tpu.memory_space<vmem>>) semaphore(%arg34 : memref<!tpu.dma_semaphore, #tpu.memory_space<semaphore_mem>>)
        } else {
        }
      } else {
      }
      %while3A_303 = arith.constant 0 : i32
      scf.yield %while3A_303 : i32
    }
    %mul3A_262 = arith.constant 1024 : i32
    %mul3A_263 = arith.muli %add3A, %mul3A_262 : i32
    "tpu.region"() ({
      %run_scoped3A = tpu.sem_alloc : memref<!tpu.dma_semaphore, #tpu.memory_space<semaphore_mem>>
      %dma_start3A_270 = tpu.memref_slice %arg9[%mul3A_263] : memref<32768xf32, #tpu.memory_space<hbm>> -> memref<1024xf32, #tpu.memory_space<hbm>>
      %dma_start3A_271 = tpu.memref_slice %arg9[%mul3A_263] : memref<32768xf32, #tpu.memory_space<hbm>> -> memref<1024xf32, #tpu.memory_space<hbm>>
      tpu.enqueue_dma source(%arg26 : memref<1024xf32, #tpu.memory_space<vmem>>) target(%dma_start3A_271 : memref<1024xf32, #tpu.memory_space<hbm>>) target_semaphore(%run_scoped3A : memref<!tpu.dma_semaphore, #tpu.memory_space<semaphore_mem>>)
      %dma_wait3A_272 = tpu.memref_slice %arg9[%mul3A_263] : memref<32768xf32, #tpu.memory_space<hbm>> -> memref<1024xf32, #tpu.memory_space<hbm>>
      %dma_wait3A_273 = tpu.memref_slice %arg9[%mul3A_263] : memref<32768xf32, #tpu.memory_space<hbm>> -> memref<1024xf32, #tpu.memory_space<hbm>>
      tpu.wait_dma2 semaphore(%run_scoped3A : memref<!tpu.dma_semaphore, #tpu.memory_space<semaphore_mem>>) src(%arg26 : memref<1024xf32, #tpu.memory_space<vmem>>) dst(%dma_wait3A_273 : memref<1024xf32, #tpu.memory_space<hbm>>)
      tpu.yield
    }) : () -> ()
    %barrier3A_264 = arith.constant 0 : index
    tpu.barrier barrier_id(%barrier3A_264)
    %mul3A_265 = arith.constant 64 : i32
    %mul3A_266 = arith.muli %arg1, %mul3A_265 : i32
    %mul3A_267 = arith.constant 1024 : i32
    %mul3A_268 = arith.muli %arg0, %mul3A_267 : i32
    %add3A_269 = arith.addi %mul3A_268, %mul3A_266 : i32
    "tpu.region"() ({
      %run_scoped3A = tpu.sem_alloc : memref<!tpu.dma_semaphore, #tpu.memory_space<semaphore_mem>>
      %dma_start3A_270 = arith.constant 0 : i32
      %dma_start3A_271 = tpu.memref_slice %arg6[%add3A_269, %dma_start3A_270] : memref<2048x128xf32, #tpu.memory_space<hbm>> -> memref<64x128xf32, #tpu.memory_space<hbm>>
      %dma_start3A_272 = arith.constant 0 : i32
      %dma_start3A_273 = tpu.memref_slice %arg29[%mul3A_266, %dma_start3A_272] : memref<1152x128xf32, #tpu.memory_space<vmem_shared>> -> memref<64x128xf32, #tpu.memory_space<vmem_shared>>
      tpu.enqueue_dma source(%dma_start3A_273 : memref<64x128xf32, #tpu.memory_space<vmem_shared>>) target(%dma_start3A_271 : memref<64x128xf32, #tpu.memory_space<hbm>>) target_semaphore(%run_scoped3A : memref<!tpu.dma_semaphore, #tpu.memory_space<semaphore_mem>>)
      %dma_wait3A_274 = arith.constant 0 : i32
      %dma_wait3A_275 = tpu.memref_slice %arg6[%add3A_269, %dma_wait3A_274] : memref<2048x128xf32, #tpu.memory_space<hbm>> -> memref<64x128xf32, #tpu.memory_space<hbm>>
      %dma_wait3A_276 = arith.constant 0 : i32
      %dma_wait3A_277 = tpu.memref_slice %arg29[%mul3A_266, %dma_wait3A_276] : memref<1152x128xf32, #tpu.memory_space<vmem_shared>> -> memref<64x128xf32, #tpu.memory_space<vmem_shared>>
      tpu.wait_dma2 semaphore(%run_scoped3A : memref<!tpu.dma_semaphore, #tpu.memory_space<semaphore_mem>>) src(%dma_wait3A_277 : memref<64x128xf32, #tpu.memory_space<vmem_shared>>) dst(%dma_wait3A_275 : memref<64x128xf32, #tpu.memory_space<hbm>>)
      tpu.yield
    }) : () -> ()
    "tpu.region"() ({
      %run_scoped3A = tpu.sem_alloc : memref<!tpu.dma_semaphore, #tpu.memory_space<semaphore_mem>>
      %dma_start3A_270 = arith.constant 0 : i32
      %dma_start3A_271 = tpu.memref_slice %arg8[%add3A_269, %dma_start3A_270] : memref<2048x128xf32, #tpu.memory_space<hbm>> -> memref<64x128xf32, #tpu.memory_space<hbm>>
      %dma_start3A_272 = arith.constant 0 : i32
      %dma_start3A_273 = tpu.memref_slice %arg30[%mul3A_266, %dma_start3A_272] : memref<1152x128xf32, #tpu.memory_space<vmem_shared>> -> memref<64x128xf32, #tpu.memory_space<vmem_shared>>
      tpu.enqueue_dma source(%dma_start3A_273 : memref<64x128xf32, #tpu.memory_space<vmem_shared>>) target(%dma_start3A_271 : memref<64x128xf32, #tpu.memory_space<hbm>>) target_semaphore(%run_scoped3A : memref<!tpu.dma_semaphore, #tpu.memory_space<semaphore_mem>>)
      %dma_wait3A_274 = arith.constant 0 : i32
      %dma_wait3A_275 = tpu.memref_slice %arg8[%add3A_269, %dma_wait3A_274] : memref<2048x128xf32, #tpu.memory_space<hbm>> -> memref<64x128xf32, #tpu.memory_space<hbm>>
      %dma_wait3A_276 = arith.constant 0 : i32
      %dma_wait3A_277 = tpu.memref_slice %arg30[%mul3A_266, %dma_wait3A_276] : memref<1152x128xf32, #tpu.memory_space<vmem_shared>> -> memref<64x128xf32, #tpu.memory_space<vmem_shared>>
      tpu.wait_dma2 semaphore(%run_scoped3A : memref<!tpu.dma_semaphore, #tpu.memory_space<semaphore_mem>>) src(%dma_wait3A_277 : memref<64x128xf32, #tpu.memory_space<vmem_shared>>) dst(%dma_wait3A_275 : memref<64x128xf32, #tpu.memory_space<hbm>>)
      tpu.yield
    }) : () -> ()
    return
  }
}

module attributes {stable_mosaic.version = 14 : i64} {
  func.func @_tc_body(%arg0: i32, %arg1: memref<1024x128xf32, #tpu.memory_space<vmem>>, %arg2: memref<1024x128xf32, #tpu.memory_space<vmem>>, %arg3: memref<2048x128xf32, #tpu.memory_space<vmem>>, %arg4: memref<2048x128xf32, #tpu.memory_space<vmem>>, %arg5: memref<32x1024xf32, #tpu.memory_space<vmem>>, %arg6: memref<32x1024xf32, #tpu.memory_space<vmem>>, %arg7: memref<128x128xf32, #tpu.memory_space<vmem>>, %arg8: memref<128x128xf32, #tpu.memory_space<vmem>>, %arg9: memref<1x2xf32, #tpu.memory_space<vmem>>, %arg10: memref<1x2xf32, #tpu.memory_space<vmem>>, %arg11: memref<1024x2xf32, #tpu.memory_space<vmem>>, %arg12: memref<1024x1xf32, #tpu.memory_space<vmem>>, %arg13: memref<1024x128xf32, #tpu.memory_space<vmem>>, %arg14: memref<1024x128xf32, #tpu.memory_space<vmem>>) attributes {dimension_semantics = [#tpu.dimension_semantics<arbitrary>], iteration_bounds = array<i64: 1>, scalar_prefetch = 0 : i64, scratch_operands = 0 : i64, tpu.core_type = #tpu.core_type<tc>, window_params = [{transform_indices = @transform_0, window_bounds = array<i64: 1024, 128>}, {transform_indices = @transform_1, window_bounds = array<i64: 1024, 128>}, {pipeline_mode = #tpu.pipeline_mode<synchronous>, transform_indices = @transform_2, window_bounds = array<i64: 2048, 128>}, {pipeline_mode = #tpu.pipeline_mode<synchronous>, transform_indices = @transform_3, window_bounds = array<i64: 2048, 128>}, {pipeline_mode = #tpu.pipeline_mode<synchronous>, transform_indices = @transform_4, window_bounds = array<i64: 32, 1024>}, {pipeline_mode = #tpu.pipeline_mode<synchronous>, transform_indices = @transform_5, window_bounds = array<i64: 32, 1024>}, {pipeline_mode = #tpu.pipeline_mode<synchronous>, transform_indices = @transform_6, window_bounds = array<i64: 128, 128>}, {pipeline_mode = #tpu.pipeline_mode<synchronous>, transform_indices = @transform_7, window_bounds = array<i64: 128, 128>}, {pipeline_mode = #tpu.pipeline_mode<synchronous>, transform_indices = @transform_8, window_bounds = array<i64: 1, 2>}, {pipeline_mode = #tpu.pipeline_mode<synchronous>, transform_indices = @transform_9, window_bounds = array<i64: 1, 2>}, {pipeline_mode = #tpu.pipeline_mode<synchronous>, transform_indices = @transform_10, window_bounds = array<i64: 1024, 2>}, {pipeline_mode = #tpu.pipeline_mode<synchronous>, transform_indices = @transform_11, window_bounds = array<i64: 1024, 1>}, {pipeline_mode = #tpu.pipeline_mode<synchronous>, transform_indices = @transform_12, window_bounds = array<i64: 1024, 128>}, {pipeline_mode = #tpu.pipeline_mode<synchronous>, transform_indices = @transform_13, window_bounds = array<i64: 1024, 128>}]} {
    %broadcast_in_dim3A = arith.constant 1.000000e+00 : f32
    %broadcast_in_dim3A_0 = vector.broadcast %broadcast_in_dim3A : f32 to vector<32x1xf32>
    %get3A = arith.constant 0 : index
    %get3A_1 = arith.constant 0 : index
    %get3A_2 = vector.load %arg5[%get3A, %get3A_1] : memref<32x1024xf32, #tpu.memory_space<vmem>>, vector<32x1024xf32>
    %dot_general3A = arith.constant dense<0.000000e+00> : vector<1024x1xf32>
    %dot_general3A_3 = tpu.matmul %get3A_2, %broadcast_in_dim3A_0, %dot_general3A {dimension_numbers = #tpu.dot_dimension_numbers<[0], [0], [1], [1], [0, 1, 1, 1], [], []>, transpose_lhs_hint = false} : vector<32x1024xf32>, vector<32x1xf32>, vector<1024x1xf32> -> vector<1024x1xf32>
    %get3A_4 = arith.constant 0 : index
    %get3A_5 = arith.constant 0 : index
    %get3A_6 = vector.load %arg6[%get3A_4, %get3A_5] : memref<32x1024xf32, #tpu.memory_space<vmem>>, vector<32x1024xf32>
    %dot_general3A_7 = arith.constant dense<0.000000e+00> : vector<1024x1xf32>
    %dot_general3A_8 = tpu.matmul %get3A_6, %broadcast_in_dim3A_0, %dot_general3A_7 {dimension_numbers = #tpu.dot_dimension_numbers<[0], [0], [1], [1], [0, 1, 1, 1], [], []>, transpose_lhs_hint = false} : vector<32x1024xf32>, vector<32x1xf32>, vector<1024x1xf32> -> vector<1024x1xf32>
    %get3A_9 = arith.constant 0 : index
    %get3A_10 = arith.constant 0 : index
    %get3A_11 = vector.load %arg3[%get3A_9, %get3A_10] : memref<2048x128xf32, #tpu.memory_space<vmem>>, vector<1024x128xf32>
    %get3A_12 = arith.constant 1024 : index
    %get3A_13 = arith.constant 0 : index
    %get3A_14 = vector.load %arg3[%get3A_12, %get3A_13] : memref<2048x128xf32, #tpu.memory_space<vmem>>, vector<1024x128xf32>
    %add3A = arith.addf %get3A_11, %get3A_14 : vector<1024x128xf32>
    %get3A_15 = arith.constant 0 : index
    %get3A_16 = arith.constant 0 : index
    %get3A_17 = vector.load %arg4[%get3A_15, %get3A_16] : memref<2048x128xf32, #tpu.memory_space<vmem>>, vector<1024x128xf32>
    %get3A_18 = arith.constant 1024 : index
    %get3A_19 = arith.constant 0 : index
    %get3A_20 = vector.load %arg4[%get3A_18, %get3A_19] : memref<2048x128xf32, #tpu.memory_space<vmem>>, vector<1024x128xf32>
    %add3A_21 = arith.addf %get3A_17, %get3A_20 : vector<1024x128xf32>
    %max3A = arith.constant 1.000000e+00 : f32
    %max3A_22 = vector.broadcast %max3A : f32 to vector<1024x1xf32>
    %max3A_23 = arith.maximumf %dot_general3A_3, %max3A_22 : vector<1024x1xf32>
    %div3A = vector.broadcast %max3A_23 : vector<1024x1xf32> to vector<1024x128xf32>
    %div3A_24 = arith.divf %add3A, %div3A : vector<1024x128xf32>
    %max3A_25 = arith.constant 1.000000e+00 : f32
    %max3A_26 = vector.broadcast %max3A_25 : f32 to vector<1024x1xf32>
    %max3A_27 = arith.maximumf %dot_general3A_8, %max3A_26 : vector<1024x1xf32>
    %div3A_28 = vector.broadcast %max3A_27 : vector<1024x1xf32> to vector<1024x128xf32>
    %div3A_29 = arith.divf %add3A_21, %div3A_28 : vector<1024x128xf32>
    %get3A_30 = arith.constant 0 : index
    %get3A_31 = arith.constant 0 : index
    %get3A_32 = vector.load %arg1[%get3A_30, %get3A_31] : memref<1024x128xf32, #tpu.memory_space<vmem>>, vector<1024x128xf32>
    %get3A_33 = arith.constant 0 : index
    %get3A_34 = arith.constant 0 : index
    %get3A_35 = vector.load %arg7[%get3A_33, %get3A_34] : memref<128x128xf32, #tpu.memory_space<vmem>>, vector<128x128xf32>
    %dot_general3A_36 = arith.constant dense<0.000000e+00> : vector<1024x128xf32>
    %dot_general3A_37 = tpu.matmul %get3A_32, %get3A_35, %dot_general3A_36 {dimension_numbers = #tpu.dot_dimension_numbers<[1], [0], [0], [1], [0, 0, 1, 1], [], []>, transpose_lhs_hint = false} : vector<1024x128xf32>, vector<128x128xf32>, vector<1024x128xf32> -> vector<1024x128xf32>
    %get3A_38 = arith.constant 0 : index
    %get3A_39 = arith.constant 0 : index
    %get3A_40 = vector.load %arg8[%get3A_38, %get3A_39] : memref<128x128xf32, #tpu.memory_space<vmem>>, vector<128x128xf32>
    %dot_general3A_41 = arith.constant dense<0.000000e+00> : vector<1024x128xf32>
    %dot_general3A_42 = tpu.matmul %div3A_24, %get3A_40, %dot_general3A_41 {dimension_numbers = #tpu.dot_dimension_numbers<[1], [0], [0], [1], [0, 0, 1, 1], [], []>, transpose_lhs_hint = false} : vector<1024x128xf32>, vector<128x128xf32>, vector<1024x128xf32> -> vector<1024x128xf32>
    %add3A_43 = arith.addf %dot_general3A_37, %dot_general3A_42 : vector<1024x128xf32>
    %max3A_44 = arith.constant 0.000000e+00 : f32
    %max3A_45 = vector.broadcast %max3A_44 : f32 to vector<1024x128xf32>
    %max3A_46 = arith.maximumf %add3A_43, %max3A_45 : vector<1024x128xf32>
    %get3A_47 = arith.constant 0 : index
    %get3A_48 = arith.constant 0 : index
    %get3A_49 = vector.load %arg2[%get3A_47, %get3A_48] : memref<1024x128xf32, #tpu.memory_space<vmem>>, vector<1024x128xf32>
    %get3A_50 = arith.constant 0 : index
    %get3A_51 = arith.constant 0 : index
    %get3A_52 = vector.load %arg7[%get3A_50, %get3A_51] : memref<128x128xf32, #tpu.memory_space<vmem>>, vector<128x128xf32>
    %dot_general3A_53 = arith.constant dense<0.000000e+00> : vector<1024x128xf32>
    %dot_general3A_54 = tpu.matmul %get3A_49, %get3A_52, %dot_general3A_53 {dimension_numbers = #tpu.dot_dimension_numbers<[1], [0], [0], [1], [0, 0, 1, 1], [], []>, transpose_lhs_hint = false} : vector<1024x128xf32>, vector<128x128xf32>, vector<1024x128xf32> -> vector<1024x128xf32>
    %get3A_55 = arith.constant 0 : index
    %get3A_56 = arith.constant 0 : index
    %get3A_57 = vector.load %arg8[%get3A_55, %get3A_56] : memref<128x128xf32, #tpu.memory_space<vmem>>, vector<128x128xf32>
    %dot_general3A_58 = arith.constant dense<0.000000e+00> : vector<1024x128xf32>
    %dot_general3A_59 = tpu.matmul %div3A_29, %get3A_57, %dot_general3A_58 {dimension_numbers = #tpu.dot_dimension_numbers<[1], [0], [0], [1], [0, 0, 1, 1], [], []>, transpose_lhs_hint = false} : vector<1024x128xf32>, vector<128x128xf32>, vector<1024x128xf32> -> vector<1024x128xf32>
    %add3A_60 = arith.addf %dot_general3A_54, %dot_general3A_59 : vector<1024x128xf32>
    %max3A_61 = arith.constant 0.000000e+00 : f32
    %max3A_62 = vector.broadcast %max3A_61 : f32 to vector<1024x128xf32>
    %max3A_63 = arith.maximumf %add3A_60, %max3A_62 : vector<1024x128xf32>
    %mul3A = arith.mulf %max3A_46, %max3A_63 : vector<1024x128xf32>
    %reduce_sum3A = arith.constant dense<0.000000e+00> : vector<1024xf32>
    %reduce_sum3A_64 = vector.multi_reduction <add>, %mul3A, %reduce_sum3A [1] : vector<1024x128xf32> to vector<1024xf32>
    %broadcast_in_dim3A_65 = vector.shape_cast %reduce_sum3A_64 : vector<1024xf32> to vector<1024x1xf32>
    %mul3A_66 = arith.mulf %max3A_46, %max3A_46 : vector<1024x128xf32>
    %reduce_sum3A_67 = arith.constant dense<0.000000e+00> : vector<1024xf32>
    %reduce_sum3A_68 = vector.multi_reduction <add>, %mul3A_66, %reduce_sum3A_67 [1] : vector<1024x128xf32> to vector<1024xf32>
    %broadcast_in_dim3A_69 = vector.shape_cast %reduce_sum3A_68 : vector<1024xf32> to vector<1024x1xf32>
    %sqrt3A = math.sqrt %broadcast_in_dim3A_69 : vector<1024x1xf32>
    %max3A_70 = arith.constant 9.99999993E-9 : f32
    %max3A_71 = vector.broadcast %max3A_70 : f32 to vector<1024x1xf32>
    %max3A_72 = arith.maximumf %sqrt3A, %max3A_71 : vector<1024x1xf32>
    %mul3A_73 = arith.mulf %max3A_63, %max3A_63 : vector<1024x128xf32>
    %reduce_sum3A_74 = arith.constant dense<0.000000e+00> : vector<1024xf32>
    %reduce_sum3A_75 = vector.multi_reduction <add>, %mul3A_73, %reduce_sum3A_74 [1] : vector<1024x128xf32> to vector<1024xf32>
    %broadcast_in_dim3A_76 = vector.shape_cast %reduce_sum3A_75 : vector<1024xf32> to vector<1024x1xf32>
    %sqrt3A_77 = math.sqrt %broadcast_in_dim3A_76 : vector<1024x1xf32>
    %max3A_78 = arith.constant 9.99999993E-9 : f32
    %max3A_79 = vector.broadcast %max3A_78 : f32 to vector<1024x1xf32>
    %max3A_80 = arith.maximumf %sqrt3A_77, %max3A_79 : vector<1024x1xf32>
    %mul3A_81 = arith.mulf %max3A_72, %max3A_80 : vector<1024x1xf32>
    %div3A_82 = arith.divf %broadcast_in_dim3A_65, %mul3A_81 : vector<1024x1xf32>
    %get3A_83 = arith.constant 0 : index
    %get3A_84 = arith.constant 0 : index
    %get3A_85 = vector.load %arg9[%get3A_83, %get3A_84] : memref<1x2xf32, #tpu.memory_space<vmem>>, vector<1x2xf32>
    %mul3A_86 = vector.broadcast %div3A_82 : vector<1024x1xf32> to vector<1024x2xf32>
    %mul3A_87 = vector.broadcast %get3A_85 : vector<1x2xf32> to vector<1024x2xf32>
    %mul3A_88 = arith.mulf %mul3A_86, %mul3A_87 : vector<1024x2xf32>
    %get3A_89 = arith.constant 0 : index
    %get3A_90 = arith.constant 0 : index
    %get3A_91 = vector.load %arg10[%get3A_89, %get3A_90] : memref<1x2xf32, #tpu.memory_space<vmem>>, vector<1x2xf32>
    %add3A_92 = vector.broadcast %get3A_91 : vector<1x2xf32> to vector<1024x2xf32>
    %add3A_93 = arith.addf %mul3A_88, %add3A_92 : vector<1024x2xf32>
    %swap3A = arith.constant 0 : index
    %swap3A_94 = arith.constant 0 : index
    %swap3A_95 = vector.load %arg11[%swap3A, %swap3A_94] : memref<1024x2xf32, #tpu.memory_space<vmem>>, vector<1024x2xf32>
    tpu.vector_store %arg11[%swap3A, %swap3A_94], %add3A_93 {strides = array<i32>} : memref<1024x2xf32, #tpu.memory_space<vmem>>, vector<1024x2xf32>,
    %swap3A_96 = arith.constant 0 : index
    %swap3A_97 = arith.constant 0 : index
    %swap3A_98 = vector.load %arg12[%swap3A_96, %swap3A_97] : memref<1024x1xf32, #tpu.memory_space<vmem>>, vector<1024x1xf32>
    tpu.vector_store %arg12[%swap3A_96, %swap3A_97], %div3A_82 {strides = array<i32>} : memref<1024x1xf32, #tpu.memory_space<vmem>>, vector<1024x1xf32>,
    %swap3A_99 = arith.constant 0 : index
    %swap3A_100 = arith.constant 0 : index
    %swap3A_101 = vector.load %arg13[%swap3A_99, %swap3A_100] : memref<1024x128xf32, #tpu.memory_space<vmem>>, vector<1024x128xf32>
    tpu.vector_store %arg13[%swap3A_99, %swap3A_100], %max3A_46 {strides = array<i32>} : memref<1024x128xf32, #tpu.memory_space<vmem>>, vector<1024x128xf32>,
    %swap3A_102 = arith.constant 0 : index
    %swap3A_103 = arith.constant 0 : index
    %swap3A_104 = vector.load %arg14[%swap3A_102, %swap3A_103] : memref<1024x128xf32, #tpu.memory_space<vmem>>, vector<1024x128xf32>
    tpu.vector_store %arg14[%swap3A_102, %swap3A_103], %max3A_63 {strides = array<i32>} : memref<1024x128xf32, #tpu.memory_space<vmem>>, vector<1024x128xf32>,
    return
  }
  func.func @transform_0(%arg0: i32) -> (i32, i32) {
    %c0_i32 = arith.constant 0 : i32
    %c0_i32_0 = arith.constant 0 : i32
    %c0_i32_1 = arith.constant 0 : i32
    return %c0_i32, %c0_i32_0 : i32, i32
  }
  func.func @transform_1(%arg0: i32) -> (i32, i32) {
    %c0_i32 = arith.constant 0 : i32
    %c0_i32_0 = arith.constant 0 : i32
    %c0_i32_1 = arith.constant 0 : i32
    return %c0_i32, %c0_i32_0 : i32, i32
  }
  func.func @transform_2(%arg0: i32) -> (i32, i32) {
    %c0_i32 = arith.constant 0 : i32
    %c0_i32_0 = arith.constant 0 : i32
    %c0_i32_1 = arith.constant 0 : i32
    return %c0_i32, %c0_i32_0 : i32, i32
  }
  func.func @transform_3(%arg0: i32) -> (i32, i32) {
    %c0_i32 = arith.constant 0 : i32
    %c0_i32_0 = arith.constant 0 : i32
    %c0_i32_1 = arith.constant 0 : i32
    return %c0_i32, %c0_i32_0 : i32, i32
  }
  func.func @transform_4(%arg0: i32) -> (i32, i32) {
    %c0_i32 = arith.constant 0 : i32
    %c0_i32_0 = arith.constant 0 : i32
    %c0_i32_1 = arith.constant 0 : i32
    return %c0_i32, %c0_i32_0 : i32, i32
  }
  func.func @transform_5(%arg0: i32) -> (i32, i32) {
    %c0_i32 = arith.constant 0 : i32
    %c0_i32_0 = arith.constant 0 : i32
    %c0_i32_1 = arith.constant 0 : i32
    return %c0_i32, %c0_i32_0 : i32, i32
  }
  func.func @transform_6(%arg0: i32) -> (i32, i32) {
    %c0_i32 = arith.constant 0 : i32
    %c0_i32_0 = arith.constant 0 : i32
    %c0_i32_1 = arith.constant 0 : i32
    return %c0_i32, %c0_i32_0 : i32, i32
  }
  func.func @transform_7(%arg0: i32) -> (i32, i32) {
    %c0_i32 = arith.constant 0 : i32
    %c0_i32_0 = arith.constant 0 : i32
    %c0_i32_1 = arith.constant 0 : i32
    return %c0_i32, %c0_i32_0 : i32, i32
  }
  func.func @transform_8(%arg0: i32) -> (i32, i32) {
    %c0_i32 = arith.constant 0 : i32
    %c0_i32_0 = arith.constant 0 : i32
    %c0_i32_1 = arith.constant 0 : i32
    return %c0_i32, %c0_i32_0 : i32, i32
  }
  func.func @transform_9(%arg0: i32) -> (i32, i32) {
    %c0_i32 = arith.constant 0 : i32
    %c0_i32_0 = arith.constant 0 : i32
    %c0_i32_1 = arith.constant 0 : i32
    return %c0_i32, %c0_i32_0 : i32, i32
  }
  func.func @transform_10(%arg0: i32) -> (i32, i32) {
    %c0_i32 = arith.constant 0 : i32
    %c0_i32_0 = arith.constant 0 : i32
    %c0_i32_1 = arith.constant 0 : i32
    return %c0_i32, %c0_i32_0 : i32, i32
  }
  func.func @transform_11(%arg0: i32) -> (i32, i32) {
    %c0_i32 = arith.constant 0 : i32
    %c0_i32_0 = arith.constant 0 : i32
    %c0_i32_1 = arith.constant 0 : i32
    return %c0_i32, %c0_i32_0 : i32, i32
  }
  func.func @transform_12(%arg0: i32) -> (i32, i32) {
    %c0_i32 = arith.constant 0 : i32
    %c0_i32_0 = arith.constant 0 : i32
    %c0_i32_1 = arith.constant 0 : i32
    return %c0_i32, %c0_i32_0 : i32, i32
  }
  func.func @transform_13(%arg0: i32) -> (i32, i32) {
    %c0_i32 = arith.constant 0 : i32
    %c0_i32_0 = arith.constant 0 : i32
    %c0_i32_1 = arith.constant 0 : i32
    return %c0_i32, %c0_i32_0 : i32, i32
  }
}

</mosaic_0001>

<sc_bundles>
// kernel: kernel.4.cloned.1.call-start
scs
__scs_entry_jumppad:
0x0: {  	(pc) =	sbr.rel $0x88, $3  }
0x1: {  	(tag) =	ssettag $0x0;
	lr =	simm.s32 $0x1  }
0x2: {  	[smem:$0x3F99] =	sst lr;
	_ =	strace $0xD0000000  }
0x3: {  	_ = 	snop  }
0x4: {  	_ = 	snop  }
0x5: {  	_ = 	snop  }
0x6: {  	_ = 	snop  }
0x7: {  	_ = 	snop  }
__scs_overlays_trampoline_lowered:
0x8: {  	[smem:$0x3FA8] =	sst s0  }
0x9: {  	[smem:$0x3FA9] =	sst s1  }
0xa: {  	[smem:$0x3FAA] =	sst s2  }
0xb: {  	[smem:$0x3FAB] =	sst s3  }
0xc: {  	[smem:$0x3FAC] =	sst s4  }
0xd: {  	[smem:$0x3FAD] =	sst s5  }
0xe: {  	[smem:$0x3FAE] =	sst s6  }
0xf: {  	[smem:$0x3FAF] =	sst s7  }
0x10: {  	[smem:$0x3FB0] =	sst s8  }
0x11: {  	[smem:$0x3FB1] =	sst s9;
	s0 =	simm.s32 @!p0 $0x0  }
0x12: {  	s1 =	sld [smem:$0x3F97];
	s0 =	simm.s32 @p0 $0x1  }
0x13: {  	[smem:$0x3FB2] =	sst s0;
	s0 =	simm.s32 @!p1 $0x0  }
0x14: {  	s2 =	sld [smem:$0x3F96];
	s0 =	simm.s32 @p1 $0x1  }
0x15: {  	[smem:$0x3FB3] =	sst s0;
	s0 =	simm.s32 @!p2 $0x0  }
0x16: {  	s3 =	sld [smem:$0x3FDB];
	s0 =	simm.s32 @p2 $0x1  }
0x17: {  	s4 =	simm.s32 $0x1BF5;
	[smem:$0x3FB5] =	sst s0  }
0x18: {  	s0 =	sld [smem:$0x3F98];
	_ =	swait.ge [sflag:s4], $0x0  }
0x19: {  	s7 =	sld [smem:$0x3F99]  }
0x1a: {  	s8 =	sadd.s32 $0xFFFFE003, lr  }
0x1b: {  	s9 =	sadd.s32 $0xFFFFFEF7, lr;
	s5 =	simm.s32 $0xFFFFFFFF;
	p2 =	slt.u32 s8, $0xFFFFF086  }
0x1c: {  	p1 =	slt.u32 s9, $0xF7A;
	s5 =	simm.s32 @!p2 $0x0  }
0x1d: {  	s5 =	simm.s32 @p1 $0x1;
	p0 =	seq.s32 s7, s2  }
0x1e: {  	s7 =	smul.u32 @!p0 $0xF7A, s2;
	p2 =	seq.s32 @!p0 s5, $0x0  }
0x1f: {  	s9 =	smul.u32 $0xF7A, s1;
	s8 =	simm.s32 @!p0 $0x1BF5;
	p2 =	por !p2, p0  }
0x20: {  	[sflag:s8] =	ssyncset.s32 @!p0 $0xFFFFF086;
	s6 =	sadd.s32 @!p0 s3, s7;
	s7 =	simm.s32 @!p0 $0x108  }
0x21: {  	s3 =	sadd.s32 s3, s9;
	s6 =	sadd.s32 @!p0 $0x88, s6;
	s7 =	simm.s32 @p2 $0x1082  }
0x22: {  	[simem:s7], [sflag:s8] =	dma.local @!p0 [hbm:s6], $0xF7A  }
0x23: {  	s9 =	sor.u32 $0xD0000000, s2;
	s6 =	simm.s32 $0x108;
	_ =	swait.ge @!p0 [sflag:s8], $0x0  }
0x24: {  	s3 =	sadd.s32 $0x88, s3;
	s6 =	simm.s32 @!p1 $0x1082;
	[sflag:s4] =	ssyncset.s32 $0xFFFFF086  }
0x25: {  	[simem:s6], [sflag:s4] =	dma.local [hbm:s3], $0xF7A  }
0x26: {  	[smem:$0x3F99] =	sst s1;
	(tag) =	ssettag s2;
	_ =	strace s9  }
0x27: {  	s1 =	sld [smem:$0x3FA9]  }
0x28: {  	s2 =	sld [smem:$0x3FAA]  }
0x29: {  	s4 =	sld [smem:$0x3FAC]  }
0x2a: {  	p0 =	seq.s32 s5, $0x0;
	s5 =	sld [smem:$0x3FAD]  }
0x2b: {  	s6 =	sld [smem:$0x3FAE]  }
0x2c: {  	s7 =	sld [smem:$0x3FAF]  }
0x2d: {  	s3 =	simm.s32 $0x108;
	s8 =	sld [smem:$0x3FB0]  }
0x2e: {  	s3 =	simm.s32 @!p0 $0x1082;
	s9 =	sld [smem:$0x3FB1]  }
0x2f: {  	lr =	sadd.s32 s0, s3;
	s0 =	sld [smem:$0x3FA8]  }
0x30: {  	s3 =	sld [smem:$0x3FAB]  }
0x31: {  	[smem:$0x3FB4] =	sst s10  }
0x32: {  	s10 =	sld [smem:$0x3FB2];
	_ =	sdelay $0x3  }
0x33: {  	p0 =	seq.s32 s10, $0x1;
	s10 =	sld [smem:$0x3FB4];
	_ =	sdelay $0x3  }
0x34: {  	[smem:$0x3FB4] =	sst s10  }
0x35: {  	s10 =	sld [smem:$0x3FB3];
	_ =	sdelay $0x3  }
0x36: {  	p1 =	seq.s32 s10, $0x1;
	s10 =	sld [smem:$0x3FB4];
	_ =	sdelay $0x3  }
0x37: {  	[smem:$0x3FB4] =	sst s10  }
0x38: {  	s10 =	sld [smem:$0x3FB5]  }
0x39: {  	_ = 	snop;
	(pc) =	sbr.ind lr, $3  }
0x3a: {  	_ = 	snop  }
0x3b: {  	_ = 	snop  }
0x3c: {  	p2 =	seq.s32 s10, $0x1;
	s10 =	sld [smem:$0x3FB4]  }
0x3d: {  	_ =	shalt  }
0x3e: {  	_ =	shalt  }
0x3f: {  	_ =	shalt  }
0x40: {  	_ =	shalt  }
0x41: {  	_ =	shalt  }
0x42: {  	_ =	shalt  }
0x43: {  	_ =	shalt  }
0x44: {  	_ =	shalt  }
0x45: {  	_ =	shalt  }
0x46: {  	_ =	shalt  }
0x47: {  	_ =	shalt  }
0x48: {  	_ =	shalt  }
0x49: {  	_ =	shalt  }
0x4a: {  	_ =	shalt  }
0x4b: {  	_ =	shalt  }
0x4c: {  	_ =	shalt  }
0x4d: {  	_ =	shalt  }
0x4e: {  	_ =	shalt  }
0x4f: {  	_ =	shalt  }
0x50: {  	_ =	shalt  }
0x51: {  	_ =	shalt  }
0x52: {  	_ =	shalt  }
0x53: {  	_ =	shalt  }
0x54: {  	_ =	shalt  }
0x55: {  	_ =	shalt  }
0x56: {  	_ =	shalt  }
0x57: {  	_ =	shalt  }
0x58: {  	_ =	shalt  }
0x59: {  	_ =	shalt  }
0x5a: {  	_ =	shalt  }
0x5b: {  	_ =	shalt  }
0x5c: {  	_ =	shalt  }
0x5d: {  	_ =	shalt  }
0x5e: {  	_ =	shalt  }
0x5f: {  	_ =	shalt  }
0x60: {  	_ =	shalt  }
0x61: {  	_ =	shalt  }
0x62: {  	_ =	shalt  }
0x63: {  	_ =	shalt  }
0x64: {  	_ =	shalt  }
0x65: {  	_ =	shalt  }
0x66: {  	_ =	shalt  }
0x67: {  	_ =	shalt  }
0x68: {  	_ =	shalt  }
0x69: {  	_ =	shalt  }
0x6a: {  	_ =	shalt  }
0x6b: {  	_ =	shalt  }
0x6c: {  	_ =	shalt  }
0x6d: {  	_ =	shalt  }
0x6e: {  	_ =	shalt  }
0x6f: {  	_ =	shalt  }
0x70: {  	_ =	shalt  }
0x71: {  	_ =	shalt  }
0x72: {  	_ =	shalt  }
0x73: {  	_ =	shalt  }
0x74: {  	_ =	shalt  }
0x75: {  	_ =	shalt  }
0x76: {  	_ =	shalt  }
0x77: {  	_ =	shalt  }
0x78: {  	_ =	shalt  }
0x79: {  	_ =	shalt  }
0x7a: {  	_ =	shalt  }
0x7b: {  	_ =	shalt  }
0x7c: {  	_ =	shalt  }
0x7d: {  	_ =	shalt  }
0x7e: {  	_ =	shalt  }
0x7f: {  	_ =	shalt  }
0x80: {  	_ =	shalt  }
0x81: {  	_ =	shalt  }
0x82: {  	_ =	shalt  }
0x83: {  	_ =	shalt  }
0x84: {  	_ =	shalt  }
0x85: {  	_ =	shalt  }
0x86: {  	_ =	shalt  }
0x87: {  	_ =	shalt  }
.Lfunc_end0:
.L_simem_size_0:
called_computation_lowered:
.L_overlay_start_0:
0x88: {  	s2 =	sld [smem:$0x3FD9]  }
0x89: {  	s3 =	sld [smem:$0x3FFE];
	_ =	sdelay $0x1  }
0x8a: {  	s1 =	srdreg.scid  }
0x8b: {  	s0 =	sand.u32 $0x1, s1  }
0x8c: {  	s14 =	sshll.u32 s0, $0xA;
	s2 =	sadd.s32 s3, s2  }
0x8d: {  	s2 =	sadd.s32 s2, s14  }
0x8e: {  	[smem:$0x3FC0] =	sst s2  }
0x8f: {  	_ = 	snop  }
0x90: {  	s2 =	sld [smem:$0x3FD0];
	_ =	sdelay $0x1  }
0x91: {  	s15 =	sld [smem:$0x3FC9]  }
0x92: {  	s5 =	simm.s32 $0xA;
	s6 =	simm.s32 $0x10;
	s4 =	sld [smem:$0x3FC7]  }
0x93: {  	[smem:s6], [sflag:s5] =	dma.local [hbm:s2], $0x1  }
0x94: {  	_ =	swait.eq [sflag:s5], $0x1  }
0x95: {  	[sflag:s5] =	ssyncset.done $0x0  }
0x96: {  	s16 =	sld [smem:$0x12];
	[sflag:s5] =	ssyncadd.s32 $0xFFFFFFFF  }
0x97: {  	s17 =	sld [smem:$0x13];
	(tm) =	ssettm $0x1  }
0x98: {  	s18 =	sld [smem:$0x3FFB];
	_ =	sdelay $0x3  }
0x99: {  	_ =	strace s18  }
0x9a: {  	s6 =	sld [smem:$0x3FFC];
	_ =	sdelay $0x3  }
0x9b: {  	_ =	strace s6  }
0x9c: {  	s6 =	sld [smem:$0x3FFD];
	_ =	sdelay $0x3  }
0x9d: {  	_ =	strace s6  }
0x9e: {  	_ =	strace $0x8FFFFFFF  }
0x9f: {  	s19 =	sld [smem:$0x3FDB];
	_ =	sdelay $0x1  }
0xa0: {  	s7 =	simm.s32 $_scs_section_size  }
0xa1: {  	s8 =	simm.s32 $_size__tile_overlayer_lowered;
	s9 =	simm.s32 $_tile_overlayer_lowered  }
0xa2: {  	s22 =	simm.s32 $0x1BFF;
	s21 =	sshll.u32 s9, $0x1;
	s6 =	sadd.s32 s7, s19  }
0xa3: {  	s10 =	simm.s32 $0x0;
	s20 =	sshll.u32 s8, $0x1;
	s8 =	sadd.s32 s21, s6  }
0xa4: {  	[timem:s10], [sflag:s22] =	dma.local [hbm:s8], s20  }
0xa5: {  	_ =	swait.ge [sflag:s22], s20  }
0xa6: {  	s7 =	ssub.s32 $0x0, s20;
	[sflag:s22] =	ssyncset.done $0x0  }
0xa7: {  	[sflag:s22] =	ssyncadd.s32 s7;
	_ =	sdelay $0x1  }
0xa8: {  	s23 =	simm.s32 $0x1B8B  }
0xa9: {  	_ =	swait.ge [sflag:s23], $0x1  }
0xaa: {  	[sflag:s23] =	ssyncset.done $0x0  }
0xab: {  	s25 =	simm.s32 $0x1B8E;
	s24 =	sld [smem:$0x3FFE];
	[sflag:s23] =	ssyncadd.s32 $0xFFFFFFFF  }
0xac: {  	s26 =	simm.s32 $execute0_lowered;
	[smem:$0x3FD2] =	sst s25  }
0xad: {  	s8 =	sshll.u32 s26, $0x1;
	_ =	strace $0x80000046;
	[dreg:$0x1] =	wrdreg $0xFFFFFFFF  }
0xae: {  	s28 =	simm.s32 $_size_execute0_lowered;
	s6 =	sadd.s32 s6, s8;
	[dreg:$0x0] =	wrdreg $0x0  }
0xaf: {  	s8 =	sshll.u32 s28, $0x1;
	[dreg:$0x2] =	wrdreg s6  }
0xb0: {  	[dreg:$0x3] =	wrdreg s8  }
0xb1: {  	[dreg:$0x4] =	wrdreg $0xC0  }
0xb2: {  	_ =	task [dreg:s10], $0x5FFFF  }
0xb3: {  	[dreg:$0x1] =	wrdreg $0xFFFFFFFF  }
0xb4: {  	[dreg:$0x0] =	wrdreg $0x60  }
0xb5: {  	[dreg:$0x2] =	wrdreg s15  }
0xb6: {  	[dreg:$0x3] =	wrdreg s24  }
0xb7: {  	[dreg:$0x4] =	wrdreg s4  }
0xb8: {  	[dreg:$0x5] =	wrdreg s17  }
0xb9: {  	[dreg:$0x6] =	wrdreg s16  }
0xba: {  	[dreg:$0x7] =	wrdreg $0x1AC000  }
0xbb: {  	[dreg:$0x8] =	wrdreg $0x1D0000  }
0xbc: {  	[dreg:$0x9] =	wrdreg $0x9  }
0xbd: {  	_ =	task.clear_ibuf [dreg:s10], $0xAFFFF;
	_ =	strace $0x90000046  }
0xbe: {  	s29 =	simm.s32 $0x9;
	_ =	strace $0x80000048  }
0xbf: {  	_ =	swait.ge [sflag:s29], $0x1  }
0xc0: {  	[sflag:s29] =	ssyncadd.s32 $0xFFFFFFFF  }
0xc1: {  	_ =	strace $0x90000048  }
0xc2: {  	_ =	sfence  }
0xc3: {  	s30 =	sld [smem:$0x0];
	_ =	sdelay $0x2  }
0xc4: {  	s31 =	sshll.u32 s1, $0xD;
	s1 =	sshrl.u32 s1, $0x2  }
0xc5: {  	s3 =	sand.u32 $0x4000, s31;
	s1 =	sadd.s32 s1, s30  }
0xc6: {  	s0 =	sor.u32 s3, s0;
	s1 =	sshll.u32 s1, $0x11  }
0xc7: {  	s0 =	sor.u32 s1, s0  }
0xc8: {  	s0 =	sadd.s32 $0x8F2B, s0  }
0xc9: {  	[sflag:s0] =	ssyncadd.remote.s32 $0x1  }
0xca: {  	_ =	sfence.sel $0xFFFF  }
0xcb: {  	[dreg:$0x0] =	wrdreg $0xFFFFFFFF;
	(pc) =	sbr.abs _section_cstart, $3  }
0xcc: {  	[dreg:$0x1] =	wrdreg $0xFFFFFFFF  }
0xcd: {  	_ =	task.clear_ibuf [dreg:s10], $0x2FFFF;
	_ =	strace $0x9FFFFFFF  }
0xce: {  	(tm) =	ssettm $0x7FFFFFFF  }
0xcf: {  	_ =	shalt  }
tec
execute0_lowered:
.L_overlay_start_1:
0x0: {  	(tag) =	ssettag $0x1  }
0x1: {  	s0 =	rddreg [dreg:$0x0]  }
0x2: {  	s1 =	rddreg [dreg:$0x1]  }
0x3: {  	s2 =	rddreg [dreg:$0x2]  }
0x4: {  	s4 =	rddreg [dreg:$0x3]  }
0x5: {  	s6 =	rddreg [dreg:$0x4]  }
0x6: {  	s3 =	rddreg [dreg:$0x5]  }
0x7: {  	s5 =	rddreg [dreg:$0x6];
	s16 =	simm.s32 $0x0;
	s7 =	srdreg.scid  }
0x8: {  	s15 =	stileid.u32;
	s28 =	simm.s32 $0x4F00;
	s29 =	simm.s32 $0x7700  }
0x9: {  	s30 =	simm.s32 $0x1A300;
	s31 =	simm.s32 $0x80;
	[smem:$0x7FF] =	sst s16  }
0xa: {  	s7 =	sand.u32 $0x1, s7;
	s8 =	sshll.u32 s15, $0x1;
	s9 =	sshll.u32 s15, $0xD  }
0xb: {  	s12 =	sadd.s32 $0x2400, s1;
	s13 =	sadd.s32 $0x15E00, s1;
	s15 =	smul.u32 $0x2400, s15  }
0xc: {  	s10 =	sshll.u32 s7, $0x11;
	s8 =	sor.u32 s7, s8;
	_ =	strace $0x80000047  }
0xd: {  	s7 =	ssub.s32 $0x2, s7;
	s20 =	sadd.s32 s9, s3;
	s22 =	sadd.s32 s9, s5  }
0xe: {  	s10 =	sor.u32 s9, s10;
	s11 =	smul.u32 $0x2710, s8;
	s24 =	sshrl.u32 s7, $0x1  }
0xf: {  	s17 =	sadd.s32 s15, s5;
	s8 =	sshll.u32 s8, $0x7;
	s9 =	simm.s32 $0x16280  }
0x10: {  	s10 =	sshrl.u32 s10, $0x3;
	s7 =	ssub.s32 s7, s24;
	[dreg:$0xb] =	wrdreg s17  }
0x11: {  	s4 =	sadd.s32 s4, s8;
	s19 =	sadd.s32 s6, s8;
	s17 =	simm.s32 $0x2780  }
0x12: {  	s8 =	simm.s32 $0x12200;
	s1 =	sadd.s32 s10, s1;
	[dreg:$0xe] =	wrdreg s4  }
0x13: {  	s23 =	sshrl.u32 s11, $0x3;
	[dreg:$0xf] =	wrdreg s19;
	s24 =	smax.u32 s7, $0x1  }
0x14: {  	s19 =	simm.s32 $0xA000;
	s26 =	sadd.s32 s12, s23;
	[dreg:$0x12] =	wrdreg s24  }
0x15: {  	s4 =	simm.s32 $0xE080;
	s10 =	sadd.s32 s13, s23;
	[dreg:$0x9] =	wrdreg s26  }
0x16: {  	s7 =	simm.s32 $0x12180;
	s21 =	sadd.s32 $0x29800, s1;
	[dreg:$0xd] =	wrdreg s10  }
0x17: {  	s14 =	sadd.s32 $0x9C40, s23;
	s1 =	sadd.s32 $0x31800, s1;
	[dreg:$0x10] =	wrdreg s21  }
0x18: {  	s11 =	simm.s32 $0x0;
	s25 =	sadd.s32 s12, s14;
	[dreg:$0x11] =	wrdreg s1  }
.Ltmp0:
0x19: {  	s12 =	sadd.s32 s15, s3;
	[dreg:$0x8] =	wrdreg s25;
	(pc) =	sbr.rel .LBB2_1-.Ltmp0, $4  }
0x1a: {  	s23 =	simm.s32 $0x1A700;
	s18 =	sadd.s32 s13, s14;
	[dreg:$0xa] =	wrdreg s12  }
0x1b: {  	s26 =	sshrl.u32 s22, $0x3;
	s1 =	simm.s32 $0x9F80;
	[dreg:$0xc] =	wrdreg s18  }
0x1c: {  	v0 =	vimm.f32 $0.0e+00;
	v1 =	vimm.s32 $0x0;
	v2 =	vimm.s32 $0x270;
	s10 =	simm.s32 $0x16300;
	s25 =	sshrl.u32 s20, $0x3;
	[dreg:$0x14] =	wrdreg s26  }
0x1d: {  	v3 =	vimm.s32 $0xF;
	v4 =	vimm.f32 $1.000000000e+00;
	v5 =	vimm.s32 $0x400;
	s26 =	simm.s32 $0x1A980;
	s18 =	simm.s32 $0xE100;
	[dreg:$0x13] =	wrdreg s25  }
.LBB2_82:
0x1e: {  	s16 =	simm.s32 $0x0;
	s6 =	rddreg [dreg:$0xf];
	s12 =	simm.s32 $0x7  }
0x1f: {  	[hbm4b:s6+s16] =	stream.linear.scatter [tilespmem:s30], [sflag:$0x7], $0x400, $0x38;
	[tilespmem:$0x1F400] =	vst v63  }
0x20: {  	_ =	swait.ge [sflag:s12], $0x400  }
0x21: {  	[sflag:s12] =	ssyncset.done $0x0  }
0x22: {  	[sflag:s12] =	ssyncadd.s32 $0xFFFFFC00  }
0x23: {  	s20 =	stileid.u32;
	[bflag:$0x0] =	sbarrier.arrive $0xFFFF  }
0x24: {  	s6 =	sshll.u32 s20, $0x6;
	s11 =	rddreg [dreg:$0x10]  }
0x25: {  	s6 =	sor.u32 $0x1C07, s6;
	s13 =	rddreg [dreg:$0x13]  }
0x26: {  	[hbm:s11], [sflag:s6] =	dma.local [spmem:s13], $0x400  }
0x27: {  	_ =	swait.ge [sflag:s12], $0x400  }
0x28: {  	[sflag:s12] =	ssyncset.done $0x0;
	s21 =	rddreg [dreg:$0x11]  }
0x29: {  	s22 =	rddreg [dreg:$0x14];
	[sflag:s12] =	ssyncadd.s32 $0xFFFFFC00  }
0x2a: {  	[hbm:s21], [sflag:s6] =	dma.local [spmem:s22], $0x400  }
0x2b: {  	_ =	swait.ge [sflag:s12], $0x400  }
0x2c: {  	s24 =	rddreg [dreg:$0x15]  }
0x2d: {  	s25 =	rddreg [dreg:$0x12];
	s11 =	sadd.s32 $0x1, s24  }
0x2e: {  	p0 =	sne.s32 s11, s25  }
.Ltmp1:
0x2f: {  	_ = 	snop;
	(pc) =	sbr.rel @!p0 .LBB2_83-.Ltmp1, $3  }
0x30: {  	_ =	sdelay $0x1  }
0x31: {  	[sflag:s12] =	ssyncset.done $0x0  }
0x32: {  	s17 =	simm.s32 $0x2780;
	[sflag:s12] =	ssyncadd.s32 $0xFFFFFC00  }
.LBB2_1:
0x33: {  	[dreg:$0x15] =	wrdreg s11  }
0x34: {  	s6 =	rddreg [dreg:$0x8]  }
0x35: {  	s24 =	rddreg [dreg:$0x9];
	s25 =	sand.u32 $0xFE00, s16  }
0x36: {  	[tilespmem:s16], [sflag:$0x5] =	stream.linear.gather [hbm4b:s6+s16], $0x2710, $0x38;
	[tilespmem:$0x1F400] =	vst v63  }
0x37: {  	s12 =	simm.s32 $0x0;
	s13 =	sand.u32 $0x40, s16;
	s6 =	sshrl.u32 s25, $0x2  }
0x38: {  	s14 =	simm.s32 $0x0;
	s6 =	sor.u32 s13, s6;
	s13 =	simm.s32 $0x0  }
0x39: {  	[tilespmem:s17], [sflag:$0x6] =	stream.linear.gather [hbm4b:s24+s16], $0x2710, $0x38;
	[tilespmem:$0x1F400] =	vst v63  }
.LBB2_2:
0x3a: {  	s12 =	sadd.s32 $0x4, s12  }
0x3b: {  	[tilespmem:s6+$0xA030] =	vst v0;
	s13 =	sadd.s32 $0x40, s13;
	s14 =	sadd.s32 $0x100, s14;
	p0 =	slt.u32 s12, $0x23C  }
.Ltmp2:
0x3c: {  	[tilespmem:s6+$0xA020] =	vst v0;
	(pc) =	sbr.rel @p0 .LBB2_2-.Ltmp2, $4  }
0x3d: {  	[tilespmem:s6+$0xA000] =	vst v0  }
0x3e: {  	s15 =	sand.u32 $0xFE00, s14;
	[tilespmem:s6+$0xA010] =	vst v0  }
0x3f: {  	s15 =	sshrl.u32 s15, $0x2;
	s6 =	sand.u32 $0x40, s13  }
0x40: {  	s6 =	sor.u32 s6, s15  }
0x41: {  	[tilespmem:s6+$0xA030] =	vst v0  }
0x42: {  	[tilespmem:s6+$0xA020] =	vst v0  }
0x43: {  	[tilespmem:s6+$0xA000] =	vst v0  }
0x44: {  	[tilespmem:s6+$0xA010] =	vst v0  }
0x45: {  	s11 =	simm.s32 $0x7;
	s6 =	rddreg [dreg:$0xa]  }
0x46: {  	[spmem:s6] =	stream.linear.scatter [tilespmem:s19], [sflag:$0x7], $0x2400, $0x38;
	[tilespmem:$0x1F400] =	vst v63  }
0x47: {  	_ =	swait.ge [sflag:s11], $0x2400  }
0x48: {  	[sflag:s11] =	ssyncset.done $0x0  }
0x49: {  	s22 =	rddreg [dreg:$0xb];
	[sflag:s11] =	ssyncadd.s32 $0xFFFFDC00  }
0x4a: {  	[spmem:s22] =	stream.linear.scatter [tilespmem:s19], [sflag:$0x7], $0x2400, $0x38;
	[tilespmem:$0x1F400] =	vst v63  }
0x4b: {  	_ =	swait.ge [sflag:s11], $0x2400  }
0x4c: {  	[sflag:s11] =	ssyncset.done $0x0  }
0x4d: {  	[sflag:s11] =	ssyncadd.s32 $0xFFFFDC00  }
0x4e: {  	s24 =	simm.s32 $0x5;
	[bflag:$0x0] =	sbarrier.arrive $0xFFFF  }
0x4f: {  	_ =	swait.ge [sflag:s24], $0x2710  }
0x50: {  	[sflag:s24] =	ssyncset.done $0x0  }
0x51: {  	s25 =	simm.s32 $0x6;
	[sflag:s24] =	ssyncadd.s32 $0xFFFFD8F0  }
0x52: {  	_ =	swait.ge [sflag:s25], $0x2710  }
0x53: {  	[sflag:s25] =	ssyncset.done $0x0  }
0x54: {  	s6 =	simm.s32 $0x1A320;
	[sflag:s25] =	ssyncadd.s32 $0xFFFFD8F0  }
0x55: {  	[tilespmem:s6+$0xFFFFFFE0] =	vst v0  }
0x56: {  	[tilespmem:s6+$0x10] =	vst v0  }
0x57: {  	s12 =	simm.s32 $0x0;
	[tilespmem:s6+$0x0] =	vst v0  }
.LBB2_4:
0x58: {  	s12 =	sadd.s32 $0x4, s12  }
0x59: {  	[tilespmem:s6+$0xFFFFFFF0] =	vst v0;
	s6 =	sadd.s32 $0x40, s6;
	p0 =	slt.u32 s12, $0x3C  }
.Ltmp3:
0x5a: {  	[tilespmem:s6+$0xFFFFFFE0] =	vst v0;
	(pc) =	sbr.rel @p0 .LBB2_4-.Ltmp3, $3  }
0x5b: {  	_ =	sdelay $0x1  }
0x5c: {  	[tilespmem:s6+$0x10] =	vst v0  }
0x5d: {  	[tilespmem:s6+$0x0] =	vst v0  }
0x5e: {  	[tilespmem:s6+$0xFFFFFFF0] =	vst v0  }
0x5f: {  	s20 =	simm.s32 $0x20;
	s12 =	simm.s32 $0x1;
	[tilespmem:$0x1A970] =	vst v1  }
0x60: {  	v6 =	vmov s12;
	v7 =	vld [tilespmem:s20+$0xFFFFFFF0]  }
0x61: {  	s21 =	simm.s32 $0x2;
	v6 =	vand.u32 $0xFFFFFFFD, v6;
	v10 =	vld [tilespmem:s20+$0x0]  }
0x62: {  	s22 =	simm.s32 $0x0;
	s25 =	simm.s32 $0x6;
	v8 =	vmov s21;
	v12 =	vld [tilespmem:s20+$0x10];
	v14 =	vbroadcast v6, $0x0  }
0x63: {  	s24 =	simm.s32 $0x3;
	v9 =	vmov s22;
	v15 =	vmov s25;
	v16 =	vld [tilespmem:s20+$0xFFFFFFE0];
	v6 =	vand.u32 $0xFFFFFFFE, v8  }
0x64: {  	s13 =	simm.s32 $0x5;
	v11 =	vand.u32 $0xFFFFFFFC, v9;
	v9 =	vmov s24;
	v8 =	vbroadcast v6, $0x0  }
0x65: {  	s12 =	simm.s32 $0x60;
	v15 =	vand.u32 $0xFFFFFFFE, v15;
	v6 =	vmov s13;
	vm0 =	vlt.s32 v7, $0x400  }
0x66: {  	v13 =	vand.u32 $0xFFFFFFFD, v6;
	v6 =	vbroadcast v11, $0x0;
	v11 =	vld [tilespmem:s12+$0xFFFFFFF0];
	v17 =	vmpcnt.ones.xlane vm0  }
0x67: {  	v7 =	vbroadcast v13, $0x0;
	vm1 =	vlt.s32 v12, $0x400;
	v12 =	vld [tilespmem:s12+$0x10];
	vm0 =	vlt.s32 v10, $0x400  }
0x68: {  	s14 =	simm.s32 $0x8;
	s13 =	simm.s32 $0x4;
	v10 =	vld [tilespmem:s12+$0x0];
	v13 =	vmpcnt.ones.xlane vm0;
	vm0 =	vlt.s32 v16, $0x400;
	[tilespmem:v14+s23+$0x0] =	vst.idx.msk $0x1, v17;
	v14 =	vmpcnt.ones.xlane vm1  }
.LBB2_6:
0x69: {  	s6 =	sadd.s32 $0x1, s14  }
0x6a: {  	v16 =	vld [tilespmem:s12+$0xFFFFFFE0];
	v17 =	vmov s13;
	s15 =	sadd.s32 $0x3, s13;
	v18 =	vmpcnt.ones.xlane vm0;
	[tilespmem:v8+s23+$0x0] =	vst.idx.msk $0x1, v13;
	v8 =	vbroadcast v15, $0x0;
	s13 =	smov.u32 s14;
	p0 =	slt.u32 s14, $0x26C  }
.Ltmp4:
0x6b: {  	v13 =	vmov s6;
	v15 =	vand.u32 $0xFFFFFFFC, v17;
	[tilespmem:v9+s23+$0x0] =	vst.idx.msk $0x1, v14;
	v9 =	vmov s15;
	(pc) =	sbr.rel @p0 .LBB2_6-.Ltmp4, $4  }
0x6c: {  	s12 =	sadd.s32 $0x40, s12;
	v13 =	vand.u32 $0xFFFFFFFD, v13;
	vm0 =	vlt.s32 v11, $0x400;
	[tilespmem:v6+s23+$0x0] =	vst.idx.msk $0x1, v18;
	v6 =	vbroadcast v15, $0x0  }
0x6d: {  	s14 =	sadd.s32 $0x4, s14;
	s6 =	sadd.s32 $0x2, s13;
	v11 =	vld [tilespmem:s12+$0xFFFFFFF0];
	v17 =	vbroadcast v13, $0x0;
	v14 =	vmpcnt.ones.xlane vm0;
	vm0 =	vlt.s32 v10, $0x400  }
0x6e: {  	v15 =	vmov s6;
	v10 =	vld [tilespmem:s12+$0x0];
	v13 =	vmpcnt.ones.xlane vm0;
	vm1 =	vlt.s32 v12, $0x400  }
0x6f: {  	v15 =	vand.u32 $0xFFFFFFFE, v15;
	v12 =	vld [tilespmem:s12+$0x10];
	vm0 =	vlt.s32 v16, $0x400;
	[tilespmem:v7+s23+$0x0] =	vst.idx.msk $0x1, v14;
	v14 =	vmpcnt.ones.xlane vm1;
	v7 =	vmovc v17  }
0x70: {  	_ =	sdelay $0x1  }
0x71: {  	v16 =	vld [tilespmem:s12+$0xFFFFFFE0];
	v17 =	vmov s13;
	v15 =	vbroadcast v15, $0x0  }
0x72: {  	s6 =	sadd.s32 $0x3, s13;
	v18 =	vmpcnt.ones.xlane vm0;
	v17 =	vand.u32 $0xFFFFFFFC, v17  }
0x73: {  	[tilespmem:v8+s23+$0x0] =	vst.idx.msk $0x1, v13;
	v8 =	vmov s6;
	v63 =	vbroadcast v17, $0x0;
	vm12 =	vlt.s32 v11, $0x400  }
0x74: {  	[tilespmem:v9+s23+$0x0] =	vst.idx.msk $0x1, v14;
	v9 =	vmpcnt.ones.xlane vm12;
	vm13 =	vlt.s32 v10, $0x400  }
0x75: {  	[tilespmem:v6+s23+$0x0] =	vst.idx.msk $0x1, v18;
	v6 =	vmpcnt.ones.xlane vm13;
	vm14 =	vlt.s32 v12, $0x400  }
0x76: {  	vm1 =	vlt.s32 v16, $0x400;
	[tilespmem:v7+s23+$0x0] =	vst.idx.msk $0x1, v9;
	v7 =	vmpcnt.ones.xlane vm14  }
0x77: {  	v9 =	vmpcnt.ones.xlane vm1;
	[tilespmem:v15+s23+$0x0] =	vst.idx.msk $0x1, v6  }
0x78: {  	[tilespmem:v8+s23+$0x0] =	vst.idx.msk $0x1, v7  }
0x79: {  	[tilespmem:v63+s23+$0x0] =	vst.idx.msk $0x1, v9  }
0x7a: {  	v6 =	vld [tilespmem:$0x2700];
	_ =	sdelay $0x4  }
0x7b: {  	vm15 =	vlt.s32 v6, $0x400  }
0x7c: {  	v6 =	vmpcnt.ones.xlane vm15;
	_ =	sdelay $0x1  }
0x7d: {  	s13 =	simm.s32 $0x0;
	[tilespmem:v2+s23+$0x0] =	vst.idx.msk $0x1, v6  }
0x7e: {  	v8 =	vld [tilespmem:s13+$0x1A700];
	_ =	sdelay $0x4  }
0x7f: {  	s14 =	simm.s32 $0x10;
	(xrf0) =	vadd.scan.msk.s32 $0xffff, v8  }
0x80: {  	v7 =	vld [tilespmem:s14+$0x1A700];
	_ =	sdelay $0x1  }
0x81: {  	v6 =	vimm.s32 $0x0  }
0x82: {  	s12 =	simm.s32 $0x0;
	s6 =	simm.s32 $0x80;
	v8 =	vsub.s32 v6, v8  }
.LBB2_8:
0x83: {  	p0 =	sne.s32 s6, $0x9C0  }
.Ltmp5:
0x84: {  	s15 =	sshra.s32 s6, $0x2;
	s6 =	sadd.s32 $0x40, s6;
	(xrf0) =	vadd.scan.msk.s32 $0xffff, v7;
	v9, _, _ =	vpop (xrf0);
	v10 =	vmov v7;
	(pc) =	sbr.rel @p0 .LBB2_8-.Ltmp5, $4  }
0x85: {  	v7 =	vld [tilespmem:s15+$0x1A700];
	v8 =	vadd.s32 v9, v8;
	v9 =	vperm.xlane v9, v3  }
0x86: {  	[tilespmem:s13+$0x1A980] =	vst v8;
	s13 =	smov.u32 s14;
	s14 =	smov.u32 s15  }
0x87: {  	v6 =	vadd.s32 v6, v9  }
0x88: {  	v8 =	vsub.s32 v6, v10  }
0x89: {  	_ = 	snop  }
0x8a: {  	(xrf0) =	vadd.scan.msk.s32 $0xffff, v7  }
0x8b: {  	v9, _, _ =	vpop (xrf0)  }
0x8c: {  	v10 =	vperm.xlane v9, v3;
	_ =	sdelay $0x2  }
0x8d: {  	v6 =	vadd.s32 v6, v10  }
0x8e: {  	v8 =	vadd.s32 v9, v8;
	v7 =	vsub.s32 v6, v7;
	v10, _, _ =	vpop (xrf0)  }
0x8f: {  	[tilespmem:s13+$0x1A980] =	vst v8;
	v7 =	vadd.s32 v10, v7  }
0x90: {  	s6 =	simm.s32 $0x10;
	[tilespmem:s14+$0x1A980] =	vst v7  }
0x91: {  	v17 =	vld [tilespmem:s6+$0x0]  }
0x92: {  	v7 =	vmov s12  }
0x93: {  	s20 =	simm.s32 $0x1;
	v7 =	vand.u32 $0xFFFFFFFE, v7  }
0x94: {  	v8 =	vmov s20;
	v9 =	vld [tilespmem:s6+$0xFFFFFFF0];
	v7 =	vbroadcast v7, $0x0;
	_ =	sdelay $0x1  }
0x95: {  	vm0 =	vlt.s32 v17, $0x400  }
0x96: {  	v11 =	vsel vm0, $0x1, v1  }
0x97: {  	(xrf0) =	vadd.scan.msk.s32 $0xffff, v11  }
0x98: {  	s21 =	simm.s32 $0x2;
	vm1 =	vlt.s32 v9, $0x400;
	v11 =	vld.idx.msk [tilespmem:v8+s26+$0x0], $0xffff  }
0x99: {  	s22 =	simm.s32 $0x30;
	v12 =	vmov s21;
	v8 =	vsel vm1, $0x1, v1;
	v13 =	vld.idx.msk [tilespmem:v7+s26+$0x0], $0xffff  }
0x9a: {  	v7 =	vand.u32 $0xFFFFFFFE, v12;
	(xrf0) =	vadd.scan.msk.s32 $0xffff, v8;
	v8 =	vld [tilespmem:s22+$0x0]  }
0x9b: {  	s24 =	simm.s32 $0x3;
	v14 =	vbroadcast v7, $0x0;
	v7 =	vld [tilespmem:s22+$0xFFFFFFF0]  }
0x9c: {  	v15 =	vmov s24;
	v10 =	vperm.xlane v10, v3  }
0x9d: {  	v12, _, _ =	vpop (xrf0)  }
0x9e: {  	vm3 =	vmmov vm0;
	v11 =	vadd.s32 v12, v11  }
0x9f: {  	s12 =	simm.s32 $0x2790;
	vm0 =	vmmov vm1;
	vm1 =	vlt.s32 v8, $0x400;
	v16 =	vadd.s32 $0xFFFFFFFF, v11  }
0xa0: {  	v18 =	vld [tilespmem:s12+$0x0];
	v6 =	vadd.s32 v6, v10;
	vm4 =	vlt.s32 v7, $0x400;
	v10, _, _ =	vpop (xrf0);
	v11 =	vsel vm1, $0x1, v1  }
0xa1: {  	v15 =	vld.idx.msk [tilespmem:v15+s26+$0x0], $0xffff;
	vm2 =	vmmov vm0;
	v19 =	vsel vm4, $0x1, v1;
	v10 =	vadd.s32 v10, v13;
	(xrf0) =	vadd.scan.msk.s32 $0xffff, v11  }
0xa2: {  	v12 =	vld [tilespmem:s12+$0xFFFFFFF0];
	v13 =	vadd.s32 $0xFFFFFFFF, v10;
	(xrf0) =	vadd.scan.msk.s32 $0xffff, v19  }
0xa3: {  	s13 =	simm.s32 $0x50;
	v14 =	vld.idx.msk [tilespmem:v14+s26+$0x0], $0xffff  }
0xa4: {  	s25 =	simm.s32 $0x4;
	v11 =	vld [tilespmem:s13+$0x0];
	[tilespmem:v16+s28+$0x0] =	vst.idx.msk vm3, v17  }
0xa5: {  	v10 =	vld [tilespmem:s13+$0xFFFFFFF0];
	[tilespmem:v16+s29+$0x0] =	vst.idx.msk vm3, v18;
	v16 =	vmov s25  }
0xa6: {  	s14 =	simm.s32 $0x6;
	s6 =	simm.s32 $0x5;
	vm0 =	vmmov vm4;
	vm1 =	vmmov vm1;
	v16 =	vand.u32 $0xFFFFFFFE, v16;
	[tilespmem:v17+s30+$0x0] =	vst.idx.add.f32.msk vm3, v4  }
.LBB2_10:
0xa7: {  	p0 =	slt.u32 s14, $0x26E;
	v16 =	vbroadcast v16, $0x0;
	v17 =	vmov s6;
	v18, _, _ =	vpop (xrf0);
	[tilespmem:v13+s28+$0x0] =	vst.idx.msk vm2, v9  }
0xa8: {  	v15 =	vadd.s32 v18, v15;
	v18, _, _ =	vpop (xrf0);
	[tilespmem:v13+s29+$0x0] =	vst.idx.msk vm2, v12  }
0xa9: {  	s12 =	sadd.s32 $0x20, s12;
	vm3 =	vlt.s32 v11, $0x400;
	v12 =	vadd.s32 v18, v14;
	v18 =	vadd.s32 $0xFFFFFFFF, v15;
	[tilespmem:v9+s30+$0x0] =	vst.idx.add.f32.msk vm2, v4;
	v19 =	vmovc v11  }
0xaa: {  	v9 =	vmovc v7;
	vm4 =	vlt.s32 v10, $0x400;
	v11 =	vsel vm3, $0x1, v1;
	v13 =	vadd.s32 $0xFFFFFFFF, v12;
	v20 =	vld [tilespmem:s12+$0x0];
	v7 =	vmovc v10  }
0xab: {  	vm2 =	vmmov vm0;
	v10 =	vsel vm4, $0x1, v1;
	(xrf0) =	vadd.scan.msk.s32 $0xffff, v11;
	v12 =	vld [tilespmem:s12+$0xFFFFFFF0];
	vm0 =	vmmov vm4  }
.Ltmp6:
0xac: {  	v15 =	vld.idx.msk [tilespmem:v17+s26+$0x0], $0xffff;
	(xrf0) =	vadd.scan.msk.s32 $0xffff, v10;
	(pc) =	sbr.rel @p0 .LBB2_10-.Ltmp6, $4  }
0xad: {  	s13 =	sadd.s32 $0x20, s13;
	v14 =	vld.idx.msk [tilespmem:v16+s26+$0x0], $0xffff  }
0xae: {  	v11 =	vld [tilespmem:s13+$0x0];
	[tilespmem:v18+s28+$0x0] =	vst.idx.msk vm1, v8  }
0xaf: {  	v16 =	vmov s14;
	v10 =	vld [tilespmem:s13+$0xFFFFFFF0];
	[tilespmem:v18+s29+$0x0] =	vst.idx.msk vm1, v20  }
0xb0: {  	s6 =	sadd.s32 $0x1, s14;
	s14 =	sadd.s32 $0x2, s14;
	v16 =	vand.u32 $0xFFFFFFFE, v16;
	[tilespmem:v8+s30+$0x0] =	vst.idx.add.f32.msk vm1, v4;
	v8 =	vmov v19;
	vm1 =	vmmov vm3  }
0xb1: {  	_ =	sdelay $0x2  }
0xb2: {  	v17 =	vmov s6  }
0xb3: {  	v16 =	vbroadcast v16, $0x0;
	v18, _, _ =	vpop (xrf0);
	vm3 =	vlt.s32 v11, $0x400  }
0xb4: {  	s20 =	sadd.s32 $0x20, s12;
	[tilespmem:v13+s28+$0x0] =	vst.idx.msk vm2, v9;
	v15 =	vadd.s32 v18, v15;
	v19 =	vsel vm3, $0x1, v1  }
0xb5: {  	v50 =	vld [tilespmem:s20+$0x0];
	[tilespmem:v13+s29+$0x0] =	vst.idx.msk vm2, v12;
	v51, _, _ =	vpop (xrf0);
	v15 =	vadd.s32 $0xFFFFFFFF, v15;
	vm4 =	vlt.s32 v10, $0x400;
	(xrf0) =	vadd.scan.msk.s32 $0xffff, v19  }
0xb6: {  	vm0 =	vmmov vm0;
	[tilespmem:v9+s30+$0x0] =	vst.idx.add.f32.msk vm2, v4;
	v53 =	vadd.s32 v51, v14;
	v52 =	vsel vm4, $0x1, v1  }
0xb7: {  	v9 =	vadd.s32 $0xFFFFFFFF, v53;
	v17 =	vld.idx.msk [tilespmem:v17+s26+$0x0], $0xffff;
	(xrf0) =	vadd.scan.msk.s32 $0xffff, v52  }
0xb8: {  	v54 =	vld [tilespmem:s20+$0xFFFFFFF0]  }
0xb9: {  	v55 =	vld.idx.msk [tilespmem:v16+s26+$0x0], $0xffff  }
0xba: {  	[tilespmem:v15+s28+$0x0] =	vst.idx.msk vm1, v8  }
0xbb: {  	[tilespmem:v15+s29+$0x0] =	vst.idx.msk vm1, v50;
	v56, _, _ =	vpop (xrf0)  }
0xbc: {  	[tilespmem:v9+s28+$0x0] =	vst.idx.msk vm0, v7;
	v14 =	vadd.s32 v56, v17  }
0xbd: {  	s6 =	sadd.s32 $0x20, s20;
	vm14 =	vmmov vm4;
	[tilespmem:v8+s30+$0x0] =	vst.idx.add.f32.msk vm1, v4;
	v58, _, _ =	vpop (xrf0);
	v57 =	vadd.s32 $0xFFFFFFFF, v14  }
0xbe: {  	v59 =	vld [tilespmem:s6+$0x0];
	[tilespmem:v9+s29+$0x0] =	vst.idx.msk vm0, v54;
	vm1 =	vmmov vm14;
	v60 =	vadd.s32 v58, v55  }
0xbf: {  	[tilespmem:v7+s30+$0x0] =	vst.idx.add.f32.msk vm0, v4;
	v7 =	vadd.s32 $0xFFFFFFFF, v60;
	_ =	sdelay $0x1  }
0xc0: {  	v61 =	vld [tilespmem:s6+$0xFFFFFFF0]  }
0xc1: {  	[tilespmem:v57+s28+$0x0] =	vst.idx.msk vm3, v11  }
0xc2: {  	[tilespmem:v57+s29+$0x0] =	vst.idx.msk vm3, v59  }
0xc3: {  	[tilespmem:v7+s28+$0x0] =	vst.idx.msk vm1, v10  }
0xc4: {  	[tilespmem:v11+s30+$0x0] =	vst.idx.add.f32.msk vm3, v4  }
0xc5: {  	[tilespmem:v7+s29+$0x0] =	vst.idx.msk vm1, v61  }
0xc6: {  	[tilespmem:v10+s30+$0x0] =	vst.idx.add.f32.msk vm1, v4  }
0xc7: {  	v7 =	vld [tilespmem:$0x2700];
	_ =	sdelay $0x4  }
0xc8: {  	vm15 =	vlt.s32 v7, $0x400  }
0xc9: {  	v62 =	vsel vm15, $0x1, v1  }
0xca: {  	(v2sf) =	vpush v6, $0x0;
	(xrf0) =	vadd.scan.msk.s32 $0xffff, v62;
	_ =	sdelay $0x1  }
0xcb: {  	v6 =	vld.idx.msk [tilespmem:v2+s26+$0x0], $0xffff;
	_ =	sdelay $0x3  }
0xcc: {  	v8, _, _ =	vpop (xrf0)  }
0xcd: {  	v6 =	vadd.s32 v8, v6  }
0xce: {  	v6 =	vadd.s32 $0xFFFFFFFF, v6  }
0xcf: {  	v63 =	vld [tilespmem:$0x4E80];
	_ =	sdelay $0x3  }
0xd0: {  	[tilespmem:v6+s28+$0x0] =	vst.idx.msk vm15, v7  }
0xd1: {  	[tilespmem:v6+s29+$0x0] =	vst.idx.msk vm15, v63  }
0xd2: {  	s21 =	spop (v2sf);
	[tilespmem:v7+s30+$0x0] =	vst.idx.add.f32.msk vm15, v4  }
0xd3: {  	[tilespmem:s21+$0x4F00] =	vst v5  }
0xd4: {  	[tilespmem:s21+$0x7700] =	vst v1  }
0xd5: {  	[tilespmem:s21+$0x4F10] =	vst v5  }
0xd6: {  	[tilespmem:s21+$0x7710] =	vst v1  }
0xd7: {  	[tilespmem:s21+$0x4F20] =	vst v5  }
0xd8: {  	[tilespmem:s21+$0x7720] =	vst v1  }
0xd9: {  	s6 =	sadd.s32 $0x7F, s21;
	[tilespmem:s21+$0x4F30] =	vst v5  }
0xda: {  	s24 =	sand.u32 $0x7F, s6;
	[tilespmem:s21+$0x7730] =	vst v1  }
0xdb: {  	s25 =	sshra.s32 s6, $0x1F;
	p1 =	slt.s32 s6, $0x1;
	p0 =	sne.s32 s24, $0x0;
	[tilespmem:s21+$0x4F40] =	vst v5  }
0xdc: {  	s12 =	sshrl.u32 s25, $0x19;
	p0 =	por !p1, !p0;
	[tilespmem:s21+$0x7740] =	vst v1  }
0xdd: {  	s6 =	sadd.s32 s12, s6;
	s12 =	simm.s32 $0x1;
	p0 =	por !p0, !p0;
	[tilespmem:s21+$0x4F50] =	vst v5  }
0xde: {  	s6 =	sshra.s32 s6, $0x7;
	s12 =	simm.s32 @!p0 $0x0;
	[tilespmem:s21+$0x7750] =	vst v1  }
0xdf: {  	s12 =	ssub.s32 s6, s12;
	[tilespmem:s21+$0x4F60] =	vst v5  }
0xe0: {  	p1 =	slt.s32 s12, $0x1;
	[tilespmem:s21+$0x7760] =	vst v1  }
.Ltmp7:
0xe1: {  	[tilespmem:s21+$0x4F70] =	vst v5;
	(pc) =	sbr.rel @p1 .LBB2_23-.Ltmp7, $4  }
0xe2: {  	s13 =	simm.s32 $0x0;
	s11 =	rddreg [dreg:$0xc];
	[tilespmem:s21+$0x7770] =	vst v1  }
0xe3: {  	[tilespmem:s13], [sflag:$0x5] =	stream.linear.gather [hbm4b:s11+s13], $0x2710, $0x38;
	[tilespmem:$0x1F400] =	vst v63  }
0xe4: {  	s22 =	rddreg [dreg:$0xd];
	p0 =	por $0x1, $0x1  }
0xe5: {  	vm13 =	vmmov vm3;
	[tilespmem:s17], [sflag:$0x6] =	stream.linear.gather [hbm4b:s22+s13], $0x2710, $0x38;
	[tilespmem:$0x1F400] =	vst v63  }
.LBB2_12:
0xe6: {  	v6 =	vld [tilespmem:s13+$0x4F00]  }
0xe7: {  	v7 =	vld [tilespmem:s13+$0x4F10]  }
0xe8: {  	v8 =	vld [tilespmem:s13+$0x4F20]  }
0xe9: {  	v9 =	vld [tilespmem:s13+$0x4F30]  }
0xea: {  	v62 =	vld [tilespmem:s13+$0x7720]  }
0xeb: {  	v63 =	vld [tilespmem:s13+$0x7730];
	[tilespmem:s13+$0x9F00] =	vst v6  }
0xec: {  	v6 =	vld [tilespmem:s13+$0x7700];
	[tilespmem:s13+$0x9F10] =	vst v7  }
0xed: {  	p1 =	por p0, p0;
	v7 =	vld [tilespmem:s13+$0x7710];
	[tilespmem:s13+$0x9F20] =	vst v8  }
.Ltmp8:
0xee: {  	[tilespmem:s13+$0x9F30] =	vst v9;
	(pc) =	sbr.rel @p1 .LBB2_12-.Ltmp8, $4  }
0xef: {  	[tilespmem:s13+$0x9FA0] =	vst v62  }
0xf0: {  	[tilespmem:s13+$0x9FB0] =	vst v63  }
0xf1: {  	[tilespmem:s13+$0x9F80] =	vst v6  }
0xf2: {  	p0 =	por $0x0, $0x0;
	[tilespmem:s13+$0x9F90] =	vst v7;
	s13 =	simm.s32 $0x40  }
0xf3: {  	p0 =	seq.s32 s12, $0x1  }
.Ltmp9:
0xf4: {  	_ = 	snop;
	(pc) =	sbr.rel @p0 .LBB2_23-.Ltmp9, $2  }
0xf5: {  	_ =	sdelay $0x2  }
0xf6: {  	[tilespmem:s19], [sflag:$0x1] =	stream.indirect.gather [hbm4b:s0+s31], $0x80, s1, s31, $0xb8;
	[tilespmem:$0x1F400] =	vst v63  }
0xf7: {  	s6 =	simm.s32 $0x0;
	p0 =	por $0x1, $0x1  }
.LBB2_15:
0xf8: {  	v6 =	vld [tilespmem:s6+$0x4F80]  }
0xf9: {  	v7 =	vld [tilespmem:s6+$0x4F90]  }
0xfa: {  	v8 =	vld [tilespmem:s6+$0x4FA0]  }
0xfb: {  	v9 =	vld [tilespmem:s6+$0x4FB0]  }
0xfc: {  	v62 =	vld [tilespmem:s6+$0x77A0]  }
0xfd: {  	v63 =	vld [tilespmem:s6+$0x77B0];
	[tilespmem:s6+$0xE000] =	vst v6  }
0xfe: {  	v6 =	vld [tilespmem:s6+$0x7780];
	[tilespmem:s6+$0xE010] =	vst v7  }
0xff: {  	p1 =	por p0, p0;
	v7 =	vld [tilespmem:s6+$0x7790];
	[tilespmem:s6+$0xE020] =	vst v8  }
.Ltmp10:
0x100: {  	[tilespmem:s6+$0xE030] =	vst v9;
	(pc) =	sbr.rel @p1 .LBB2_15-.Ltmp10, $4  }
0x101: {  	[tilespmem:s6+$0xE0A0] =	vst v62  }
0x102: {  	[tilespmem:s6+$0xE0B0] =	vst v63  }
0x103: {  	[tilespmem:s6+$0xE080] =	vst v6  }
0x104: {  	p0 =	por $0x0, $0x0;
	[tilespmem:s6+$0xE090] =	vst v7;
	s6 =	simm.s32 $0x40  }
0x105: {  	p0 =	slt.u32 s12, $0x3  }
.Ltmp11:
0x106: {  	_ = 	snop;
	(pc) =	sbr.rel @p0 .LBB2_23-.Ltmp11, $2  }
0x107: {  	_ =	sdelay $0x2  }
0x108: {  	[tilespmem:s18], [sflag:$0x2] =	stream.indirect.gather [hbm4b:s0+s31], $0x80, s4, s31, $0xb8;
	[tilespmem:$0x1F400] =	vst v63  }
0x109: {  	s6 =	simm.s32 $0x0;
	p0 =	por $0x1, $0x1  }
.LBB2_18:
0x10a: {  	v6 =	vld [tilespmem:s6+$0x5000]  }
0x10b: {  	v7 =	vld [tilespmem:s6+$0x5010]  }
0x10c: {  	v8 =	vld [tilespmem:s6+$0x5020]  }
0x10d: {  	v9 =	vld [tilespmem:s6+$0x5030]  }
0x10e: {  	v62 =	vld [tilespmem:s6+$0x7820]  }
0x10f: {  	v63 =	vld [tilespmem:s6+$0x7830];
	[tilespmem:s6+$0x12100] =	vst v6  }
0x110: {  	v6 =	vld [tilespmem:s6+$0x7800];
	[tilespmem:s6+$0x12110] =	vst v7  }
0x111: {  	p1 =	por p0, p0;
	v7 =	vld [tilespmem:s6+$0x7810];
	[tilespmem:s6+$0x12120] =	vst v8  }
.Ltmp12:
0x112: {  	[tilespmem:s6+$0x12130] =	vst v9;
	(pc) =	sbr.rel @p1 .LBB2_18-.Ltmp12, $4  }
0x113: {  	[tilespmem:s6+$0x121A0] =	vst v62  }
0x114: {  	[tilespmem:s6+$0x121B0] =	vst v63  }
0x115: {  	[tilespmem:s6+$0x12180] =	vst v6  }
0x116: {  	p0 =	por $0x0, $0x0;
	[tilespmem:s6+$0x12190] =	vst v7;
	s6 =	simm.s32 $0x40  }
0x117: {  	p0 =	seq.s32 s12, $0x3  }
.Ltmp13:
0x118: {  	_ = 	snop;
	(pc) =	sbr.rel @p0 .LBB2_23-.Ltmp13, $2  }
0x119: {  	_ =	sdelay $0x2  }
0x11a: {  	[tilespmem:s8], [sflag:$0x3] =	stream.indirect.gather [hbm4b:s0+s31], $0x80, s7, s31, $0xb8;
	[tilespmem:$0x1F400] =	vst v63  }
0x11b: {  	s6 =	simm.s32 $0x0;
	p0 =	por $0x1, $0x1  }
.LBB2_21:
0x11c: {  	v6 =	vld [tilespmem:s6+$0x5080]  }
0x11d: {  	v7 =	vld [tilespmem:s6+$0x5090]  }
0x11e: {  	v8 =	vld [tilespmem:s6+$0x50A0]  }
0x11f: {  	v9 =	vld [tilespmem:s6+$0x50B0]  }
0x120: {  	v62 =	vld [tilespmem:s6+$0x78A0]  }
0x121: {  	v63 =	vld [tilespmem:s6+$0x78B0];
	[tilespmem:s6+$0x16200] =	vst v6  }
0x122: {  	v6 =	vld [tilespmem:s6+$0x7880];
	[tilespmem:s6+$0x16210] =	vst v7  }
0x123: {  	p1 =	por p0, p0;
	v7 =	vld [tilespmem:s6+$0x7890];
	[tilespmem:s6+$0x16220] =	vst v8  }
.Ltmp14:
0x124: {  	[tilespmem:s6+$0x16230] =	vst v9;
	(pc) =	sbr.rel @p1 .LBB2_21-.Ltmp14, $4  }
0x125: {  	[tilespmem:s6+$0x162A0] =	vst v62  }
0x126: {  	[tilespmem:s6+$0x162B0] =	vst v63  }
0x127: {  	[tilespmem:s6+$0x16280] =	vst v6  }
0x128: {  	p0 =	por $0x0, $0x0;
	[tilespmem:s6+$0x16290] =	vst v7;
	s6 =	simm.s32 $0x40  }
0x129: {  	[tilespmem:s10], [sflag:$0x4] =	stream.indirect.gather [hbm4b:s0+s31], $0x80, s9, s31, $0xb8;
	[tilespmem:$0x1F400] =	vst v63  }
.LBB2_23:
0x12a: {  	s6 =	sadd.s32 $0x3, s12  }
0x12b: {  	s13 =	sand.u32 $0x3, s6  }
0x12c: {  	p0 =	slt.s32 s12, $0xFFFFFFFE;
	p1 =	sne.s32 s13, $0x0  }
0x12d: {  	s25 =	sshrl.u32 s6, $0x1E;
	p0 =	por !p0, !p1  }
0x12e: {  	s6 =	sadd.s32 s25, s6;
	s13 =	simm.s32 $0x1;
	p0 =	por !p0, !p0  }
0x12f: {  	s6 =	sshra.s32 s6, $0x2;
	s13 =	simm.s32 @!p0 $0x0  }
0x130: {  	s13 =	ssub.s32 s6, s13  }
0x131: {  	p0 =	slt.s32 s13, $0x1  }
.Ltmp15:
0x132: {  	_ = 	snop;
	(pc) =	sbr.rel @p0 .LBB2_42-.Ltmp15, $1  }
0x133: {  	_ =	sdelay $0x3  }
.Ltmp16:
0x134: {  	(pc) =	sbr.rel .LBB2_25-.Ltmp16, $3  }
0x135: {  	_ =	sdelay $0x1  }
0x136: {  	s14 =	sadd.s32 $0xFFFFFFFF, s12  }
0x137: {  	s15 =	sadd.s32 $0xFFFFFFFE, s12;
	s16 =	sadd.s32 $0xFFFFFFFD, s12;
	s17 =	simm.s32 $0x0  }
.LBB2_41:
0x138: {  	s17 =	sadd.s32 $0x1, s17  }
0x139: {  	p0 =	sne.s32 s17, s13  }
.Ltmp17:
0x13a: {  	_ = 	snop;
	(pc) =	sbr.rel @!p0 .LBB2_42-.Ltmp17, $1  }
0x13b: {  	_ =	sdelay $0x3  }
.LBB2_25:
0x13c: {  	s24 =	sshll.u32 s17, $0x2  }
0x13d: {  	p0 =	sge.s32 s24, s12  }
0x13e: {  	s6 =	simm.s32 @!p0 $0x1  }
0x13f: {  	_ =	swait.ge @!p0 [sflag:s6], $0x4000  }
0x140: {  	s25 =	simm.s32 @!p0 $0x9F00;
	[sflag:s6] =	ssyncset.done @!p0 $0x0  }
0x141: {  	s21 =	simm.s32 @!p0 $0xA000;
	[sflag:s6] =	ssyncadd.s32 @!p0 $0xFFFFC000;
	s6 =	simm.s32 @!p0 $0x80  }
0x142: {  	[spmem:s3] =	stream.indirect.scatter.add.f32 @!p0 [tilespmem:s21], [sflag:$0x7], $0x80, s25, s6, $0xb8;
	[tilespmem:$0x1F400] =	vst v63  }
0x143: {  	s6 =	sadd.s32 @!p0 $0x4, s24  }
0x144: {  	p1 =	sge.s32 @!p0 s6, s12  }
0x145: {  	p1 =	por p0, p1  }
.Ltmp18:
0x146: {  	_ = 	snop;
	(pc) =	sbr.rel @p1 .LBB2_29-.Ltmp18, $4  }
0x147: {  	s21 =	simm.s32 @!p0 $0x7  }
0x148: {  	_ =	swait.ge @!p0 [sflag:s21], $0x4000  }
0x149: {  	[sflag:s21] =	ssyncset.done @!p0 $0x0  }
0x14a: {  	[sflag:s21] =	ssyncadd.s32 @!p0 $0xFFFFC000  }
0x14b: {  	s25 =	sshll.u32 s6, $0x7;
	s6 =	simm.s32 $0x0;
	p0 =	por $0x1, $0x1  }
.LBB2_27:
0x14c: {  	s21 =	sor.u32 s25, s6  }
0x14d: {  	v6 =	vld [tilespmem:s21+$0x4F00];
	s22 =	sor.u32 $0x10, s21  }
0x14e: {  	s11 =	sor.u32 $0x20, s21;
	v7 =	vld [tilespmem:s22+$0x4F00]  }
0x14f: {  	s20 =	sor.u32 $0x30, s21;
	v8 =	vld [tilespmem:s11+$0x4F00]  }
0x150: {  	v9 =	vld [tilespmem:s20+$0x4F00];
	_ =	sdelay $0x1  }
0x151: {  	[tilespmem:s6+$0x9F00] =	vst v6  }
0x152: {  	v6 =	vld [tilespmem:s21+$0x7700];
	[tilespmem:s6+$0x9F10] =	vst v7  }
0x153: {  	[tilespmem:s6+$0x9F20] =	vst v8;
	v7 =	vld [tilespmem:s22+$0x7700]  }
0x154: {  	[tilespmem:s6+$0x9F30] =	vst v9;
	v8 =	vld [tilespmem:s11+$0x7700]  }
0x155: {  	p1 =	por p0, p0;
	v9 =	vld [tilespmem:s20+$0x7700]  }
.Ltmp19:
0x156: {  	_ = 	snop;
	(pc) =	sbr.rel @p1 .LBB2_27-.Ltmp19, $4  }
0x157: {  	[tilespmem:s6+$0x9F80] =	vst v6  }
0x158: {  	[tilespmem:s6+$0x9F90] =	vst v7  }
0x159: {  	[tilespmem:s6+$0x9FA0] =	vst v8  }
0x15a: {  	p0 =	por $0x0, $0x0;
	[tilespmem:s6+$0x9FB0] =	vst v9;
	s6 =	simm.s32 $0x40  }
0x15b: {  	[tilespmem:s19], [sflag:$0x1] =	stream.indirect.gather [hbm4b:s0+s31], $0x80, s1, s31, $0xb8;
	[tilespmem:$0x1F400] =	vst v63  }
.LBB2_29:
0x15c: {  	p0 =	sge.s32 s24, s14  }
0x15d: {  	s6 =	simm.s32 @!p0 $0x2  }
0x15e: {  	_ =	swait.ge @!p0 [sflag:s6], $0x4000  }
0x15f: {  	s11 =	simm.s32 @!p0 $0xE000;
	[sflag:s6] =	ssyncset.done @!p0 $0x0  }
0x160: {  	s20 =	simm.s32 @!p0 $0xE100;
	[sflag:s6] =	ssyncadd.s32 @!p0 $0xFFFFC000;
	s6 =	simm.s32 @!p0 $0x80  }
0x161: {  	[spmem:s3] =	stream.indirect.scatter.add.f32 @!p0 [tilespmem:s20], [sflag:$0x7], $0x80, s11, s6, $0xb8;
	[tilespmem:$0x1F400] =	vst v63  }
0x162: {  	s6 =	sadd.s32 @!p0 $0x5, s24  }
0x163: {  	p1 =	sge.s32 @!p0 s6, s12  }
0x164: {  	p1 =	por p0, p1  }
.Ltmp20:
0x165: {  	_ = 	snop;
	(pc) =	sbr.rel @p1 .LBB2_33-.Ltmp20, $4  }
0x166: {  	s11 =	simm.s32 @!p0 $0x7  }
0x167: {  	_ =	swait.ge @!p0 [sflag:s11], $0x4000  }
0x168: {  	[sflag:s11] =	ssyncset.done @!p0 $0x0  }
0x169: {  	[sflag:s11] =	ssyncadd.s32 @!p0 $0xFFFFC000  }
0x16a: {  	s25 =	sshll.u32 s6, $0x7;
	s6 =	simm.s32 $0x0;
	p0 =	por $0x1, $0x1  }
.LBB2_31:
0x16b: {  	s11 =	sor.u32 s25, s6  }
0x16c: {  	v6 =	vld [tilespmem:s11+$0x4F00];
	s20 =	sor.u32 $0x10, s11  }
0x16d: {  	s21 =	sor.u32 $0x20, s11;
	v7 =	vld [tilespmem:s20+$0x4F00]  }
0x16e: {  	s22 =	sor.u32 $0x30, s11;
	v8 =	vld [tilespmem:s21+$0x4F00]  }
0x16f: {  	v9 =	vld [tilespmem:s22+$0x4F00];
	_ =	sdelay $0x1  }
0x170: {  	[tilespmem:s6+$0xE000] =	vst v6  }
0x171: {  	v6 =	vld [tilespmem:s11+$0x7700];
	[tilespmem:s6+$0xE010] =	vst v7  }
0x172: {  	[tilespmem:s6+$0xE020] =	vst v8;
	v7 =	vld [tilespmem:s20+$0x7700]  }
0x173: {  	[tilespmem:s6+$0xE030] =	vst v9;
	v8 =	vld [tilespmem:s21+$0x7700]  }
0x174: {  	p1 =	por p0, p0;
	v9 =	vld [tilespmem:s22+$0x7700]  }
.Ltmp21:
0x175: {  	_ = 	snop;
	(pc) =	sbr.rel @p1 .LBB2_31-.Ltmp21, $4  }
0x176: {  	[tilespmem:s6+$0xE080] =	vst v6  }
0x177: {  	[tilespmem:s6+$0xE090] =	vst v7  }
0x178: {  	[tilespmem:s6+$0xE0A0] =	vst v8  }
0x179: {  	p0 =	por $0x0, $0x0;
	[tilespmem:s6+$0xE0B0] =	vst v9;
	s6 =	simm.s32 $0x40  }
0x17a: {  	[tilespmem:s18], [sflag:$0x2] =	stream.indirect.gather [hbm4b:s0+s31], $0x80, s4, s31, $0xb8;
	[tilespmem:$0x1F400] =	vst v63  }
.LBB2_33:
0x17b: {  	p0 =	sge.s32 s24, s15  }
0x17c: {  	s6 =	simm.s32 @!p0 $0x3  }
0x17d: {  	_ =	swait.ge @!p0 [sflag:s6], $0x4000  }
0x17e: {  	s11 =	simm.s32 @!p0 $0x12100;
	[sflag:s6] =	ssyncset.done @!p0 $0x0  }
0x17f: {  	s20 =	simm.s32 @!p0 $0x12200;
	[sflag:s6] =	ssyncadd.s32 @!p0 $0xFFFFC000;
	s6 =	simm.s32 @!p0 $0x80  }
0x180: {  	[spmem:s3] =	stream.indirect.scatter.add.f32 @!p0 [tilespmem:s20], [sflag:$0x7], $0x80, s11, s6, $0xb8;
	[tilespmem:$0x1F400] =	vst v63  }
0x181: {  	s6 =	sadd.s32 @!p0 $0x6, s24  }
0x182: {  	p1 =	sge.s32 @!p0 s6, s12  }
0x183: {  	p1 =	por p0, p1  }
.Ltmp22:
0x184: {  	_ = 	snop;
	(pc) =	sbr.rel @p1 .LBB2_37-.Ltmp22, $4  }
0x185: {  	s11 =	simm.s32 @!p0 $0x7  }
0x186: {  	_ =	swait.ge @!p0 [sflag:s11], $0x4000  }
0x187: {  	[sflag:s11] =	ssyncset.done @!p0 $0x0  }
0x188: {  	[sflag:s11] =	ssyncadd.s32 @!p0 $0xFFFFC000  }
0x189: {  	s25 =	sshll.u32 s6, $0x7;
	s6 =	simm.s32 $0x0;
	p0 =	por $0x1, $0x1  }
.LBB2_35:
0x18a: {  	s11 =	sor.u32 s25, s6  }
0x18b: {  	v6 =	vld [tilespmem:s11+$0x4F00];
	s20 =	sor.u32 $0x10, s11  }
0x18c: {  	s21 =	sor.u32 $0x20, s11;
	v7 =	vld [tilespmem:s20+$0x4F00]  }
0x18d: {  	s22 =	sor.u32 $0x30, s11;
	v8 =	vld [tilespmem:s21+$0x4F00]  }
0x18e: {  	v9 =	vld [tilespmem:s22+$0x4F00];
	_ =	sdelay $0x1  }
0x18f: {  	[tilespmem:s6+$0x12100] =	vst v6  }
0x190: {  	v6 =	vld [tilespmem:s11+$0x7700];
	[tilespmem:s6+$0x12110] =	vst v7  }
0x191: {  	[tilespmem:s6+$0x12120] =	vst v8;
	v7 =	vld [tilespmem:s20+$0x7700]  }
0x192: {  	[tilespmem:s6+$0x12130] =	vst v9;
	v8 =	vld [tilespmem:s21+$0x7700]  }
0x193: {  	p1 =	por p0, p0;
	v9 =	vld [tilespmem:s22+$0x7700]  }
.Ltmp23:
0x194: {  	_ = 	snop;
	(pc) =	sbr.rel @p1 .LBB2_35-.Ltmp23, $4  }
0x195: {  	[tilespmem:s6+$0x12180] =	vst v6  }
0x196: {  	[tilespmem:s6+$0x12190] =	vst v7  }
0x197: {  	[tilespmem:s6+$0x121A0] =	vst v8  }
0x198: {  	p0 =	por $0x0, $0x0;
	[tilespmem:s6+$0x121B0] =	vst v9;
	s6 =	simm.s32 $0x40  }
0x199: {  	[tilespmem:s8], [sflag:$0x3] =	stream.indirect.gather [hbm4b:s0+s31], $0x80, s7, s31, $0xb8;
	[tilespmem:$0x1F400] =	vst v63  }
.LBB2_37:
0x19a: {  	p0 =	sge.s32 s24, s16  }
0x19b: {  	s6 =	simm.s32 @!p0 $0x4  }
0x19c: {  	_ =	swait.ge @!p0 [sflag:s6], $0x4000  }
0x19d: {  	s11 =	simm.s32 @!p0 $0x16200;
	[sflag:s6] =	ssyncset.done @!p0 $0x0  }
0x19e: {  	s20 =	simm.s32 @!p0 $0x16300;
	[sflag:s6] =	ssyncadd.s32 @!p0 $0xFFFFC000;
	s6 =	simm.s32 @!p0 $0x80  }
0x19f: {  	[spmem:s3] =	stream.indirect.scatter.add.f32 @!p0 [tilespmem:s20], [sflag:$0x7], $0x80, s11, s6, $0xb8;
	[tilespmem:$0x1F400] =	vst v63  }
0x1a0: {  	s6 =	sadd.s32 @!p0 $0x7, s24  }
0x1a1: {  	p1 =	sge.s32 @!p0 s6, s12  }
0x1a2: {  	p1 =	por p0, p1  }
.Ltmp24:
0x1a3: {  	_ = 	snop;
	(pc) =	sbr.rel @p1 .LBB2_41-.Ltmp24, $4  }
0x1a4: {  	s11 =	simm.s32 @!p0 $0x7  }
0x1a5: {  	_ =	swait.ge @!p0 [sflag:s11], $0x4000  }
0x1a6: {  	[sflag:s11] =	ssyncset.done @!p0 $0x0  }
0x1a7: {  	[sflag:s11] =	ssyncadd.s32 @!p0 $0xFFFFC000  }
0x1a8: {  	s24 =	sshll.u32 s6, $0x7;
	s6 =	simm.s32 $0x0;
	p0 =	por $0x1, $0x1  }
.LBB2_39:
0x1a9: {  	s11 =	sor.u32 s24, s6  }
0x1aa: {  	v6 =	vld [tilespmem:s11+$0x4F00];
	s20 =	sor.u32 $0x10, s11  }
0x1ab: {  	s21 =	sor.u32 $0x20, s11;
	v7 =	vld [tilespmem:s20+$0x4F00]  }
0x1ac: {  	s22 =	sor.u32 $0x30, s11;
	v8 =	vld [tilespmem:s21+$0x4F00]  }
0x1ad: {  	v9 =	vld [tilespmem:s22+$0x4F00];
	_ =	sdelay $0x1  }
0x1ae: {  	[tilespmem:s6+$0x16200] =	vst v6  }
0x1af: {  	v6 =	vld [tilespmem:s11+$0x7700];
	[tilespmem:s6+$0x16210] =	vst v7  }
0x1b0: {  	[tilespmem:s6+$0x16220] =	vst v8;
	v7 =	vld [tilespmem:s20+$0x7700]  }
0x1b1: {  	[tilespmem:s6+$0x16230] =	vst v9;
	v8 =	vld [tilespmem:s21+$0x7700]  }
0x1b2: {  	p1 =	por p0, p0;
	v9 =	vld [tilespmem:s22+$0x7700]  }
.Ltmp25:
0x1b3: {  	_ = 	snop;
	(pc) =	sbr.rel @p1 .LBB2_39-.Ltmp25, $4  }
0x1b4: {  	[tilespmem:s6+$0x16280] =	vst v6  }
0x1b5: {  	[tilespmem:s6+$0x16290] =	vst v7  }
0x1b6: {  	[tilespmem:s6+$0x162A0] =	vst v8  }
0x1b7: {  	p0 =	por $0x0, $0x0;
	[tilespmem:s6+$0x162B0] =	vst v9;
	s6 =	simm.s32 $0x40  }
.Ltmp26:
0x1b8: {  	(pc) =	sbr.rel .LBB2_41-.Ltmp26, $2  }
0x1b9: {  	_ =	sdelay $0x2  }
0x1ba: {  	[tilespmem:s10], [sflag:$0x4] =	stream.indirect.gather [hbm4b:s0+s31], $0x80, s9, s31, $0xb8;
	[tilespmem:$0x1F400] =	vst v63  }
.LBB2_42:
0x1bb: {  	s6 =	simm.s32 $0x0;
	s11 =	rddreg [dreg:$0xe];
	s22 =	simm.s32 $0x7  }
0x1bc: {  	[hbm4b:s11+s6] =	stream.linear.scatter [tilespmem:s30], [sflag:$0x7], $0x400, $0x38;
	[tilespmem:$0x1F400] =	vst v63  }
0x1bd: {  	_ =	swait.ge [sflag:s22], $0x400  }
0x1be: {  	[sflag:s22] =	ssyncset.done $0x0  }
0x1bf: {  	s24 =	simm.s32 $0x5;
	[sflag:s22] =	ssyncadd.s32 $0xFFFFFC00  }
0x1c0: {  	_ =	swait.ge [sflag:s24], $0x2710  }
0x1c1: {  	[sflag:s24] =	ssyncset.done $0x0  }
0x1c2: {  	s25 =	simm.s32 $0x6;
	[sflag:s24] =	ssyncadd.s32 $0xFFFFD8F0  }
0x1c3: {  	_ =	swait.ge [sflag:s25], $0x2710  }
0x1c4: {  	[sflag:s25] =	ssyncset.done $0x0  }
0x1c5: {  	s6 =	simm.s32 $0x1A320;
	[sflag:s25] =	ssyncadd.s32 $0xFFFFD8F0  }
0x1c6: {  	[tilespmem:s6+$0xFFFFFFE0] =	vst v0  }
0x1c7: {  	[tilespmem:s6+$0x10] =	vst v0  }
0x1c8: {  	s12 =	simm.s32 $0x0;
	[tilespmem:s6+$0x0] =	vst v0  }
.LBB2_43:
0x1c9: {  	s12 =	sadd.s32 $0x4, s12  }
0x1ca: {  	[tilespmem:s6+$0xFFFFFFF0] =	vst v0;
	s6 =	sadd.s32 $0x40, s6;
	p0 =	slt.u32 s12, $0x3C  }
.Ltmp27:
0x1cb: {  	[tilespmem:s6+$0xFFFFFFE0] =	vst v0;
	(pc) =	sbr.rel @p0 .LBB2_43-.Ltmp27, $3  }
0x1cc: {  	_ =	sdelay $0x1  }
0x1cd: {  	[tilespmem:s6+$0x10] =	vst v0  }
0x1ce: {  	[tilespmem:s6+$0x0] =	vst v0  }
0x1cf: {  	[tilespmem:s6+$0xFFFFFFF0] =	vst v0  }
0x1d0: {  	s20 =	simm.s32 $0x20;
	s11 =	simm.s32 $0x1;
	[tilespmem:$0x1A970] =	vst v1  }
0x1d1: {  	v6 =	vmov s11;
	v7 =	vld [tilespmem:s20+$0xFFFFFFF0]  }
0x1d2: {  	s21 =	simm.s32 $0x2;
	v6 =	vand.u32 $0xFFFFFFFD, v6;
	v10 =	vld [tilespmem:s20+$0x0]  }
0x1d3: {  	s22 =	simm.s32 $0x0;
	s25 =	simm.s32 $0x6;
	v8 =	vmov s21;
	v12 =	vld [tilespmem:s20+$0x10];
	v14 =	vbroadcast v6, $0x0  }
0x1d4: {  	s24 =	simm.s32 $0x3;
	v9 =	vmov s22;
	v15 =	vmov s25;
	v16 =	vld [tilespmem:s20+$0xFFFFFFE0];
	v6 =	vand.u32 $0xFFFFFFFE, v8  }
0x1d5: {  	s12 =	simm.s32 $0x5;
	v11 =	vand.u32 $0xFFFFFFFC, v9;
	v9 =	vmov s24;
	v8 =	vbroadcast v6, $0x0  }
0x1d6: {  	v15 =	vand.u32 $0xFFFFFFFE, v15;
	v6 =	vmov s12;
	s12 =	simm.s32 $0x60;
	vm0 =	vlt.s32 v7, $0x400  }
0x1d7: {  	v13 =	vand.u32 $0xFFFFFFFD, v6;
	v6 =	vbroadcast v11, $0x0;
	v11 =	vld [tilespmem:s12+$0xFFFFFFF0];
	v17 =	vmpcnt.ones.xlane vm0  }
0x1d8: {  	v7 =	vbroadcast v13, $0x0;
	vm1 =	vlt.s32 v12, $0x400;
	v12 =	vld [tilespmem:s12+$0x10];
	vm0 =	vlt.s32 v10, $0x400  }
0x1d9: {  	s13 =	simm.s32 $0x4;
	s14 =	simm.s32 $0x8;
	v10 =	vld [tilespmem:s12+$0x0];
	v13 =	vmpcnt.ones.xlane vm0;
	vm0 =	vlt.s32 v16, $0x400;
	[tilespmem:v14+s23+$0x0] =	vst.idx.msk $0x1, v17;
	v14 =	vmpcnt.ones.xlane vm1  }
.LBB2_45:
0x1da: {  	s6 =	sadd.s32 $0x1, s14  }
0x1db: {  	v16 =	vld [tilespmem:s12+$0xFFFFFFE0];
	v17 =	vmov s13;
	s11 =	sadd.s32 $0x3, s13;
	v18 =	vmpcnt.ones.xlane vm0;
	[tilespmem:v8+s23+$0x0] =	vst.idx.msk $0x1, v13;
	v8 =	vbroadcast v15, $0x0;
	s13 =	smov.u32 s14;
	p0 =	slt.u32 s14, $0x26C  }
.Ltmp28:
0x1dc: {  	v13 =	vmov s6;
	v15 =	vand.u32 $0xFFFFFFFC, v17;
	[tilespmem:v9+s23+$0x0] =	vst.idx.msk $0x1, v14;
	v9 =	vmov s11;
	(pc) =	sbr.rel @p0 .LBB2_45-.Ltmp28, $4  }
0x1dd: {  	s12 =	sadd.s32 $0x40, s12;
	v13 =	vand.u32 $0xFFFFFFFD, v13;
	vm0 =	vlt.s32 v11, $0x400;
	[tilespmem:v6+s23+$0x0] =	vst.idx.msk $0x1, v18;
	v6 =	vbroadcast v15, $0x0  }
0x1de: {  	s14 =	sadd.s32 $0x4, s14;
	s6 =	sadd.s32 $0x2, s13;
	v11 =	vld [tilespmem:s12+$0xFFFFFFF0];
	v17 =	vbroadcast v13, $0x0;
	v14 =	vmpcnt.ones.xlane vm0;
	vm0 =	vlt.s32 v10, $0x400  }
0x1df: {  	v15 =	vmov s6;
	v10 =	vld [tilespmem:s12+$0x0];
	v13 =	vmpcnt.ones.xlane vm0;
	vm1 =	vlt.s32 v12, $0x400  }
0x1e0: {  	v15 =	vand.u32 $0xFFFFFFFE, v15;
	v12 =	vld [tilespmem:s12+$0x10];
	vm0 =	vlt.s32 v16, $0x400;
	[tilespmem:v7+s23+$0x0] =	vst.idx.msk $0x1, v14;
	v14 =	vmpcnt.ones.xlane vm1;
	v7 =	vmovc v17  }
0x1e1: {  	_ =	sdelay $0x1  }
0x1e2: {  	v16 =	vld [tilespmem:s12+$0xFFFFFFE0];
	v17 =	vmov s13;
	v15 =	vbroadcast v15, $0x0  }
0x1e3: {  	s6 =	sadd.s32 $0x3, s13;
	v18 =	vmpcnt.ones.xlane vm0;
	v17 =	vand.u32 $0xFFFFFFFC, v17  }
0x1e4: {  	[tilespmem:v8+s23+$0x0] =	vst.idx.msk $0x1, v13;
	v8 =	vmov s6;
	v63 =	vbroadcast v17, $0x0;
	vm12 =	vlt.s32 v11, $0x400  }
0x1e5: {  	[tilespmem:v9+s23+$0x0] =	vst.idx.msk $0x1, v14;
	v9 =	vmpcnt.ones.xlane vm12;
	vm13 =	vlt.s32 v10, $0x400  }
0x1e6: {  	[tilespmem:v6+s23+$0x0] =	vst.idx.msk $0x1, v18;
	v6 =	vmpcnt.ones.xlane vm13;
	vm14 =	vlt.s32 v12, $0x400  }
0x1e7: {  	vm1 =	vlt.s32 v16, $0x400;
	[tilespmem:v7+s23+$0x0] =	vst.idx.msk $0x1, v9;
	v7 =	vmpcnt.ones.xlane vm14  }
0x1e8: {  	v9 =	vmpcnt.ones.xlane vm1;
	[tilespmem:v15+s23+$0x0] =	vst.idx.msk $0x1, v6  }
0x1e9: {  	[tilespmem:v8+s23+$0x0] =	vst.idx.msk $0x1, v7  }
0x1ea: {  	[tilespmem:v63+s23+$0x0] =	vst.idx.msk $0x1, v9  }
0x1eb: {  	v6 =	vld [tilespmem:$0x2700];
	_ =	sdelay $0x4  }
0x1ec: {  	vm15 =	vlt.s32 v6, $0x400  }
0x1ed: {  	v6 =	vmpcnt.ones.xlane vm15;
	_ =	sdelay $0x1  }
0x1ee: {  	s13 =	simm.s32 $0x0;
	[tilespmem:v2+s23+$0x0] =	vst.idx.msk $0x1, v6  }
0x1ef: {  	v8 =	vld [tilespmem:s13+$0x1A700];
	_ =	sdelay $0x4  }
0x1f0: {  	s14 =	simm.s32 $0x10;
	(xrf0) =	vadd.scan.msk.s32 $0xffff, v8  }
0x1f1: {  	v7 =	vld [tilespmem:s14+$0x1A700];
	_ =	sdelay $0x1  }
0x1f2: {  	v6 =	vimm.s32 $0x0  }
0x1f3: {  	s12 =	simm.s32 $0x0;
	s6 =	simm.s32 $0x80;
	v8 =	vsub.s32 v6, v8  }
.LBB2_47:
0x1f4: {  	p0 =	sne.s32 s6, $0x9C0  }
.Ltmp29:
0x1f5: {  	s11 =	sshra.s32 s6, $0x2;
	s6 =	sadd.s32 $0x40, s6;
	(xrf0) =	vadd.scan.msk.s32 $0xffff, v7;
	v9, _, _ =	vpop (xrf0);
	v10 =	vmov v7;
	(pc) =	sbr.rel @p0 .LBB2_47-.Ltmp29, $4  }
0x1f6: {  	v7 =	vld [tilespmem:s11+$0x1A700];
	v8 =	vadd.s32 v9, v8;
	v9 =	vperm.xlane v9, v3  }
0x1f7: {  	[tilespmem:s13+$0x1A980] =	vst v8;
	s13 =	smov.u32 s14;
	s14 =	smov.u32 s11  }
0x1f8: {  	v6 =	vadd.s32 v6, v9  }
0x1f9: {  	v8 =	vsub.s32 v6, v10  }
0x1fa: {  	_ = 	snop  }
0x1fb: {  	(xrf0) =	vadd.scan.msk.s32 $0xffff, v7  }
0x1fc: {  	v9, _, _ =	vpop (xrf0)  }
0x1fd: {  	v10 =	vperm.xlane v9, v3;
	_ =	sdelay $0x2  }
0x1fe: {  	v6 =	vadd.s32 v6, v10  }
0x1ff: {  	v8 =	vadd.s32 v9, v8;
	v7 =	vsub.s32 v6, v7;
	v10, _, _ =	vpop (xrf0)  }
0x200: {  	[tilespmem:s13+$0x1A980] =	vst v8;
	v7 =	vadd.s32 v10, v7  }
0x201: {  	s6 =	simm.s32 $0x10;
	[tilespmem:s14+$0x1A980] =	vst v7  }
0x202: {  	v17 =	vld [tilespmem:s6+$0x0]  }
0x203: {  	v7 =	vmov s12  }
0x204: {  	s11 =	simm.s32 $0x1;
	v7 =	vand.u32 $0xFFFFFFFE, v7  }
0x205: {  	v8 =	vmov s11;
	v9 =	vld [tilespmem:s6+$0xFFFFFFF0];
	v7 =	vbroadcast v7, $0x0;
	_ =	sdelay $0x1  }
0x206: {  	vm0 =	vlt.s32 v17, $0x400  }
0x207: {  	v11 =	vsel vm0, $0x1, v1  }
0x208: {  	(xrf0) =	vadd.scan.msk.s32 $0xffff, v11  }
0x209: {  	s21 =	simm.s32 $0x2;
	vm1 =	vlt.s32 v9, $0x400;
	v11 =	vld.idx.msk [tilespmem:v8+s26+$0x0], $0xffff  }
0x20a: {  	s22 =	simm.s32 $0x30;
	v12 =	vmov s21;
	v8 =	vsel vm1, $0x1, v1;
	v13 =	vld.idx.msk [tilespmem:v7+s26+$0x0], $0xffff  }
0x20b: {  	v7 =	vand.u32 $0xFFFFFFFE, v12;
	(xrf0) =	vadd.scan.msk.s32 $0xffff, v8;
	v8 =	vld [tilespmem:s22+$0x0]  }
0x20c: {  	s24 =	simm.s32 $0x3;
	v14 =	vbroadcast v7, $0x0;
	v7 =	vld [tilespmem:s22+$0xFFFFFFF0]  }
0x20d: {  	v15 =	vmov s24;
	v10 =	vperm.xlane v10, v3  }
0x20e: {  	v12, _, _ =	vpop (xrf0)  }
0x20f: {  	vm3 =	vmmov vm0;
	v11 =	vadd.s32 v12, v11  }
0x210: {  	s12 =	simm.s32 $0x2790;
	vm0 =	vmmov vm1;
	vm1 =	vlt.s32 v8, $0x400;
	v16 =	vadd.s32 $0xFFFFFFFF, v11  }
0x211: {  	v18 =	vld [tilespmem:s12+$0x0];
	v6 =	vadd.s32 v6, v10;
	vm4 =	vlt.s32 v7, $0x400;
	v10, _, _ =	vpop (xrf0);
	v11 =	vsel vm1, $0x1, v1  }
0x212: {  	v15 =	vld.idx.msk [tilespmem:v15+s26+$0x0], $0xffff;
	vm2 =	vmmov vm0;
	v19 =	vsel vm4, $0x1, v1;
	v10 =	vadd.s32 v10, v13;
	(xrf0) =	vadd.scan.msk.s32 $0xffff, v11  }
0x213: {  	v12 =	vld [tilespmem:s12+$0xFFFFFFF0];
	v13 =	vadd.s32 $0xFFFFFFFF, v10;
	(xrf0) =	vadd.scan.msk.s32 $0xffff, v19  }
0x214: {  	s13 =	simm.s32 $0x50;
	v14 =	vld.idx.msk [tilespmem:v14+s26+$0x0], $0xffff  }
0x215: {  	s25 =	simm.s32 $0x4;
	v11 =	vld [tilespmem:s13+$0x0];
	[tilespmem:v16+s28+$0x0] =	vst.idx.msk vm3, v17  }
0x216: {  	v10 =	vld [tilespmem:s13+$0xFFFFFFF0];
	[tilespmem:v16+s29+$0x0] =	vst.idx.msk vm3, v18;
	v16 =	vmov s25  }
0x217: {  	s14 =	simm.s32 $0x6;
	s6 =	simm.s32 $0x5;
	vm0 =	vmmov vm4;
	vm1 =	vmmov vm1;
	v16 =	vand.u32 $0xFFFFFFFE, v16;
	[tilespmem:v17+s30+$0x0] =	vst.idx.add.f32.msk vm3, v4  }
.LBB2_49:
0x218: {  	p0 =	slt.u32 s14, $0x26E;
	v16 =	vbroadcast v16, $0x0;
	v17 =	vmov s6;
	v18, _, _ =	vpop (xrf0);
	[tilespmem:v13+s28+$0x0] =	vst.idx.msk vm2, v9  }
0x219: {  	v15 =	vadd.s32 v18, v15;
	v18, _, _ =	vpop (xrf0);
	[tilespmem:v13+s29+$0x0] =	vst.idx.msk vm2, v12  }
0x21a: {  	s12 =	sadd.s32 $0x20, s12;
	vm3 =	vlt.s32 v11, $0x400;
	v12 =	vadd.s32 v18, v14;
	v18 =	vadd.s32 $0xFFFFFFFF, v15;
	[tilespmem:v9+s30+$0x0] =	vst.idx.add.f32.msk vm2, v4;
	v19 =	vmovc v11  }
0x21b: {  	v9 =	vmovc v7;
	vm4 =	vlt.s32 v10, $0x400;
	v11 =	vsel vm3, $0x1, v1;
	v13 =	vadd.s32 $0xFFFFFFFF, v12;
	v20 =	vld [tilespmem:s12+$0x0];
	v7 =	vmovc v10  }
0x21c: {  	vm2 =	vmmov vm0;
	v10 =	vsel vm4, $0x1, v1;
	(xrf0) =	vadd.scan.msk.s32 $0xffff, v11;
	v12 =	vld [tilespmem:s12+$0xFFFFFFF0];
	vm0 =	vmmov vm4  }
.Ltmp30:
0x21d: {  	v15 =	vld.idx.msk [tilespmem:v17+s26+$0x0], $0xffff;
	(xrf0) =	vadd.scan.msk.s32 $0xffff, v10;
	(pc) =	sbr.rel @p0 .LBB2_49-.Ltmp30, $4  }
0x21e: {  	s13 =	sadd.s32 $0x20, s13;
	v14 =	vld.idx.msk [tilespmem:v16+s26+$0x0], $0xffff  }
0x21f: {  	v11 =	vld [tilespmem:s13+$0x0];
	[tilespmem:v18+s28+$0x0] =	vst.idx.msk vm1, v8  }
0x220: {  	v16 =	vmov s14;
	v10 =	vld [tilespmem:s13+$0xFFFFFFF0];
	[tilespmem:v18+s29+$0x0] =	vst.idx.msk vm1, v20  }
0x221: {  	s6 =	sadd.s32 $0x1, s14;
	s14 =	sadd.s32 $0x2, s14;
	v16 =	vand.u32 $0xFFFFFFFE, v16;
	[tilespmem:v8+s30+$0x0] =	vst.idx.add.f32.msk vm1, v4;
	v8 =	vmov v19;
	vm1 =	vmmov vm3  }
0x222: {  	_ =	sdelay $0x2  }
0x223: {  	v17 =	vmov s6  }
0x224: {  	v16 =	vbroadcast v16, $0x0;
	v18, _, _ =	vpop (xrf0);
	vm3 =	vlt.s32 v11, $0x400  }
0x225: {  	s21 =	sadd.s32 $0x20, s12;
	[tilespmem:v13+s28+$0x0] =	vst.idx.msk vm2, v9;
	v15 =	vadd.s32 v18, v15;
	v19 =	vsel vm3, $0x1, v1  }
0x226: {  	v50 =	vld [tilespmem:s21+$0x0];
	[tilespmem:v13+s29+$0x0] =	vst.idx.msk vm2, v12;
	v51, _, _ =	vpop (xrf0);
	v15 =	vadd.s32 $0xFFFFFFFF, v15;
	vm4 =	vlt.s32 v10, $0x400;
	(xrf0) =	vadd.scan.msk.s32 $0xffff, v19  }
0x227: {  	vm0 =	vmmov vm0;
	[tilespmem:v9+s30+$0x0] =	vst.idx.add.f32.msk vm2, v4;
	v53 =	vadd.s32 v51, v14;
	v52 =	vsel vm4, $0x1, v1  }
0x228: {  	v9 =	vadd.s32 $0xFFFFFFFF, v53;
	v17 =	vld.idx.msk [tilespmem:v17+s26+$0x0], $0xffff;
	(xrf0) =	vadd.scan.msk.s32 $0xffff, v52  }
0x229: {  	v54 =	vld [tilespmem:s21+$0xFFFFFFF0]  }
0x22a: {  	v55 =	vld.idx.msk [tilespmem:v16+s26+$0x0], $0xffff  }
0x22b: {  	[tilespmem:v15+s28+$0x0] =	vst.idx.msk vm1, v8  }
0x22c: {  	[tilespmem:v15+s29+$0x0] =	vst.idx.msk vm1, v50;
	v56, _, _ =	vpop (xrf0)  }
0x22d: {  	[tilespmem:v9+s28+$0x0] =	vst.idx.msk vm0, v7;
	v14 =	vadd.s32 v56, v17  }
0x22e: {  	s6 =	sadd.s32 $0x20, s21;
	vm14 =	vmmov vm4;
	[tilespmem:v8+s30+$0x0] =	vst.idx.add.f32.msk vm1, v4;
	v58, _, _ =	vpop (xrf0);
	v57 =	vadd.s32 $0xFFFFFFFF, v14  }
0x22f: {  	v59 =	vld [tilespmem:s6+$0x0];
	[tilespmem:v9+s29+$0x0] =	vst.idx.msk vm0, v54;
	vm1 =	vmmov vm14;
	v60 =	vadd.s32 v58, v55  }
0x230: {  	[tilespmem:v7+s30+$0x0] =	vst.idx.add.f32.msk vm0, v4;
	v7 =	vadd.s32 $0xFFFFFFFF, v60;
	_ =	sdelay $0x1  }
0x231: {  	v61 =	vld [tilespmem:s6+$0xFFFFFFF0]  }
0x232: {  	[tilespmem:v57+s28+$0x0] =	vst.idx.msk vm3, v11  }
0x233: {  	[tilespmem:v57+s29+$0x0] =	vst.idx.msk vm3, v59  }
0x234: {  	[tilespmem:v7+s28+$0x0] =	vst.idx.msk vm1, v10  }
0x235: {  	[tilespmem:v11+s30+$0x0] =	vst.idx.add.f32.msk vm3, v4  }
0x236: {  	[tilespmem:v7+s29+$0x0] =	vst.idx.msk vm1, v61  }
0x237: {  	[tilespmem:v10+s30+$0x0] =	vst.idx.add.f32.msk vm1, v4  }
0x238: {  	v7 =	vld [tilespmem:$0x2700];
	_ =	sdelay $0x4  }
0x239: {  	vm15 =	vlt.s32 v7, $0x400  }
0x23a: {  	v62 =	vsel vm15, $0x1, v1  }
0x23b: {  	(v2sf) =	vpush v6, $0x0;
	(xrf0) =	vadd.scan.msk.s32 $0xffff, v62;
	_ =	sdelay $0x1  }
0x23c: {  	v6 =	vld.idx.msk [tilespmem:v2+s26+$0x0], $0xffff;
	_ =	sdelay $0x3  }
0x23d: {  	v8, _, _ =	vpop (xrf0)  }
0x23e: {  	v6 =	vadd.s32 v8, v6  }
0x23f: {  	v6 =	vadd.s32 $0xFFFFFFFF, v6  }
0x240: {  	v63 =	vld [tilespmem:$0x4E80];
	_ =	sdelay $0x3  }
0x241: {  	[tilespmem:v6+s28+$0x0] =	vst.idx.msk vm15, v7  }
0x242: {  	[tilespmem:v6+s29+$0x0] =	vst.idx.msk vm15, v63  }
0x243: {  	s22 =	spop (v2sf);
	[tilespmem:v7+s30+$0x0] =	vst.idx.add.f32.msk vm15, v4  }
0x244: {  	[tilespmem:s22+$0x4F00] =	vst v5  }
0x245: {  	[tilespmem:s22+$0x7700] =	vst v1  }
0x246: {  	[tilespmem:s22+$0x4F10] =	vst v5  }
0x247: {  	s11 =	sadd.s32 $0x7F, s22;
	[tilespmem:s22+$0x7710] =	vst v1  }
0x248: {  	s24 =	sand.u32 $0x7F, s11;
	[tilespmem:s22+$0x4F20] =	vst v5  }
0x249: {  	s25 =	sshra.s32 s11, $0x1F;
	p1 =	slt.s32 s11, $0x1;
	p0 =	sne.s32 s24, $0x0;
	[tilespmem:s22+$0x7720] =	vst v1  }
0x24a: {  	s12 =	sshrl.u32 s25, $0x19;
	p0 =	por !p1, !p0;
	[tilespmem:s22+$0x4F30] =	vst v5  }
0x24b: {  	s11 =	sadd.s32 s12, s11;
	s12 =	simm.s32 $0x1;
	p0 =	por !p0, !p0;
	[tilespmem:s22+$0x7730] =	vst v1  }
0x24c: {  	s11 =	sshra.s32 s11, $0x7;
	s12 =	simm.s32 @!p0 $0x0;
	[tilespmem:s22+$0x4F40] =	vst v5  }
0x24d: {  	s12 =	ssub.s32 s11, s12;
	[tilespmem:s22+$0x7740] =	vst v1  }
0x24e: {  	p0 =	slt.s32 s12, $0x1;
	[tilespmem:s22+$0x4F50] =	vst v5  }
.Ltmp31:
0x24f: {  	[tilespmem:s22+$0x7750] =	vst v1;
	(pc) =	sbr.rel @p0 .LBB2_63-.Ltmp31, $4  }
0x250: {  	[tilespmem:s22+$0x4F60] =	vst v5  }
0x251: {  	[tilespmem:s22+$0x7760] =	vst v1  }
0x252: {  	[tilespmem:s22+$0x4F70] =	vst v5  }
0x253: {  	vm13 =	vmmov vm3;
	[tilespmem:s22+$0x7770] =	vst v1  }
0x254: {  	s6 =	simm.s32 $0x0;
	p0 =	por $0x1, $0x1  }
.LBB2_52:
0x255: {  	v6 =	vld [tilespmem:s6+$0x4F00]  }
0x256: {  	v7 =	vld [tilespmem:s6+$0x4F10]  }
0x257: {  	v8 =	vld [tilespmem:s6+$0x4F20]  }
0x258: {  	v9 =	vld [tilespmem:s6+$0x4F30]  }
0x259: {  	v62 =	vld [tilespmem:s6+$0x7720]  }
0x25a: {  	v63 =	vld [tilespmem:s6+$0x7730];
	[tilespmem:s6+$0x9F00] =	vst v6  }
0x25b: {  	v6 =	vld [tilespmem:s6+$0x7700];
	[tilespmem:s6+$0x9F10] =	vst v7  }
0x25c: {  	p1 =	por p0, p0;
	v7 =	vld [tilespmem:s6+$0x7710];
	[tilespmem:s6+$0x9F20] =	vst v8  }
.Ltmp32:
0x25d: {  	[tilespmem:s6+$0x9F30] =	vst v9;
	(pc) =	sbr.rel @p1 .LBB2_52-.Ltmp32, $4  }
0x25e: {  	[tilespmem:s6+$0x9FA0] =	vst v62  }
0x25f: {  	[tilespmem:s6+$0x9FB0] =	vst v63  }
0x260: {  	[tilespmem:s6+$0x9F80] =	vst v6  }
0x261: {  	p0 =	por $0x0, $0x0;
	[tilespmem:s6+$0x9F90] =	vst v7;
	s6 =	simm.s32 $0x40  }
0x262: {  	p0 =	seq.s32 s12, $0x1  }
.Ltmp33:
0x263: {  	_ = 	snop;
	(pc) =	sbr.rel @p0 .LBB2_63-.Ltmp33, $2  }
0x264: {  	_ =	sdelay $0x2  }
0x265: {  	[tilespmem:s19], [sflag:$0x1] =	stream.indirect.gather [hbm4b:s2+s31], $0x80, s1, s31, $0xb8;
	[tilespmem:$0x1F400] =	vst v63  }
0x266: {  	s6 =	simm.s32 $0x0;
	p0 =	por $0x1, $0x1  }
.LBB2_55:
0x267: {  	v6 =	vld [tilespmem:s6+$0x4F80]  }
0x268: {  	v7 =	vld [tilespmem:s6+$0x4F90]  }
0x269: {  	v8 =	vld [tilespmem:s6+$0x4FA0]  }
0x26a: {  	v9 =	vld [tilespmem:s6+$0x4FB0]  }
0x26b: {  	v62 =	vld [tilespmem:s6+$0x77A0]  }
0x26c: {  	v63 =	vld [tilespmem:s6+$0x77B0];
	[tilespmem:s6+$0xE000] =	vst v6  }
0x26d: {  	v6 =	vld [tilespmem:s6+$0x7780];
	[tilespmem:s6+$0xE010] =	vst v7  }
0x26e: {  	p1 =	por p0, p0;
	v7 =	vld [tilespmem:s6+$0x7790];
	[tilespmem:s6+$0xE020] =	vst v8  }
.Ltmp34:
0x26f: {  	[tilespmem:s6+$0xE030] =	vst v9;
	(pc) =	sbr.rel @p1 .LBB2_55-.Ltmp34, $4  }
0x270: {  	[tilespmem:s6+$0xE0A0] =	vst v62  }
0x271: {  	[tilespmem:s6+$0xE0B0] =	vst v63  }
0x272: {  	[tilespmem:s6+$0xE080] =	vst v6  }
0x273: {  	p0 =	por $0x0, $0x0;
	[tilespmem:s6+$0xE090] =	vst v7;
	s6 =	simm.s32 $0x40  }
0x274: {  	p0 =	slt.u32 s12, $0x3  }
.Ltmp35:
0x275: {  	_ = 	snop;
	(pc) =	sbr.rel @p0 .LBB2_63-.Ltmp35, $2  }
0x276: {  	_ =	sdelay $0x2  }
0x277: {  	[tilespmem:s18], [sflag:$0x2] =	stream.indirect.gather [hbm4b:s2+s31], $0x80, s4, s31, $0xb8;
	[tilespmem:$0x1F400] =	vst v63  }
0x278: {  	s6 =	simm.s32 $0x0;
	p0 =	por $0x1, $0x1  }
.LBB2_58:
0x279: {  	v6 =	vld [tilespmem:s6+$0x5000]  }
0x27a: {  	v7 =	vld [tilespmem:s6+$0x5010]  }
0x27b: {  	v8 =	vld [tilespmem:s6+$0x5020]  }
0x27c: {  	v9 =	vld [tilespmem:s6+$0x5030]  }
0x27d: {  	v62 =	vld [tilespmem:s6+$0x7820]  }
0x27e: {  	v63 =	vld [tilespmem:s6+$0x7830];
	[tilespmem:s6+$0x12100] =	vst v6  }
0x27f: {  	v6 =	vld [tilespmem:s6+$0x7800];
	[tilespmem:s6+$0x12110] =	vst v7  }
0x280: {  	p1 =	por p0, p0;
	v7 =	vld [tilespmem:s6+$0x7810];
	[tilespmem:s6+$0x12120] =	vst v8  }
.Ltmp36:
0x281: {  	[tilespmem:s6+$0x12130] =	vst v9;
	(pc) =	sbr.rel @p1 .LBB2_58-.Ltmp36, $4  }
0x282: {  	[tilespmem:s6+$0x121A0] =	vst v62  }
0x283: {  	[tilespmem:s6+$0x121B0] =	vst v63  }
0x284: {  	[tilespmem:s6+$0x12180] =	vst v6  }
0x285: {  	p0 =	por $0x0, $0x0;
	[tilespmem:s6+$0x12190] =	vst v7;
	s6 =	simm.s32 $0x40  }
0x286: {  	p0 =	seq.s32 s12, $0x3  }
.Ltmp37:
0x287: {  	_ = 	snop;
	(pc) =	sbr.rel @p0 .LBB2_63-.Ltmp37, $2  }
0x288: {  	_ =	sdelay $0x2  }
0x289: {  	[tilespmem:s8], [sflag:$0x3] =	stream.indirect.gather [hbm4b:s2+s31], $0x80, s7, s31, $0xb8;
	[tilespmem:$0x1F400] =	vst v63  }
0x28a: {  	s6 =	simm.s32 $0x0;
	p0 =	por $0x1, $0x1  }
.LBB2_61:
0x28b: {  	v6 =	vld [tilespmem:s6+$0x5080]  }
0x28c: {  	v7 =	vld [tilespmem:s6+$0x5090]  }
0x28d: {  	v8 =	vld [tilespmem:s6+$0x50A0]  }
0x28e: {  	v9 =	vld [tilespmem:s6+$0x50B0]  }
0x28f: {  	v62 =	vld [tilespmem:s6+$0x78A0]  }
0x290: {  	v63 =	vld [tilespmem:s6+$0x78B0];
	[tilespmem:s6+$0x16200] =	vst v6  }
0x291: {  	v6 =	vld [tilespmem:s6+$0x7880];
	[tilespmem:s6+$0x16210] =	vst v7  }
0x292: {  	p1 =	por p0, p0;
	v7 =	vld [tilespmem:s6+$0x7890];
	[tilespmem:s6+$0x16220] =	vst v8  }
.Ltmp38:
0x293: {  	[tilespmem:s6+$0x16230] =	vst v9;
	(pc) =	sbr.rel @p1 .LBB2_61-.Ltmp38, $4  }
0x294: {  	[tilespmem:s6+$0x162A0] =	vst v62  }
0x295: {  	[tilespmem:s6+$0x162B0] =	vst v63  }
0x296: {  	[tilespmem:s6+$0x16280] =	vst v6  }
0x297: {  	p0 =	por $0x0, $0x0;
	[tilespmem:s6+$0x16290] =	vst v7;
	s6 =	simm.s32 $0x40  }
0x298: {  	[tilespmem:s10], [sflag:$0x4] =	stream.indirect.gather [hbm4b:s2+s31], $0x80, s9, s31, $0xb8;
	[tilespmem:$0x1F400] =	vst v63  }
.LBB2_63:
0x299: {  	s6 =	sadd.s32 $0x3, s12  }
0x29a: {  	s11 =	sand.u32 $0x3, s6  }
0x29b: {  	p0 =	slt.s32 s12, $0xFFFFFFFE;
	p1 =	sne.s32 s11, $0x0  }
0x29c: {  	s25 =	sshrl.u32 s6, $0x1E;
	p0 =	por !p0, !p1  }
0x29d: {  	s6 =	sadd.s32 s25, s6;
	s11 =	simm.s32 $0x1;
	p0 =	por !p0, !p0  }
0x29e: {  	s6 =	sshra.s32 s6, $0x2;
	s11 =	simm.s32 @!p0 $0x0  }
0x29f: {  	s13 =	ssub.s32 s6, s11  }
0x2a0: {  	p0 =	slt.s32 s13, $0x1  }
.Ltmp39:
0x2a1: {  	_ = 	snop;
	(pc) =	sbr.rel @p0 .LBB2_82-.Ltmp39, $1  }
0x2a2: {  	_ =	sdelay $0x3  }
.Ltmp40:
0x2a3: {  	(pc) =	sbr.rel .LBB2_65-.Ltmp40, $3  }
0x2a4: {  	_ =	sdelay $0x1  }
0x2a5: {  	s14 =	sadd.s32 $0xFFFFFFFF, s12  }
0x2a6: {  	s15 =	sadd.s32 $0xFFFFFFFE, s12;
	s16 =	sadd.s32 $0xFFFFFFFD, s12;
	s17 =	simm.s32 $0x0  }
.LBB2_81:
0x2a7: {  	s17 =	sadd.s32 $0x1, s17  }
0x2a8: {  	p0 =	sne.s32 s17, s13  }
.Ltmp41:
0x2a9: {  	_ = 	snop;
	(pc) =	sbr.rel @!p0 .LBB2_82-.Ltmp41, $1  }
0x2aa: {  	_ =	sdelay $0x3  }
.LBB2_65:
0x2ab: {  	s24 =	sshll.u32 s17, $0x2  }
0x2ac: {  	p0 =	sge.s32 s24, s12  }
0x2ad: {  	s6 =	simm.s32 @!p0 $0x1  }
0x2ae: {  	_ =	swait.ge @!p0 [sflag:s6], $0x4000  }
0x2af: {  	s11 =	simm.s32 @!p0 $0x9F00;
	[sflag:s6] =	ssyncset.done @!p0 $0x0  }
0x2b0: {  	s20 =	simm.s32 @!p0 $0xA000;
	[sflag:s6] =	ssyncadd.s32 @!p0 $0xFFFFC000;
	s6 =	simm.s32 @!p0 $0x80  }
0x2b1: {  	[spmem:s5] =	stream.indirect.scatter.add.f32 @!p0 [tilespmem:s20], [sflag:$0x7], $0x80, s11, s6, $0xb8;
	[tilespmem:$0x1F400] =	vst v63  }
0x2b2: {  	s6 =	sadd.s32 @!p0 $0x4, s24  }
0x2b3: {  	p1 =	sge.s32 @!p0 s6, s12  }
0x2b4: {  	p1 =	por p0, p1  }
.Ltmp42:
0x2b5: {  	_ = 	snop;
	(pc) =	sbr.rel @p1 .LBB2_69-.Ltmp42, $4  }
0x2b6: {  	s11 =	simm.s32 @!p0 $0x7  }
0x2b7: {  	_ =	swait.ge @!p0 [sflag:s11], $0x4000  }
0x2b8: {  	[sflag:s11] =	ssyncset.done @!p0 $0x0  }
0x2b9: {  	[sflag:s11] =	ssyncadd.s32 @!p0 $0xFFFFC000  }
0x2ba: {  	s25 =	sshll.u32 s6, $0x7;
	s6 =	simm.s32 $0x0;
	p0 =	por $0x1, $0x1  }
.LBB2_67:
0x2bb: {  	s11 =	sor.u32 s25, s6  }
0x2bc: {  	v6 =	vld [tilespmem:s11+$0x4F00];
	s20 =	sor.u32 $0x10, s11  }
0x2bd: {  	s21 =	sor.u32 $0x20, s11;
	v7 =	vld [tilespmem:s20+$0x4F00]  }
0x2be: {  	s22 =	sor.u32 $0x30, s11;
	v8 =	vld [tilespmem:s21+$0x4F00]  }
0x2bf: {  	v9 =	vld [tilespmem:s22+$0x4F00];
	_ =	sdelay $0x1  }
0x2c0: {  	[tilespmem:s6+$0x9F00] =	vst v6  }
0x2c1: {  	v6 =	vld [tilespmem:s11+$0x7700];
	[tilespmem:s6+$0x9F10] =	vst v7  }
0x2c2: {  	[tilespmem:s6+$0x9F20] =	vst v8;
	v7 =	vld [tilespmem:s20+$0x7700]  }
0x2c3: {  	[tilespmem:s6+$0x9F30] =	vst v9;
	v8 =	vld [tilespmem:s21+$0x7700]  }
0x2c4: {  	p1 =	por p0, p0;
	v9 =	vld [tilespmem:s22+$0x7700]  }
.Ltmp43:
0x2c5: {  	_ = 	snop;
	(pc) =	sbr.rel @p1 .LBB2_67-.Ltmp43, $4  }
0x2c6: {  	[tilespmem:s6+$0x9F80] =	vst v6  }
0x2c7: {  	[tilespmem:s6+$0x9F90] =	vst v7  }
0x2c8: {  	[tilespmem:s6+$0x9FA0] =	vst v8  }
0x2c9: {  	p0 =	por $0x0, $0x0;
	[tilespmem:s6+$0x9FB0] =	vst v9;
	s6 =	simm.s32 $0x40  }
0x2ca: {  	[tilespmem:s19], [sflag:$0x1] =	stream.indirect.gather [hbm4b:s2+s31], $0x80, s1, s31, $0xb8;
	[tilespmem:$0x1F400] =	vst v63  }
.LBB2_69:
0x2cb: {  	p0 =	sge.s32 s24, s14  }
0x2cc: {  	s6 =	simm.s32 @!p0 $0x2  }
0x2cd: {  	_ =	swait.ge @!p0 [sflag:s6], $0x4000  }
0x2ce: {  	s11 =	simm.s32 @!p0 $0xE000;
	[sflag:s6] =	ssyncset.done @!p0 $0x0  }
0x2cf: {  	s20 =	simm.s32 @!p0 $0xE100;
	[sflag:s6] =	ssyncadd.s32 @!p0 $0xFFFFC000;
	s6 =	simm.s32 @!p0 $0x80  }
0x2d0: {  	[spmem:s5] =	stream.indirect.scatter.add.f32 @!p0 [tilespmem:s20], [sflag:$0x7], $0x80, s11, s6, $0xb8;
	[tilespmem:$0x1F400] =	vst v63  }
0x2d1: {  	s6 =	sadd.s32 @!p0 $0x5, s24  }
0x2d2: {  	p1 =	sge.s32 @!p0 s6, s12  }
0x2d3: {  	p1 =	por p0, p1  }
.Ltmp44:
0x2d4: {  	_ = 	snop;
	(pc) =	sbr.rel @p1 .LBB2_73-.Ltmp44, $4  }
0x2d5: {  	s11 =	simm.s32 @!p0 $0x7  }
0x2d6: {  	_ =	swait.ge @!p0 [sflag:s11], $0x4000  }
0x2d7: {  	[sflag:s11] =	ssyncset.done @!p0 $0x0  }
0x2d8: {  	[sflag:s11] =	ssyncadd.s32 @!p0 $0xFFFFC000  }
0x2d9: {  	s25 =	sshll.u32 s6, $0x7;
	s6 =	simm.s32 $0x0;
	p0 =	por $0x1, $0x1  }
.LBB2_71:
0x2da: {  	s11 =	sor.u32 s25, s6  }
0x2db: {  	v6 =	vld [tilespmem:s11+$0x4F00];
	s20 =	sor.u32 $0x10, s11  }
0x2dc: {  	s21 =	sor.u32 $0x20, s11;
	v7 =	vld [tilespmem:s20+$0x4F00]  }
0x2dd: {  	s22 =	sor.u32 $0x30, s11;
	v8 =	vld [tilespmem:s21+$0x4F00]  }
0x2de: {  	v9 =	vld [tilespmem:s22+$0x4F00];
	_ =	sdelay $0x1  }
0x2df: {  	[tilespmem:s6+$0xE000] =	vst v6  }
0x2e0: {  	v6 =	vld [tilespmem:s11+$0x7700];
	[tilespmem:s6+$0xE010] =	vst v7  }
0x2e1: {  	[tilespmem:s6+$0xE020] =	vst v8;
	v7 =	vld [tilespmem:s20+$0x7700]  }
0x2e2: {  	[tilespmem:s6+$0xE030] =	vst v9;
	v8 =	vld [tilespmem:s21+$0x7700]  }
0x2e3: {  	p1 =	por p0, p0;
	v9 =	vld [tilespmem:s22+$0x7700]  }
.Ltmp45:
0x2e4: {  	_ = 	snop;
	(pc) =	sbr.rel @p1 .LBB2_71-.Ltmp45, $4  }
0x2e5: {  	[tilespmem:s6+$0xE080] =	vst v6  }
0x2e6: {  	[tilespmem:s6+$0xE090] =	vst v7  }
0x2e7: {  	[tilespmem:s6+$0xE0A0] =	vst v8  }
0x2e8: {  	p0 =	por $0x0, $0x0;
	[tilespmem:s6+$0xE0B0] =	vst v9;
	s6 =	simm.s32 $0x40  }
0x2e9: {  	[tilespmem:s18], [sflag:$0x2] =	stream.indirect.gather [hbm4b:s2+s31], $0x80, s4, s31, $0xb8;
	[tilespmem:$0x1F400] =	vst v63  }
.LBB2_73:
0x2ea: {  	p0 =	sge.s32 s24, s15  }
0x2eb: {  	s6 =	simm.s32 @!p0 $0x3  }
0x2ec: {  	_ =	swait.ge @!p0 [sflag:s6], $0x4000  }
0x2ed: {  	s11 =	simm.s32 @!p0 $0x12100;
	[sflag:s6] =	ssyncset.done @!p0 $0x0  }
0x2ee: {  	s20 =	simm.s32 @!p0 $0x12200;
	[sflag:s6] =	ssyncadd.s32 @!p0 $0xFFFFC000;
	s6 =	simm.s32 @!p0 $0x80  }
0x2ef: {  	[spmem:s5] =	stream.indirect.scatter.add.f32 @!p0 [tilespmem:s20], [sflag:$0x7], $0x80, s11, s6, $0xb8;
	[tilespmem:$0x1F400] =	vst v63  }
0x2f0: {  	s6 =	sadd.s32 @!p0 $0x6, s24  }
0x2f1: {  	p1 =	sge.s32 @!p0 s6, s12  }
0x2f2: {  	p1 =	por p0, p1  }
.Ltmp46:
0x2f3: {  	_ = 	snop;
	(pc) =	sbr.rel @p1 .LBB2_77-.Ltmp46, $4  }
0x2f4: {  	s11 =	simm.s32 @!p0 $0x7  }
0x2f5: {  	_ =	swait.ge @!p0 [sflag:s11], $0x4000  }
0x2f6: {  	[sflag:s11] =	ssyncset.done @!p0 $0x0  }
0x2f7: {  	[sflag:s11] =	ssyncadd.s32 @!p0 $0xFFFFC000  }
0x2f8: {  	s25 =	sshll.u32 s6, $0x7;
	s6 =	simm.s32 $0x0;
	p0 =	por $0x1, $0x1  }
.LBB2_75:
0x2f9: {  	s11 =	sor.u32 s25, s6  }
0x2fa: {  	v6 =	vld [tilespmem:s11+$0x4F00];
	s20 =	sor.u32 $0x10, s11  }
0x2fb: {  	s21 =	sor.u32 $0x20, s11;
	v7 =	vld [tilespmem:s20+$0x4F00]  }
0x2fc: {  	s22 =	sor.u32 $0x30, s11;
	v8 =	vld [tilespmem:s21+$0x4F00]  }
0x2fd: {  	v9 =	vld [tilespmem:s22+$0x4F00];
	_ =	sdelay $0x1  }
0x2fe: {  	[tilespmem:s6+$0x12100] =	vst v6  }
0x2ff: {  	v6 =	vld [tilespmem:s11+$0x7700];
	[tilespmem:s6+$0x12110] =	vst v7  }
0x300: {  	[tilespmem:s6+$0x12120] =	vst v8;
	v7 =	vld [tilespmem:s20+$0x7700]  }
0x301: {  	[tilespmem:s6+$0x12130] =	vst v9;
	v8 =	vld [tilespmem:s21+$0x7700]  }
0x302: {  	p1 =	por p0, p0;
	v9 =	vld [tilespmem:s22+$0x7700]  }
.Ltmp47:
0x303: {  	_ = 	snop;
	(pc) =	sbr.rel @p1 .LBB2_75-.Ltmp47, $4  }
0x304: {  	[tilespmem:s6+$0x12180] =	vst v6  }
0x305: {  	[tilespmem:s6+$0x12190] =	vst v7  }
0x306: {  	[tilespmem:s6+$0x121A0] =	vst v8  }
0x307: {  	p0 =	por $0x0, $0x0;
	[tilespmem:s6+$0x121B0] =	vst v9;
	s6 =	simm.s32 $0x40  }
0x308: {  	[tilespmem:s8], [sflag:$0x3] =	stream.indirect.gather [hbm4b:s2+s31], $0x80, s7, s31, $0xb8;
	[tilespmem:$0x1F400] =	vst v63  }
.LBB2_77:
0x309: {  	p0 =	sge.s32 s24, s16  }
0x30a: {  	s6 =	simm.s32 @!p0 $0x4  }
0x30b: {  	_ =	swait.ge @!p0 [sflag:s6], $0x4000  }
0x30c: {  	s11 =	simm.s32 @!p0 $0x16200;
	[sflag:s6] =	ssyncset.done @!p0 $0x0  }
0x30d: {  	s20 =	simm.s32 @!p0 $0x16300;
	[sflag:s6] =	ssyncadd.s32 @!p0 $0xFFFFC000;
	s6 =	simm.s32 @!p0 $0x80  }
0x30e: {  	[spmem:s5] =	stream.indirect.scatter.add.f32 @!p0 [tilespmem:s20], [sflag:$0x7], $0x80, s11, s6, $0xb8;
	[tilespmem:$0x1F400] =	vst v63  }
0x30f: {  	s6 =	sadd.s32 @!p0 $0x7, s24  }
0x310: {  	p1 =	sge.s32 @!p0 s6, s12  }
0x311: {  	p1 =	por p0, p1  }
.Ltmp48:
0x312: {  	_ = 	snop;
	(pc) =	sbr.rel @p1 .LBB2_81-.Ltmp48, $4  }
0x313: {  	s11 =	simm.s32 @!p0 $0x7  }
0x314: {  	_ =	swait.ge @!p0 [sflag:s11], $0x4000  }
0x315: {  	[sflag:s11] =	ssyncset.done @!p0 $0x0  }
0x316: {  	[sflag:s11] =	ssyncadd.s32 @!p0 $0xFFFFC000  }
0x317: {  	s24 =	sshll.u32 s6, $0x7;
	s6 =	simm.s32 $0x0;
	p0 =	por $0x1, $0x1  }
.LBB2_79:
0x318: {  	s11 =	sor.u32 s24, s6  }
0x319: {  	v6 =	vld [tilespmem:s11+$0x4F00];
	s20 =	sor.u32 $0x10, s11  }
0x31a: {  	s21 =	sor.u32 $0x20, s11;
	v7 =	vld [tilespmem:s20+$0x4F00]  }
0x31b: {  	s22 =	sor.u32 $0x30, s11;
	v8 =	vld [tilespmem:s21+$0x4F00]  }
0x31c: {  	v9 =	vld [tilespmem:s22+$0x4F00];
	_ =	sdelay $0x1  }
0x31d: {  	[tilespmem:s6+$0x16200] =	vst v6  }
0x31e: {  	v6 =	vld [tilespmem:s11+$0x7700];
	[tilespmem:s6+$0x16210] =	vst v7  }
0x31f: {  	[tilespmem:s6+$0x16220] =	vst v8;
	v7 =	vld [tilespmem:s20+$0x7700]  }
0x320: {  	[tilespmem:s6+$0x16230] =	vst v9;
	v8 =	vld [tilespmem:s21+$0x7700]  }
0x321: {  	p1 =	por p0, p0;
	v9 =	vld [tilespmem:s22+$0x7700]  }
.Ltmp49:
0x322: {  	_ = 	snop;
	(pc) =	sbr.rel @p1 .LBB2_79-.Ltmp49, $4  }
0x323: {  	[tilespmem:s6+$0x16280] =	vst v6  }
0x324: {  	[tilespmem:s6+$0x16290] =	vst v7  }
0x325: {  	[tilespmem:s6+$0x162A0] =	vst v8  }
0x326: {  	p0 =	por $0x0, $0x0;
	[tilespmem:s6+$0x162B0] =	vst v9;
	s6 =	simm.s32 $0x40  }
.Ltmp50:
0x327: {  	(pc) =	sbr.rel .LBB2_81-.Ltmp50, $2  }
0x328: {  	_ =	sdelay $0x2  }
0x329: {  	[tilespmem:s10], [sflag:$0x4] =	stream.indirect.gather [hbm4b:s2+s31], $0x80, s9, s31, $0xb8;
	[tilespmem:$0x1F400] =	vst v63  }
.LBB2_83:
0x32a: {  	_ =	sfence.sel $0x180000  }
0x32b: {  	[bflag:$0x0] =	sbarrier.arrive $0xFFFF  }
0x32c: {  	_ =	strace $0x90000047  }
0x32d: {  	s0 =	stileid.u32;
	[bflag:$0x2] =	sbarrier.arrive $0xFFFF  }
0x32e: {  	p0 =	sne.s32 s0, $0x0;
	s0 =	rddreg [dreg:$0x7]  }
0x32f: {  	s0 =	sadd.s32 @!p0 $0x100000, s0  }
0x330: {  	[sflag:s0] =	ssyncadd.tile.s32 @!p0 $0x1;
	_ =	shalt  }
.Lfunc_end2:
_tile_overlayer_lowered:
.L_overlay_start_2:
0x331: {  	(tag) =	ssettag $0x2  }
0x332: {  	s0 =	rddreg [dreg:$0x0];
	s2 =	stileid.u32  }
0x333: {  	s1 =	rddreg [dreg:$0x1];
	p0 =	sne.s32 s2, $0x0  }
0x334: {  	s3 =	rddreg [dreg:$0x2];
	[bflag:$0x3] =	sbarrier.arrive $0xFFFF;
	s2 =	simm.s32 @!p0 $0x1C07  }
0x335: {  	[timem:s3], [sflag:s2] =	dma.local @!p0 [hbm:s0], s1  }
0x336: {  	s0 =	simm.s32 @!p0 $0x7  }
0x337: {  	_ =	swait.ge @!p0 [sflag:s0], s1  }
0x338: {  	s1 =	ssub.s32 @!p0 $0x0, s1;
	[sflag:s0] =	ssyncset.done @!p0 $0x0  }
0x339: {  	[sflag:s0] =	ssyncadd.s32 @!p0 s1  }
0x33a: {  	[bflag:$0x3] =	sbarrier.arrive $0xFFFF  }
0x33b: {  	_ =	shalt  }

</sc_bundles>
